<compile_context>
chip_gen: v7x
topology: tpu7x:2x2x1
jax: 0.10.2.dev20260603
libtpu: 0.0.44.dev20260713+nightly
codegen_flags: <defaults>
</compile_context>

<pallas_src>
import functools

import numpy as np
import jax
import jax.numpy as jnp
from jax import lax
from jax.experimental import pallas as pl
from jax.experimental.pallas import tpu as pltpu
from jax.experimental.pallas import tpu_sc as plsc

ALPHA = 4


def _slow_indices(T: int):
    return [int(v) for v in np.linspace(0, T - 1, T // ALPHA).astype(np.int64)]


def _chunks_for_tile(w, per_w, T):
    lo, hi = w * per_w, (w + 1) * per_w
    out = []
    while lo < hi:
        c, t0 = divmod(lo, T)
        n = min(hi - lo, T - t0)
        out.append((c, t0, n))
        lo += n
    return out


def _make_sc_pack(C, T, S, H, W, idx, dtype):
    info = plsc.get_sparse_core_info()
    NC, NS = info.num_cores, info.num_subcores
    NW = NC * NS
    per_w = (C * T) // NW
    R_slow = C * S

    mesh = plsc.VectorSubcoreMesh(core_axis_name="c", subcore_axis_name="s")

    @functools.partial(
        pl.kernel,
        out_type=[
            jax.ShapeDtypeStruct((C, S, H, W), dtype),
            jax.ShapeDtypeStruct((C, T, H, W), dtype),
        ],
        mesh=mesh,
        scratch_types=[pltpu.SemaphoreType.DMA],
    )
    def sc_pack(src_hbm, slow_hbm, fast_hbm, sem):
        wid = lax.axis_index("s") * NC + lax.axis_index("c")
        for w in range(NW):
            @pl.when(wid == w)
            def _(w=w):
                cps = []
                for c, t0, n in _chunks_for_tile(w, per_w, T):
                    cps.append(
                        pltpu.async_copy(
                            src_hbm.at[c, pl.ds(t0, n)],
                            fast_hbm.at[c, pl.ds(t0, n)],
                            sem,
                        )
                    )
                for r in range(w, R_slow, NW):
                    c, k = divmod(r, S)
                    cps.append(
                        pltpu.async_copy(
                            src_hbm.at[c, pl.ds(idx[k], 1)],
                            slow_hbm.at[c, pl.ds(k, 1)],
                            sem,
                        )
                    )
                for cp in cps:
                    cp.wait()

    return sc_pack


def kernel(frames):
    C, T, H, W = frames.shape
    idx = _slow_indices(T)
    S = len(idx)
    slow, fast = _make_sc_pack(C, T, S, H, W, idx, frames.dtype)(frames)
    return (slow, fast)

# --- scband reference (transcript-rebuilt; emitter-appended) ---
"""Pipeline reference for scband-pack-pathway-31825707663619 (READ-ONLY COPY).

The authoritative reference and input builder live on the scoring server;
editing this copy changes nothing except your own understanding.
"""

import jax, jax.numpy as jnp
import numpy as np

ALPHA = 4

def setup_inputs(seed: int = 0) -> dict:
    key = jax.random.key(seed)
    frames = jax.random.normal(key, (3, 64, 320, 320), dtype=jnp.float32)
    return {"frames": frames}

def reference(frames):
    T = frames.shape[1]
    # torch.linspace(0, T-1, T//alpha).long() -> truncation toward zero
    idx = np.linspace(0, T - 1, T // ALPHA).astype(np.int64)
    idx = jnp.asarray(idx)
    fast_pathway = frames
    slow_pathway = jnp.take(frames, idx, axis=1)
    return (slow_pathway, fast_pathway)

if __name__ == "__main__":
    import jax
    _d = setup_inputs()
    print(jax.jit(kernel)(*tuple(_d.values())))

</pallas_src>

<mosaic_0001>
#map = affine_map<(d0, d1) -> (0, 0, 0, 0)>
module attributes {stable_mosaic.version = 14 : i64} {
  func.func @sc_pack(%arg0: i32, %arg1: i32, %arg2: memref<3x64x320x320xf32, #tpu.memory_space<hbm>>, %arg3: memref<3x16x320x320xf32, #tpu.memory_space<hbm>>, %arg4: memref<3x64x320x320xf32, #tpu.memory_space<hbm>>, %arg5: memref<!tpu.dma_semaphore, #tpu.memory_space<semaphore_mem>>) attributes {dimension_semantics = [#tpu.dimension_semantics<core_parallel>, #tpu.dimension_semantics<subcore_parallel>], iteration_bounds = array<i64: 2, 16>, scalar_prefetch = 0 : i64, scratch_operands = 1 : i64, tpu.core_type = #tpu.core_type<sc_vector_subcore>, window_params = [{transform_indices = #map}, {transform_indices = #map}, {transform_indices = #map}]} {
    %mul3A = arith.constant 2 : i32
    %mul3A_0 = arith.muli %arg1, %mul3A : i32
    %add3A = arith.addi %mul3A_0, %arg0 : i32
    %eq3A = arith.constant 0 : i32
    %eq3A_1 = arith.cmpi eq, %add3A, %eq3A : i32
    %convert_element_type3A = arith.extui %eq3A_1 : i1 to i32
    %cond3A = arith.constant 0 : i32
    %cond3A_2 = arith.cmpi ne, %convert_element_type3A, %cond3A : i32
    scf.if %cond3A_2 {
      %dma_start3A = arith.constant 0 : i32
      %dma_start3A_158 = arith.constant 0 : i32
      %dma_start3A_159 = arith.constant 0 : i32
      %dma_start3A_160 = arith.constant 0 : i32
      %dma_start3A_161 = arith.constant 0 : i32
      %dma_start3A_162 = tpu.memref_slice %arg4[%dma_start3A_158, %dma_start3A_159, %dma_start3A_160, %dma_start3A_161] : memref<3x64x320x320xf32, #tpu.memory_space<hbm>> -> memref<1x6x320x320xf32, #tpu.memory_space<hbm>>
      %dma_start3A_163 = tpu.memref_squeeze %dma_start3A_162 : memref<1x6x320x320xf32, #tpu.memory_space<hbm>> -> memref<6x320x320xf32, #tpu.memory_space<hbm>>
      %dma_start3A_164 = arith.constant 0 : i32
      %dma_start3A_165 = arith.constant 0 : i32
      %dma_start3A_166 = arith.constant 0 : i32
      %dma_start3A_167 = tpu.memref_slice %arg2[%dma_start3A, %dma_start3A_164, %dma_start3A_165, %dma_start3A_166] : memref<3x64x320x320xf32, #tpu.memory_space<hbm>> -> memref<1x6x320x320xf32, #tpu.memory_space<hbm>>
      %dma_start3A_168 = tpu.memref_squeeze %dma_start3A_167 : memref<1x6x320x320xf32, #tpu.memory_space<hbm>> -> memref<6x320x320xf32, #tpu.memory_space<hbm>>
      tpu.enqueue_dma source(%dma_start3A_168 : memref<6x320x320xf32, #tpu.memory_space<hbm>>) target(%dma_start3A_163 : memref<6x320x320xf32, #tpu.memory_space<hbm>>) target_semaphore(%arg5 : memref<!tpu.dma_semaphore, #tpu.memory_space<semaphore_mem>>)
      %dma_start3A_169 = arith.constant 0 : i32
      %dma_start3A_170 = arith.constant 0 : i32
      %dma_start3A_171 = arith.constant 0 : i32
      %dma_start3A_172 = arith.constant 0 : i32
      %dma_start3A_173 = arith.constant 0 : i32
      %dma_start3A_174 = tpu.memref_slice %arg3[%dma_start3A_170, %dma_start3A_171, %dma_start3A_172, %dma_start3A_173] : memref<3x16x320x320xf32, #tpu.memory_space<hbm>> -> memref<1x1x320x320xf32, #tpu.memory_space<hbm>>
      %dma_start3A_175 = tpu.memref_squeeze %dma_start3A_174 : memref<1x1x320x320xf32, #tpu.memory_space<hbm>> -> memref<1x320x320xf32, #tpu.memory_space<hbm>>
      %dma_start3A_176 = arith.constant 0 : i32
      %dma_start3A_177 = arith.constant 0 : i32
      %dma_start3A_178 = arith.constant 0 : i32
      %dma_start3A_179 = tpu.memref_slice %arg2[%dma_start3A_169, %dma_start3A_176, %dma_start3A_177, %dma_start3A_178] : memref<3x64x320x320xf32, #tpu.memory_space<hbm>> -> memref<1x1x320x320xf32, #tpu.memory_space<hbm>>
      %dma_start3A_180 = tpu.memref_squeeze %dma_start3A_179 : memref<1x1x320x320xf32, #tpu.memory_space<hbm>> -> memref<1x320x320xf32, #tpu.memory_space<hbm>>
      tpu.enqueue_dma source(%dma_start3A_180 : memref<1x320x320xf32, #tpu.memory_space<hbm>>) target(%dma_start3A_175 : memref<1x320x320xf32, #tpu.memory_space<hbm>>) target_semaphore(%arg5 : memref<!tpu.dma_semaphore, #tpu.memory_space<semaphore_mem>>)
      %dma_start3A_181 = arith.constant 2 : i32
      %dma_start3A_182 = arith.constant 2 : i32
      %dma_start3A_183 = arith.constant 0 : i32
      %dma_start3A_184 = arith.constant 0 : i32
      %dma_start3A_185 = arith.constant 0 : i32
      %dma_start3A_186 = tpu.memref_slice %arg3[%dma_start3A_182, %dma_start3A_183, %dma_start3A_184, %dma_start3A_185] : memref<3x16x320x320xf32, #tpu.memory_space<hbm>> -> memref<1x1x320x320xf32, #tpu.memory_space<hbm>>
      %dma_start3A_187 = tpu.memref_squeeze %dma_start3A_186 : memref<1x1x320x320xf32, #tpu.memory_space<hbm>> -> memref<1x320x320xf32, #tpu.memory_space<hbm>>
      %dma_start3A_188 = arith.constant 0 : i32
      %dma_start3A_189 = arith.constant 0 : i32
      %dma_start3A_190 = arith.constant 0 : i32
      %dma_start3A_191 = tpu.memref_slice %arg2[%dma_start3A_181, %dma_start3A_188, %dma_start3A_189, %dma_start3A_190] : memref<3x64x320x320xf32, #tpu.memory_space<hbm>> -> memref<1x1x320x320xf32, #tpu.memory_space<hbm>>
      %dma_start3A_192 = tpu.memref_squeeze %dma_start3A_191 : memref<1x1x320x320xf32, #tpu.memory_space<hbm>> -> memref<1x320x320xf32, #tpu.memory_space<hbm>>
      tpu.enqueue_dma source(%dma_start3A_192 : memref<1x320x320xf32, #tpu.memory_space<hbm>>) target(%dma_start3A_187 : memref<1x320x320xf32, #tpu.memory_space<hbm>>) target_semaphore(%arg5 : memref<!tpu.dma_semaphore, #tpu.memory_space<semaphore_mem>>)
      %dma_wait3A = arith.constant 0 : i32
      %dma_wait3A_193 = arith.constant 0 : i32
      %dma_wait3A_194 = arith.constant 0 : i32
      %dma_wait3A_195 = arith.constant 0 : i32
      %dma_wait3A_196 = arith.constant 0 : i32
      %dma_wait3A_197 = tpu.memref_slice %arg4[%dma_wait3A_193, %dma_wait3A_194, %dma_wait3A_195, %dma_wait3A_196] : memref<3x64x320x320xf32, #tpu.memory_space<hbm>> -> memref<1x6x320x320xf32, #tpu.memory_space<hbm>>
      %dma_wait3A_198 = tpu.memref_squeeze %dma_wait3A_197 : memref<1x6x320x320xf32, #tpu.memory_space<hbm>> -> memref<6x320x320xf32, #tpu.memory_space<hbm>>
      %dma_wait3A_199 = arith.constant 0 : i32
      %dma_wait3A_200 = arith.constant 0 : i32
      %dma_wait3A_201 = arith.constant 0 : i32
      %dma_wait3A_202 = tpu.memref_slice %arg2[%dma_wait3A, %dma_wait3A_199, %dma_wait3A_200, %dma_wait3A_201] : memref<3x64x320x320xf32, #tpu.memory_space<hbm>> -> memref<1x6x320x320xf32, #tpu.memory_space<hbm>>
      %dma_wait3A_203 = tpu.memref_squeeze %dma_wait3A_202 : memref<1x6x320x320xf32, #tpu.memory_space<hbm>> -> memref<6x320x320xf32, #tpu.memory_space<hbm>>
      tpu.wait_dma2 semaphore(%arg5 : memref<!tpu.dma_semaphore, #tpu.memory_space<semaphore_mem>>) src(%dma_wait3A_203 : memref<6x320x320xf32, #tpu.memory_space<hbm>>) dst(%dma_wait3A_198 : memref<6x320x320xf32, #tpu.memory_space<hbm>>)
      %dma_wait3A_204 = arith.constant 0 : i32
      %dma_wait3A_205 = arith.constant 0 : i32
      %dma_wait3A_206 = arith.constant 0 : i32
      %dma_wait3A_207 = arith.constant 0 : i32
      %dma_wait3A_208 = arith.constant 0 : i32
      %dma_wait3A_209 = tpu.memref_slice %arg3[%dma_wait3A_205, %dma_wait3A_206, %dma_wait3A_207, %dma_wait3A_208] : memref<3x16x320x320xf32, #tpu.memory_space<hbm>> -> memref<1x1x320x320xf32, #tpu.memory_space<hbm>>
      %dma_wait3A_210 = tpu.memref_squeeze %dma_wait3A_209 : memref<1x1x320x320xf32, #tpu.memory_space<hbm>> -> memref<1x320x320xf32, #tpu.memory_space<hbm>>
      %dma_wait3A_211 = arith.constant 0 : i32
      %dma_wait3A_212 = arith.constant 0 : i32
      %dma_wait3A_213 = arith.constant 0 : i32
      %dma_wait3A_214 = tpu.memref_slice %arg2[%dma_wait3A_204, %dma_wait3A_211, %dma_wait3A_212, %dma_wait3A_213] : memref<3x64x320x320xf32, #tpu.memory_space<hbm>> -> memref<1x1x320x320xf32, #tpu.memory_space<hbm>>
      %dma_wait3A_215 = tpu.memref_squeeze %dma_wait3A_214 : memref<1x1x320x320xf32, #tpu.memory_space<hbm>> -> memref<1x320x320xf32, #tpu.memory_space<hbm>>
      tpu.wait_dma2 semaphore(%arg5 : memref<!tpu.dma_semaphore, #tpu.memory_space<semaphore_mem>>) src(%dma_wait3A_215 : memref<1x320x320xf32, #tpu.memory_space<hbm>>) dst(%dma_wait3A_210 : memref<1x320x320xf32, #tpu.memory_space<hbm>>)
      %dma_wait3A_216 = arith.constant 2 : i32
      %dma_wait3A_217 = arith.constant 2 : i32
      %dma_wait3A_218 = arith.constant 0 : i32
      %dma_wait3A_219 = arith.constant 0 : i32
      %dma_wait3A_220 = arith.constant 0 : i32
      %dma_wait3A_221 = tpu.memref_slice %arg3[%dma_wait3A_217, %dma_wait3A_218, %dma_wait3A_219, %dma_wait3A_220] : memref<3x16x320x320xf32, #tpu.memory_space<hbm>> -> memref<1x1x320x320xf32, #tpu.memory_space<hbm>>
      %dma_wait3A_222 = tpu.memref_squeeze %dma_wait3A_221 : memref<1x1x320x320xf32, #tpu.memory_space<hbm>> -> memref<1x320x320xf32, #tpu.memory_space<hbm>>
      %dma_wait3A_223 = arith.constant 0 : i32
      %dma_wait3A_224 = arith.constant 0 : i32
      %dma_wait3A_225 = arith.constant 0 : i32
      %dma_wait3A_226 = tpu.memref_slice %arg2[%dma_wait3A_216, %dma_wait3A_223, %dma_wait3A_224, %dma_wait3A_225] : memref<3x64x320x320xf32, #tpu.memory_space<hbm>> -> memref<1x1x320x320xf32, #tpu.memory_space<hbm>>
      %dma_wait3A_227 = tpu.memref_squeeze %dma_wait3A_226 : memref<1x1x320x320xf32, #tpu.memory_space<hbm>> -> memref<1x320x320xf32, #tpu.memory_space<hbm>>
      tpu.wait_dma2 semaphore(%arg5 : memref<!tpu.dma_semaphore, #tpu.memory_space<semaphore_mem>>) src(%dma_wait3A_227 : memref<1x320x320xf32, #tpu.memory_space<hbm>>) dst(%dma_wait3A_222 : memref<1x320x320xf32, #tpu.memory_space<hbm>>)
    } else {
    }
    %eq3A_3 = arith.constant 1 : i32
    %eq3A_4 = arith.cmpi eq, %add3A, %eq3A_3 : i32
    %convert_element_type3A_5 = arith.extui %eq3A_4 : i1 to i32
    %cond3A_6 = arith.constant 0 : i32
    %cond3A_7 = arith.cmpi ne, %convert_element_type3A_5, %cond3A_6 : i32
    scf.if %cond3A_7 {
      %dma_start3A = arith.constant 0 : i32
      %dma_start3A_158 = arith.constant 0 : i32
      %dma_start3A_159 = arith.constant 6 : i32
      %dma_start3A_160 = arith.constant 0 : i32
      %dma_start3A_161 = arith.constant 0 : i32
      %dma_start3A_162 = tpu.memref_slice %arg4[%dma_start3A_158, %dma_start3A_159, %dma_start3A_160, %dma_start3A_161] : memref<3x64x320x320xf32, #tpu.memory_space<hbm>> -> memref<1x6x320x320xf32, #tpu.memory_space<hbm>>
      %dma_start3A_163 = tpu.memref_squeeze %dma_start3A_162 : memref<1x6x320x320xf32, #tpu.memory_space<hbm>> -> memref<6x320x320xf32, #tpu.memory_space<hbm>>
      %dma_start3A_164 = arith.constant 6 : i32
      %dma_start3A_165 = arith.constant 0 : i32
      %dma_start3A_166 = arith.constant 0 : i32
      %dma_start3A_167 = tpu.memref_slice %arg2[%dma_start3A, %dma_start3A_164, %dma_start3A_165, %dma_start3A_166] : memref<3x64x320x320xf32, #tpu.memory_space<hbm>> -> memref<1x6x320x320xf32, #tpu.memory_space<hbm>>
      %dma_start3A_168 = tpu.memref_squeeze %dma_start3A_167 : memref<1x6x320x320xf32, #tpu.memory_space<hbm>> -> memref<6x320x320xf32, #tpu.memory_space<hbm>>
      tpu.enqueue_dma source(%dma_start3A_168 : memref<6x320x320xf32, #tpu.memory_space<hbm>>) target(%dma_start3A_163 : memref<6x320x320xf32, #tpu.memory_space<hbm>>) target_semaphore(%arg5 : memref<!tpu.dma_semaphore, #tpu.memory_space<semaphore_mem>>)
      %dma_start3A_169 = arith.constant 0 : i32
      %dma_start3A_170 = arith.constant 0 : i32
      %dma_start3A_171 = arith.constant 1 : i32
      %dma_start3A_172 = arith.constant 0 : i32
      %dma_start3A_173 = arith.constant 0 : i32
      %dma_start3A_174 = tpu.memref_slice %arg3[%dma_start3A_170, %dma_start3A_171, %dma_start3A_172, %dma_start3A_173] : memref<3x16x320x320xf32, #tpu.memory_space<hbm>> -> memref<1x1x320x320xf32, #tpu.memory_space<hbm>>
      %dma_start3A_175 = tpu.memref_squeeze %dma_start3A_174 : memref<1x1x320x320xf32, #tpu.memory_space<hbm>> -> memref<1x320x320xf32, #tpu.memory_space<hbm>>
      %dma_start3A_176 = arith.constant 4 : i32
      %dma_start3A_177 = arith.constant 0 : i32
      %dma_start3A_178 = arith.constant 0 : i32
      %dma_start3A_179 = tpu.memref_slice %arg2[%dma_start3A_169, %dma_start3A_176, %dma_start3A_177, %dma_start3A_178] : memref<3x64x320x320xf32, #tpu.memory_space<hbm>> -> memref<1x1x320x320xf32, #tpu.memory_space<hbm>>
      %dma_start3A_180 = tpu.memref_squeeze %dma_start3A_179 : memref<1x1x320x320xf32, #tpu.memory_space<hbm>> -> memref<1x320x320xf32, #tpu.memory_space<hbm>>
      tpu.enqueue_dma source(%dma_start3A_180 : memref<1x320x320xf32, #tpu.memory_space<hbm>>) target(%dma_start3A_175 : memref<1x320x320xf32, #tpu.memory_space<hbm>>) target_semaphore(%arg5 : memref<!tpu.dma_semaphore, #tpu.memory_space<semaphore_mem>>)
      %dma_start3A_181 = arith.constant 2 : i32
      %dma_start3A_182 = arith.constant 2 : i32
      %dma_start3A_183 = arith.constant 1 : i32
      %dma_start3A_184 = arith.constant 0 : i32
      %dma_start3A_185 = arith.constant 0 : i32
      %dma_start3A_186 = tpu.memref_slice %arg3[%dma_start3A_182, %dma_start3A_183, %dma_start3A_184, %dma_start3A_185] : memref<3x16x320x320xf32, #tpu.memory_space<hbm>> -> memref<1x1x320x320xf32, #tpu.memory_space<hbm>>
      %dma_start3A_187 = tpu.memref_squeeze %dma_start3A_186 : memref<1x1x320x320xf32, #tpu.memory_space<hbm>> -> memref<1x320x320xf32, #tpu.memory_space<hbm>>
      %dma_start3A_188 = arith.constant 4 : i32
      %dma_start3A_189 = arith.constant 0 : i32
      %dma_start3A_190 = arith.constant 0 : i32
      %dma_start3A_191 = tpu.memref_slice %arg2[%dma_start3A_181, %dma_start3A_188, %dma_start3A_189, %dma_start3A_190] : memref<3x64x320x320xf32, #tpu.memory_space<hbm>> -> memref<1x1x320x320xf32, #tpu.memory_space<hbm>>
      %dma_start3A_192 = tpu.memref_squeeze %dma_start3A_191 : memref<1x1x320x320xf32, #tpu.memory_space<hbm>> -> memref<1x320x320xf32, #tpu.memory_space<hbm>>
      tpu.enqueue_dma source(%dma_start3A_192 : memref<1x320x320xf32, #tpu.memory_space<hbm>>) target(%dma_start3A_187 : memref<1x320x320xf32, #tpu.memory_space<hbm>>) target_semaphore(%arg5 : memref<!tpu.dma_semaphore, #tpu.memory_space<semaphore_mem>>)
      %dma_wait3A = arith.constant 0 : i32
      %dma_wait3A_193 = arith.constant 0 : i32
      %dma_wait3A_194 = arith.constant 6 : i32
      %dma_wait3A_195 = arith.constant 0 : i32
      %dma_wait3A_196 = arith.constant 0 : i32
      %dma_wait3A_197 = tpu.memref_slice %arg4[%dma_wait3A_193, %dma_wait3A_194, %dma_wait3A_195, %dma_wait3A_196] : memref<3x64x320x320xf32, #tpu.memory_space<hbm>> -> memref<1x6x320x320xf32, #tpu.memory_space<hbm>>
      %dma_wait3A_198 = tpu.memref_squeeze %dma_wait3A_197 : memref<1x6x320x320xf32, #tpu.memory_space<hbm>> -> memref<6x320x320xf32, #tpu.memory_space<hbm>>
      %dma_wait3A_199 = arith.constant 6 : i32
      %dma_wait3A_200 = arith.constant 0 : i32
      %dma_wait3A_201 = arith.constant 0 : i32
      %dma_wait3A_202 = tpu.memref_slice %arg2[%dma_wait3A, %dma_wait3A_199, %dma_wait3A_200, %dma_wait3A_201] : memref<3x64x320x320xf32, #tpu.memory_space<hbm>> -> memref<1x6x320x320xf32, #tpu.memory_space<hbm>>
      %dma_wait3A_203 = tpu.memref_squeeze %dma_wait3A_202 : memref<1x6x320x320xf32, #tpu.memory_space<hbm>> -> memref<6x320x320xf32, #tpu.memory_space<hbm>>
      tpu.wait_dma2 semaphore(%arg5 : memref<!tpu.dma_semaphore, #tpu.memory_space<semaphore_mem>>) src(%dma_wait3A_203 : memref<6x320x320xf32, #tpu.memory_space<hbm>>) dst(%dma_wait3A_198 : memref<6x320x320xf32, #tpu.memory_space<hbm>>)
      %dma_wait3A_204 = arith.constant 0 : i32
      %dma_wait3A_205 = arith.constant 0 : i32
      %dma_wait3A_206 = arith.constant 1 : i32
      %dma_wait3A_207 = arith.constant 0 : i32
      %dma_wait3A_208 = arith.constant 0 : i32
      %dma_wait3A_209 = tpu.memref_slice %arg3[%dma_wait3A_205, %dma_wait3A_206, %dma_wait3A_207, %dma_wait3A_208] : memref<3x16x320x320xf32, #tpu.memory_space<hbm>> -> memref<1x1x320x320xf32, #tpu.memory_space<hbm>>
      %dma_wait3A_210 = tpu.memref_squeeze %dma_wait3A_209 : memref<1x1x320x320xf32, #tpu.memory_space<hbm>> -> memref<1x320x320xf32, #tpu.memory_space<hbm>>
      %dma_wait3A_211 = arith.constant 4 : i32
      %dma_wait3A_212 = arith.constant 0 : i32
      %dma_wait3A_213 = arith.constant 0 : i32
      %dma_wait3A_214 = tpu.memref_slice %arg2[%dma_wait3A_204, %dma_wait3A_211, %dma_wait3A_212, %dma_wait3A_213] : memref<3x64x320x320xf32, #tpu.memory_space<hbm>> -> memref<1x1x320x320xf32, #tpu.memory_space<hbm>>
      %dma_wait3A_215 = tpu.memref_squeeze %dma_wait3A_214 : memref<1x1x320x320xf32, #tpu.memory_space<hbm>> -> memref<1x320x320xf32, #tpu.memory_space<hbm>>
      tpu.wait_dma2 semaphore(%arg5 : memref<!tpu.dma_semaphore, #tpu.memory_space<semaphore_mem>>) src(%dma_wait3A_215 : memref<1x320x320xf32, #tpu.memory_space<hbm>>) dst(%dma_wait3A_210 : memref<1x320x320xf32, #tpu.memory_space<hbm>>)
      %dma_wait3A_216 = arith.constant 2 : i32
      %dma_wait3A_217 = arith.constant 2 : i32
      %dma_wait3A_218 = arith.constant 1 : i32
      %dma_wait3A_219 = arith.constant 0 : i32
      %dma_wait3A_220 = arith.constant 0 : i32
      %dma_wait3A_221 = tpu.memref_slice %arg3[%dma_wait3A_217, %dma_wait3A_218, %dma_wait3A_219, %dma_wait3A_220] : memref<3x16x320x320xf32, #tpu.memory_space<hbm>> -> memref<1x1x320x320xf32, #tpu.memory_space<hbm>>
      %dma_wait3A_222 = tpu.memref_squeeze %dma_wait3A_221 : memref<1x1x320x320xf32, #tpu.memory_space<hbm>> -> memref<1x320x320xf32, #tpu.memory_space<hbm>>
      %dma_wait3A_223 = arith.constant 4 : i32
      %dma_wait3A_224 = arith.constant 0 : i32
      %dma_wait3A_225 = arith.constant 0 : i32
      %dma_wait3A_226 = tpu.memref_slice %arg2[%dma_wait3A_216, %dma_wait3A_223, %dma_wait3A_224, %dma_wait3A_225] : memref<3x64x320x320xf32, #tpu.memory_space<hbm>> -> memref<1x1x320x320xf32, #tpu.memory_space<hbm>>
      %dma_wait3A_227 = tpu.memref_squeeze %dma_wait3A_226 : memref<1x1x320x320xf32, #tpu.memory_space<hbm>> -> memref<1x320x320xf32, #tpu.memory_space<hbm>>
      tpu.wait_dma2 semaphore(%arg5 : memref<!tpu.dma_semaphore, #tpu.memory_space<semaphore_mem>>) src(%dma_wait3A_227 : memref<1x320x320xf32, #tpu.memory_space<hbm>>) dst(%dma_wait3A_222 : memref<1x320x320xf32, #tpu.memory_space<hbm>>)
    } else {
    }
    %eq3A_8 = arith.constant 2 : i32
    %eq3A_9 = arith.cmpi eq, %add3A, %eq3A_8 : i32
    %convert_element_type3A_10 = arith.extui %eq3A_9 : i1 to i32
    %cond3A_11 = arith.constant 0 : i32
    %cond3A_12 = arith.cmpi ne, %convert_element_type3A_10, %cond3A_11 : i32
    scf.if %cond3A_12 {
      %dma_start3A = arith.constant 0 : i32
      %dma_start3A_158 = arith.constant 0 : i32
      %dma_start3A_159 = arith.constant 12 : i32
      %dma_start3A_160 = arith.constant 0 : i32
      %dma_start3A_161 = arith.constant 0 : i32
      %dma_start3A_162 = tpu.memref_slice %arg4[%dma_start3A_158, %dma_start3A_159, %dma_start3A_160, %dma_start3A_161] : memref<3x64x320x320xf32, #tpu.memory_space<hbm>> -> memref<1x6x320x320xf32, #tpu.memory_space<hbm>>
      %dma_start3A_163 = tpu.memref_squeeze %dma_start3A_162 : memref<1x6x320x320xf32, #tpu.memory_space<hbm>> -> memref<6x320x320xf32, #tpu.memory_space<hbm>>
      %dma_start3A_164 = arith.constant 12 : i32
      %dma_start3A_165 = arith.constant 0 : i32
      %dma_start3A_166 = arith.constant 0 : i32
      %dma_start3A_167 = tpu.memref_slice %arg2[%dma_start3A, %dma_start3A_164, %dma_start3A_165, %dma_start3A_166] : memref<3x64x320x320xf32, #tpu.memory_space<hbm>> -> memref<1x6x320x320xf32, #tpu.memory_space<hbm>>
      %dma_start3A_168 = tpu.memref_squeeze %dma_start3A_167 : memref<1x6x320x320xf32, #tpu.memory_space<hbm>> -> memref<6x320x320xf32, #tpu.memory_space<hbm>>
      tpu.enqueue_dma source(%dma_start3A_168 : memref<6x320x320xf32, #tpu.memory_space<hbm>>) target(%dma_start3A_163 : memref<6x320x320xf32, #tpu.memory_space<hbm>>) target_semaphore(%arg5 : memref<!tpu.dma_semaphore, #tpu.memory_space<semaphore_mem>>)
      %dma_start3A_169 = arith.constant 0 : i32
      %dma_start3A_170 = arith.constant 0 : i32
      %dma_start3A_171 = arith.constant 2 : i32
      %dma_start3A_172 = arith.constant 0 : i32
      %dma_start3A_173 = arith.constant 0 : i32
      %dma_start3A_174 = tpu.memref_slice %arg3[%dma_start3A_170, %dma_start3A_171, %dma_start3A_172, %dma_start3A_173] : memref<3x16x320x320xf32, #tpu.memory_space<hbm>> -> memref<1x1x320x320xf32, #tpu.memory_space<hbm>>
      %dma_start3A_175 = tpu.memref_squeeze %dma_start3A_174 : memref<1x1x320x320xf32, #tpu.memory_space<hbm>> -> memref<1x320x320xf32, #tpu.memory_space<hbm>>
      %dma_start3A_176 = arith.constant 8 : i32
      %dma_start3A_177 = arith.constant 0 : i32
      %dma_start3A_178 = arith.constant 0 : i32
      %dma_start3A_179 = tpu.memref_slice %arg2[%dma_start3A_169, %dma_start3A_176, %dma_start3A_177, %dma_start3A_178] : memref<3x64x320x320xf32, #tpu.memory_space<hbm>> -> memref<1x1x320x320xf32, #tpu.memory_space<hbm>>
      %dma_start3A_180 = tpu.memref_squeeze %dma_start3A_179 : memref<1x1x320x320xf32, #tpu.memory_space<hbm>> -> memref<1x320x320xf32, #tpu.memory_space<hbm>>
      tpu.enqueue_dma source(%dma_start3A_180 : memref<1x320x320xf32, #tpu.memory_space<hbm>>) target(%dma_start3A_175 : memref<1x320x320xf32, #tpu.memory_space<hbm>>) target_semaphore(%arg5 : memref<!tpu.dma_semaphore, #tpu.memory_space<semaphore_mem>>)
      %dma_start3A_181 = arith.constant 2 : i32
      %dma_start3A_182 = arith.constant 2 : i32
      %dma_start3A_183 = arith.constant 2 : i32
      %dma_start3A_184 = arith.constant 0 : i32
      %dma_start3A_185 = arith.constant 0 : i32
      %dma_start3A_186 = tpu.memref_slice %arg3[%dma_start3A_182, %dma_start3A_183, %dma_start3A_184, %dma_start3A_185] : memref<3x16x320x320xf32, #tpu.memory_space<hbm>> -> memref<1x1x320x320xf32, #tpu.memory_space<hbm>>
      %dma_start3A_187 = tpu.memref_squeeze %dma_start3A_186 : memref<1x1x320x320xf32, #tpu.memory_space<hbm>> -> memref<1x320x320xf32, #tpu.memory_space<hbm>>
      %dma_start3A_188 = arith.constant 8 : i32
      %dma_start3A_189 = arith.constant 0 : i32
      %dma_start3A_190 = arith.constant 0 : i32
      %dma_start3A_191 = tpu.memref_slice %arg2[%dma_start3A_181, %dma_start3A_188, %dma_start3A_189, %dma_start3A_190] : memref<3x64x320x320xf32, #tpu.memory_space<hbm>> -> memref<1x1x320x320xf32, #tpu.memory_space<hbm>>
      %dma_start3A_192 = tpu.memref_squeeze %dma_start3A_191 : memref<1x1x320x320xf32, #tpu.memory_space<hbm>> -> memref<1x320x320xf32, #tpu.memory_space<hbm>>
      tpu.enqueue_dma source(%dma_start3A_192 : memref<1x320x320xf32, #tpu.memory_space<hbm>>) target(%dma_start3A_187 : memref<1x320x320xf32, #tpu.memory_space<hbm>>) target_semaphore(%arg5 : memref<!tpu.dma_semaphore, #tpu.memory_space<semaphore_mem>>)
      %dma_wait3A = arith.constant 0 : i32
      %dma_wait3A_193 = arith.constant 0 : i32
      %dma_wait3A_194 = arith.constant 12 : i32
      %dma_wait3A_195 = arith.constant 0 : i32
      %dma_wait3A_196 = arith.constant 0 : i32
      %dma_wait3A_197 = tpu.memref_slice %arg4[%dma_wait3A_193, %dma_wait3A_194, %dma_wait3A_195, %dma_wait3A_196] : memref<3x64x320x320xf32, #tpu.memory_space<hbm>> -> memref<1x6x320x320xf32, #tpu.memory_space<hbm>>
      %dma_wait3A_198 = tpu.memref_squeeze %dma_wait3A_197 : memref<1x6x320x320xf32, #tpu.memory_space<hbm>> -> memref<6x320x320xf32, #tpu.memory_space<hbm>>
      %dma_wait3A_199 = arith.constant 12 : i32
      %dma_wait3A_200 = arith.constant 0 : i32
      %dma_wait3A_201 = arith.constant 0 : i32
      %dma_wait3A_202 = tpu.memref_slice %arg2[%dma_wait3A, %dma_wait3A_199, %dma_wait3A_200, %dma_wait3A_201] : memref<3x64x320x320xf32, #tpu.memory_space<hbm>> -> memref<1x6x320x320xf32, #tpu.memory_space<hbm>>
      %dma_wait3A_203 = tpu.memref_squeeze %dma_wait3A_202 : memref<1x6x320x320xf32, #tpu.memory_space<hbm>> -> memref<6x320x320xf32, #tpu.memory_space<hbm>>
      tpu.wait_dma2 semaphore(%arg5 : memref<!tpu.dma_semaphore, #tpu.memory_space<semaphore_mem>>) src(%dma_wait3A_203 : memref<6x320x320xf32, #tpu.memory_space<hbm>>) dst(%dma_wait3A_198 : memref<6x320x320xf32, #tpu.memory_space<hbm>>)
      %dma_wait3A_204 = arith.constant 0 : i32
      %dma_wait3A_205 = arith.constant 0 : i32
      %dma_wait3A_206 = arith.constant 2 : i32
      %dma_wait3A_207 = arith.constant 0 : i32
      %dma_wait3A_208 = arith.constant 0 : i32
      %dma_wait3A_209 = tpu.memref_slice %arg3[%dma_wait3A_205, %dma_wait3A_206, %dma_wait3A_207, %dma_wait3A_208] : memref<3x16x320x320xf32, #tpu.memory_space<hbm>> -> memref<1x1x320x320xf32, #tpu.memory_space<hbm>>
      %dma_wait3A_210 = tpu.memref_squeeze %dma_wait3A_209 : memref<1x1x320x320xf32, #tpu.memory_space<hbm>> -> memref<1x320x320xf32, #tpu.memory_space<hbm>>
      %dma_wait3A_211 = arith.constant 8 : i32
      %dma_wait3A_212 = arith.constant 0 : i32
      %dma_wait3A_213 = arith.constant 0 : i32
      %dma_wait3A_214 = tpu.memref_slice %arg2[%dma_wait3A_204, %dma_wait3A_211, %dma_wait3A_212, %dma_wait3A_213] : memref<3x64x320x320xf32, #tpu.memory_space<hbm>> -> memref<1x1x320x320xf32, #tpu.memory_space<hbm>>
      %dma_wait3A_215 = tpu.memref_squeeze %dma_wait3A_214 : memref<1x1x320x320xf32, #tpu.memory_space<hbm>> -> memref<1x320x320xf32, #tpu.memory_space<hbm>>
      tpu.wait_dma2 semaphore(%arg5 : memref<!tpu.dma_semaphore, #tpu.memory_space<semaphore_mem>>) src(%dma_wait3A_215 : memref<1x320x320xf32, #tpu.memory_space<hbm>>) dst(%dma_wait3A_210 : memref<1x320x320xf32, #tpu.memory_space<hbm>>)
      %dma_wait3A_216 = arith.constant 2 : i32
      %dma_wait3A_217 = arith.constant 2 : i32
      %dma_wait3A_218 = arith.constant 2 : i32
      %dma_wait3A_219 = arith.constant 0 : i32
      %dma_wait3A_220 = arith.constant 0 : i32
      %dma_wait3A_221 = tpu.memref_slice %arg3[%dma_wait3A_217, %dma_wait3A_218, %dma_wait3A_219, %dma_wait3A_220] : memref<3x16x320x320xf32, #tpu.memory_space<hbm>> -> memref<1x1x320x320xf32, #tpu.memory_space<hbm>>
      %dma_wait3A_222 = tpu.memref_squeeze %dma_wait3A_221 : memref<1x1x320x320xf32, #tpu.memory_space<hbm>> -> memref<1x320x320xf32, #tpu.memory_space<hbm>>
      %dma_wait3A_223 = arith.constant 8 : i32
      %dma_wait3A_224 = arith.constant 0 : i32
      %dma_wait3A_225 = arith.constant 0 : i32
      %dma_wait3A_226 = tpu.memref_slice %arg2[%dma_wait3A_216, %dma_wait3A_223, %dma_wait3A_224, %dma_wait3A_225] : memref<3x64x320x320xf32, #tpu.memory_space<hbm>> -> memref<1x1x320x320xf32, #tpu.memory_space<hbm>>
      %dma_wait3A_227 = tpu.memref_squeeze %dma_wait3A_226 : memref<1x1x320x320xf32, #tpu.memory_space<hbm>> -> memref<1x320x320xf32, #tpu.memory_space<hbm>>
      tpu.wait_dma2 semaphore(%arg5 : memref<!tpu.dma_semaphore, #tpu.memory_space<semaphore_mem>>) src(%dma_wait3A_227 : memref<1x320x320xf32, #tpu.memory_space<hbm>>) dst(%dma_wait3A_222 : memref<1x320x320xf32, #tpu.memory_space<hbm>>)
    } else {
    }
    %eq3A_13 = arith.constant 3 : i32
    %eq3A_14 = arith.cmpi eq, %add3A, %eq3A_13 : i32
    %convert_element_type3A_15 = arith.extui %eq3A_14 : i1 to i32
    %cond3A_16 = arith.constant 0 : i32
    %cond3A_17 = arith.cmpi ne, %convert_element_type3A_15, %cond3A_16 : i32
    scf.if %cond3A_17 {
      %dma_start3A = arith.constant 0 : i32
      %dma_start3A_158 = arith.constant 0 : i32
      %dma_start3A_159 = arith.constant 18 : i32
      %dma_start3A_160 = arith.constant 0 : i32
      %dma_start3A_161 = arith.constant 0 : i32
      %dma_start3A_162 = tpu.memref_slice %arg4[%dma_start3A_158, %dma_start3A_159, %dma_start3A_160, %dma_start3A_161] : memref<3x64x320x320xf32, #tpu.memory_space<hbm>> -> memref<1x6x320x320xf32, #tpu.memory_space<hbm>>
      %dma_start3A_163 = tpu.memref_squeeze %dma_start3A_162 : memref<1x6x320x320xf32, #tpu.memory_space<hbm>> -> memref<6x320x320xf32, #tpu.memory_space<hbm>>
      %dma_start3A_164 = arith.constant 18 : i32
      %dma_start3A_165 = arith.constant 0 : i32
      %dma_start3A_166 = arith.constant 0 : i32
      %dma_start3A_167 = tpu.memref_slice %arg2[%dma_start3A, %dma_start3A_164, %dma_start3A_165, %dma_start3A_166] : memref<3x64x320x320xf32, #tpu.memory_space<hbm>> -> memref<1x6x320x320xf32, #tpu.memory_space<hbm>>
      %dma_start3A_168 = tpu.memref_squeeze %dma_start3A_167 : memref<1x6x320x320xf32, #tpu.memory_space<hbm>> -> memref<6x320x320xf32, #tpu.memory_space<hbm>>
      tpu.enqueue_dma source(%dma_start3A_168 : memref<6x320x320xf32, #tpu.memory_space<hbm>>) target(%dma_start3A_163 : memref<6x320x320xf32, #tpu.memory_space<hbm>>) target_semaphore(%arg5 : memref<!tpu.dma_semaphore, #tpu.memory_space<semaphore_mem>>)
      %dma_start3A_169 = arith.constant 0 : i32
      %dma_start3A_170 = arith.constant 0 : i32
      %dma_start3A_171 = arith.constant 3 : i32
      %dma_start3A_172 = arith.constant 0 : i32
      %dma_start3A_173 = arith.constant 0 : i32
      %dma_start3A_174 = tpu.memref_slice %arg3[%dma_start3A_170, %dma_start3A_171, %dma_start3A_172, %dma_start3A_173] : memref<3x16x320x320xf32, #tpu.memory_space<hbm>> -> memref<1x1x320x320xf32, #tpu.memory_space<hbm>>
      %dma_start3A_175 = tpu.memref_squeeze %dma_start3A_174 : memref<1x1x320x320xf32, #tpu.memory_space<hbm>> -> memref<1x320x320xf32, #tpu.memory_space<hbm>>
      %dma_start3A_176 = arith.constant 12 : i32
      %dma_start3A_177 = arith.constant 0 : i32
      %dma_start3A_178 = arith.constant 0 : i32
      %dma_start3A_179 = tpu.memref_slice %arg2[%dma_start3A_169, %dma_start3A_176, %dma_start3A_177, %dma_start3A_178] : memref<3x64x320x320xf32, #tpu.memory_space<hbm>> -> memref<1x1x320x320xf32, #tpu.memory_space<hbm>>
      %dma_start3A_180 = tpu.memref_squeeze %dma_start3A_179 : memref<1x1x320x320xf32, #tpu.memory_space<hbm>> -> memref<1x320x320xf32, #tpu.memory_space<hbm>>
      tpu.enqueue_dma source(%dma_start3A_180 : memref<1x320x320xf32, #tpu.memory_space<hbm>>) target(%dma_start3A_175 : memref<1x320x320xf32, #tpu.memory_space<hbm>>) target_semaphore(%arg5 : memref<!tpu.dma_semaphore, #tpu.memory_space<semaphore_mem>>)
      %dma_start3A_181 = arith.constant 2 : i32
      %dma_start3A_182 = arith.constant 2 : i32
      %dma_start3A_183 = arith.constant 3 : i32
      %dma_start3A_184 = arith.constant 0 : i32
      %dma_start3A_185 = arith.constant 0 : i32
      %dma_start3A_186 = tpu.memref_slice %arg3[%dma_start3A_182, %dma_start3A_183, %dma_start3A_184, %dma_start3A_185] : memref<3x16x320x320xf32, #tpu.memory_space<hbm>> -> memref<1x1x320x320xf32, #tpu.memory_space<hbm>>
      %dma_start3A_187 = tpu.memref_squeeze %dma_start3A_186 : memref<1x1x320x320xf32, #tpu.memory_space<hbm>> -> memref<1x320x320xf32, #tpu.memory_space<hbm>>
      %dma_start3A_188 = arith.constant 12 : i32
      %dma_start3A_189 = arith.constant 0 : i32
      %dma_start3A_190 = arith.constant 0 : i32
      %dma_start3A_191 = tpu.memref_slice %arg2[%dma_start3A_181, %dma_start3A_188, %dma_start3A_189, %dma_start3A_190] : memref<3x64x320x320xf32, #tpu.memory_space<hbm>> -> memref<1x1x320x320xf32, #tpu.memory_space<hbm>>
      %dma_start3A_192 = tpu.memref_squeeze %dma_start3A_191 : memref<1x1x320x320xf32, #tpu.memory_space<hbm>> -> memref<1x320x320xf32, #tpu.memory_space<hbm>>
      tpu.enqueue_dma source(%dma_start3A_192 : memref<1x320x320xf32, #tpu.memory_space<hbm>>) target(%dma_start3A_187 : memref<1x320x320xf32, #tpu.memory_space<hbm>>) target_semaphore(%arg5 : memref<!tpu.dma_semaphore, #tpu.memory_space<semaphore_mem>>)
      %dma_wait3A = arith.constant 0 : i32
      %dma_wait3A_193 = arith.constant 0 : i32
      %dma_wait3A_194 = arith.constant 18 : i32
      %dma_wait3A_195 = arith.constant 0 : i32
      %dma_wait3A_196 = arith.constant 0 : i32
      %dma_wait3A_197 = tpu.memref_slice %arg4[%dma_wait3A_193, %dma_wait3A_194, %dma_wait3A_195, %dma_wait3A_196] : memref<3x64x320x320xf32, #tpu.memory_space<hbm>> -> memref<1x6x320x320xf32, #tpu.memory_space<hbm>>
      %dma_wait3A_198 = tpu.memref_squeeze %dma_wait3A_197 : memref<1x6x320x320xf32, #tpu.memory_space<hbm>> -> memref<6x320x320xf32, #tpu.memory_space<hbm>>
      %dma_wait3A_199 = arith.constant 18 : i32
      %dma_wait3A_200 = arith.constant 0 : i32
      %dma_wait3A_201 = arith.constant 0 : i32
      %dma_wait3A_202 = tpu.memref_slice %arg2[%dma_wait3A, %dma_wait3A_199, %dma_wait3A_200, %dma_wait3A_201] : memref<3x64x320x320xf32, #tpu.memory_space<hbm>> -> memref<1x6x320x320xf32, #tpu.memory_space<hbm>>
      %dma_wait3A_203 = tpu.memref_squeeze %dma_wait3A_202 : memref<1x6x320x320xf32, #tpu.memory_space<hbm>> -> memref<6x320x320xf32, #tpu.memory_space<hbm>>
      tpu.wait_dma2 semaphore(%arg5 : memref<!tpu.dma_semaphore, #tpu.memory_space<semaphore_mem>>) src(%dma_wait3A_203 : memref<6x320x320xf32, #tpu.memory_space<hbm>>) dst(%dma_wait3A_198 : memref<6x320x320xf32, #tpu.memory_space<hbm>>)
      %dma_wait3A_204 = arith.constant 0 : i32
      %dma_wait3A_205 = arith.constant 0 : i32
      %dma_wait3A_206 = arith.constant 3 : i32
      %dma_wait3A_207 = arith.constant 0 : i32
      %dma_wait3A_208 = arith.constant 0 : i32
      %dma_wait3A_209 = tpu.memref_slice %arg3[%dma_wait3A_205, %dma_wait3A_206, %dma_wait3A_207, %dma_wait3A_208] : memref<3x16x320x320xf32, #tpu.memory_space<hbm>> -> memref<1x1x320x320xf32, #tpu.memory_space<hbm>>
      %dma_wait3A_210 = tpu.memref_squeeze %dma_wait3A_209 : memref<1x1x320x320xf32, #tpu.memory_space<hbm>> -> memref<1x320x320xf32, #tpu.memory_space<hbm>>
      %dma_wait3A_211 = arith.constant 12 : i32
      %dma_wait3A_212 = arith.constant 0 : i32
      %dma_wait3A_213 = arith.constant 0 : i32
      %dma_wait3A_214 = tpu.memref_slice %arg2[%dma_wait3A_204, %dma_wait3A_211, %dma_wait3A_212, %dma_wait3A_213] : memref<3x64x320x320xf32, #tpu.memory_space<hbm>> -> memref<1x1x320x320xf32, #tpu.memory_space<hbm>>
      %dma_wait3A_215 = tpu.memref_squeeze %dma_wait3A_214 : memref<1x1x320x320xf32, #tpu.memory_space<hbm>> -> memref<1x320x320xf32, #tpu.memory_space<hbm>>
      tpu.wait_dma2 semaphore(%arg5 : memref<!tpu.dma_semaphore, #tpu.memory_space<semaphore_mem>>) src(%dma_wait3A_215 : memref<1x320x320xf32, #tpu.memory_space<hbm>>) dst(%dma_wait3A_210 : memref<1x320x320xf32, #tpu.memory_space<hbm>>)
      %dma_wait3A_216 = arith.constant 2 : i32
      %dma_wait3A_217 = arith.constant 2 : i32
      %dma_wait3A_218 = arith.constant 3 : i32
      %dma_wait3A_219 = arith.constant 0 : i32
      %dma_wait3A_220 = arith.constant 0 : i32
      %dma_wait3A_221 = tpu.memref_slice %arg3[%dma_wait3A_217, %dma_wait3A_218, %dma_wait3A_219, %dma_wait3A_220] : memref<3x16x320x320xf32, #tpu.memory_space<hbm>> -> memref<1x1x320x320xf32, #tpu.memory_space<hbm>>
      %dma_wait3A_222 = tpu.memref_squeeze %dma_wait3A_221 : memref<1x1x320x320xf32, #tpu.memory_space<hbm>> -> memref<1x320x320xf32, #tpu.memory_space<hbm>>
      %dma_wait3A_223 = arith.constant 12 : i32
      %dma_wait3A_224 = arith.constant 0 : i32
      %dma_wait3A_225 = arith.constant 0 : i32
      %dma_wait3A_226 = tpu.memref_slice %arg2[%dma_wait3A_216, %dma_wait3A_223, %dma_wait3A_224, %dma_wait3A_225] : memref<3x64x320x320xf32, #tpu.memory_space<hbm>> -> memref<1x1x320x320xf32, #tpu.memory_space<hbm>>
      %dma_wait3A_227 = tpu.memref_squeeze %dma_wait3A_226 : memref<1x1x320x320xf32, #tpu.memory_space<hbm>> -> memref<1x320x320xf32, #tpu.memory_space<hbm>>
      tpu.wait_dma2 semaphore(%arg5 : memref<!tpu.dma_semaphore, #tpu.memory_space<semaphore_mem>>) src(%dma_wait3A_227 : memref<1x320x320xf32, #tpu.memory_space<hbm>>) dst(%dma_wait3A_222 : memref<1x320x320xf32, #tpu.memory_space<hbm>>)
    } else {
    }
    %eq3A_18 = arith.constant 4 : i32
    %eq3A_19 = arith.cmpi eq, %add3A, %eq3A_18 : i32
    %convert_element_type3A_20 = arith.extui %eq3A_19 : i1 to i32
    %cond3A_21 = arith.constant 0 : i32
    %cond3A_22 = arith.cmpi ne, %convert_element_type3A_20, %cond3A_21 : i32
    scf.if %cond3A_22 {
      %dma_start3A = arith.constant 0 : i32
      %dma_start3A_158 = arith.constant 0 : i32
      %dma_start3A_159 = arith.constant 24 : i32
      %dma_start3A_160 = arith.constant 0 : i32
      %dma_start3A_161 = arith.constant 0 : i32
      %dma_start3A_162 = tpu.memref_slice %arg4[%dma_start3A_158, %dma_start3A_159, %dma_start3A_160, %dma_start3A_161] : memref<3x64x320x320xf32, #tpu.memory_space<hbm>> -> memref<1x6x320x320xf32, #tpu.memory_space<hbm>>
      %dma_start3A_163 = tpu.memref_squeeze %dma_start3A_162 : memref<1x6x320x320xf32, #tpu.memory_space<hbm>> -> memref<6x320x320xf32, #tpu.memory_space<hbm>>
      %dma_start3A_164 = arith.constant 24 : i32
      %dma_start3A_165 = arith.constant 0 : i32
      %dma_start3A_166 = arith.constant 0 : i32
      %dma_start3A_167 = tpu.memref_slice %arg2[%dma_start3A, %dma_start3A_164, %dma_start3A_165, %dma_start3A_166] : memref<3x64x320x320xf32, #tpu.memory_space<hbm>> -> memref<1x6x320x320xf32, #tpu.memory_space<hbm>>
      %dma_start3A_168 = tpu.memref_squeeze %dma_start3A_167 : memref<1x6x320x320xf32, #tpu.memory_space<hbm>> -> memref<6x320x320xf32, #tpu.memory_space<hbm>>
      tpu.enqueue_dma source(%dma_start3A_168 : memref<6x320x320xf32, #tpu.memory_space<hbm>>) target(%dma_start3A_163 : memref<6x320x320xf32, #tpu.memory_space<hbm>>) target_semaphore(%arg5 : memref<!tpu.dma_semaphore, #tpu.memory_space<semaphore_mem>>)
      %dma_start3A_169 = arith.constant 0 : i32
      %dma_start3A_170 = arith.constant 0 : i32
      %dma_start3A_171 = arith.constant 4 : i32
      %dma_start3A_172 = arith.constant 0 : i32
      %dma_start3A_173 = arith.constant 0 : i32
      %dma_start3A_174 = tpu.memref_slice %arg3[%dma_start3A_170, %dma_start3A_171, %dma_start3A_172, %dma_start3A_173] : memref<3x16x320x320xf32, #tpu.memory_space<hbm>> -> memref<1x1x320x320xf32, #tpu.memory_space<hbm>>
      %dma_start3A_175 = tpu.memref_squeeze %dma_start3A_174 : memref<1x1x320x320xf32, #tpu.memory_space<hbm>> -> memref<1x320x320xf32, #tpu.memory_space<hbm>>
      %dma_start3A_176 = arith.constant 16 : i32
      %dma_start3A_177 = arith.constant 0 : i32
      %dma_start3A_178 = arith.constant 0 : i32
      %dma_start3A_179 = tpu.memref_slice %arg2[%dma_start3A_169, %dma_start3A_176, %dma_start3A_177, %dma_start3A_178] : memref<3x64x320x320xf32, #tpu.memory_space<hbm>> -> memref<1x1x320x320xf32, #tpu.memory_space<hbm>>
      %dma_start3A_180 = tpu.memref_squeeze %dma_start3A_179 : memref<1x1x320x320xf32, #tpu.memory_space<hbm>> -> memref<1x320x320xf32, #tpu.memory_space<hbm>>
      tpu.enqueue_dma source(%dma_start3A_180 : memref<1x320x320xf32, #tpu.memory_space<hbm>>) target(%dma_start3A_175 : memref<1x320x320xf32, #tpu.memory_space<hbm>>) target_semaphore(%arg5 : memref<!tpu.dma_semaphore, #tpu.memory_space<semaphore_mem>>)
      %dma_start3A_181 = arith.constant 2 : i32
      %dma_start3A_182 = arith.constant 2 : i32
      %dma_start3A_183 = arith.constant 4 : i32
      %dma_start3A_184 = arith.constant 0 : i32
      %dma_start3A_185 = arith.constant 0 : i32
      %dma_start3A_186 = tpu.memref_slice %arg3[%dma_start3A_182, %dma_start3A_183, %dma_start3A_184, %dma_start3A_185] : memref<3x16x320x320xf32, #tpu.memory_space<hbm>> -> memref<1x1x320x320xf32, #tpu.memory_space<hbm>>
      %dma_start3A_187 = tpu.memref_squeeze %dma_start3A_186 : memref<1x1x320x320xf32, #tpu.memory_space<hbm>> -> memref<1x320x320xf32, #tpu.memory_space<hbm>>
      %dma_start3A_188 = arith.constant 16 : i32
      %dma_start3A_189 = arith.constant 0 : i32
      %dma_start3A_190 = arith.constant 0 : i32
      %dma_start3A_191 = tpu.memref_slice %arg2[%dma_start3A_181, %dma_start3A_188, %dma_start3A_189, %dma_start3A_190] : memref<3x64x320x320xf32, #tpu.memory_space<hbm>> -> memref<1x1x320x320xf32, #tpu.memory_space<hbm>>
      %dma_start3A_192 = tpu.memref_squeeze %dma_start3A_191 : memref<1x1x320x320xf32, #tpu.memory_space<hbm>> -> memref<1x320x320xf32, #tpu.memory_space<hbm>>
      tpu.enqueue_dma source(%dma_start3A_192 : memref<1x320x320xf32, #tpu.memory_space<hbm>>) target(%dma_start3A_187 : memref<1x320x320xf32, #tpu.memory_space<hbm>>) target_semaphore(%arg5 : memref<!tpu.dma_semaphore, #tpu.memory_space<semaphore_mem>>)
      %dma_wait3A = arith.constant 0 : i32
      %dma_wait3A_193 = arith.constant 0 : i32
      %dma_wait3A_194 = arith.constant 24 : i32
      %dma_wait3A_195 = arith.constant 0 : i32
      %dma_wait3A_196 = arith.constant 0 : i32
      %dma_wait3A_197 = tpu.memref_slice %arg4[%dma_wait3A_193, %dma_wait3A_194, %dma_wait3A_195, %dma_wait3A_196] : memref<3x64x320x320xf32, #tpu.memory_space<hbm>> -> memref<1x6x320x320xf32, #tpu.memory_space<hbm>>
      %dma_wait3A_198 = tpu.memref_squeeze %dma_wait3A_197 : memref<1x6x320x320xf32, #tpu.memory_space<hbm>> -> memref<6x320x320xf32, #tpu.memory_space<hbm>>
      %dma_wait3A_199 = arith.constant 24 : i32
      %dma_wait3A_200 = arith.constant 0 : i32
      %dma_wait3A_201 = arith.constant 0 : i32
      %dma_wait3A_202 = tpu.memref_slice %arg2[%dma_wait3A, %dma_wait3A_199, %dma_wait3A_200, %dma_wait3A_201] : memref<3x64x320x320xf32, #tpu.memory_space<hbm>> -> memref<1x6x320x320xf32, #tpu.memory_space<hbm>>
      %dma_wait3A_203 = tpu.memref_squeeze %dma_wait3A_202 : memref<1x6x320x320xf32, #tpu.memory_space<hbm>> -> memref<6x320x320xf32, #tpu.memory_space<hbm>>
      tpu.wait_dma2 semaphore(%arg5 : memref<!tpu.dma_semaphore, #tpu.memory_space<semaphore_mem>>) src(%dma_wait3A_203 : memref<6x320x320xf32, #tpu.memory_space<hbm>>) dst(%dma_wait3A_198 : memref<6x320x320xf32, #tpu.memory_space<hbm>>)
      %dma_wait3A_204 = arith.constant 0 : i32
      %dma_wait3A_205 = arith.constant 0 : i32
      %dma_wait3A_206 = arith.constant 4 : i32
      %dma_wait3A_207 = arith.constant 0 : i32
      %dma_wait3A_208 = arith.constant 0 : i32
      %dma_wait3A_209 = tpu.memref_slice %arg3[%dma_wait3A_205, %dma_wait3A_206, %dma_wait3A_207, %dma_wait3A_208] : memref<3x16x320x320xf32, #tpu.memory_space<hbm>> -> memref<1x1x320x320xf32, #tpu.memory_space<hbm>>
      %dma_wait3A_210 = tpu.memref_squeeze %dma_wait3A_209 : memref<1x1x320x320xf32, #tpu.memory_space<hbm>> -> memref<1x320x320xf32, #tpu.memory_space<hbm>>
      %dma_wait3A_211 = arith.constant 16 : i32
      %dma_wait3A_212 = arith.constant 0 : i32
      %dma_wait3A_213 = arith.constant 0 : i32
      %dma_wait3A_214 = tpu.memref_slice %arg2[%dma_wait3A_204, %dma_wait3A_211, %dma_wait3A_212, %dma_wait3A_213] : memref<3x64x320x320xf32, #tpu.memory_space<hbm>> -> memref<1x1x320x320xf32, #tpu.memory_space<hbm>>
      %dma_wait3A_215 = tpu.memref_squeeze %dma_wait3A_214 : memref<1x1x320x320xf32, #tpu.memory_space<hbm>> -> memref<1x320x320xf32, #tpu.memory_space<hbm>>
      tpu.wait_dma2 semaphore(%arg5 : memref<!tpu.dma_semaphore, #tpu.memory_space<semaphore_mem>>) src(%dma_wait3A_215 : memref<1x320x320xf32, #tpu.memory_space<hbm>>) dst(%dma_wait3A_210 : memref<1x320x320xf32, #tpu.memory_space<hbm>>)
      %dma_wait3A_216 = arith.constant 2 : i32
      %dma_wait3A_217 = arith.constant 2 : i32
      %dma_wait3A_218 = arith.constant 4 : i32
      %dma_wait3A_219 = arith.constant 0 : i32
      %dma_wait3A_220 = arith.constant 0 : i32
      %dma_wait3A_221 = tpu.memref_slice %arg3[%dma_wait3A_217, %dma_wait3A_218, %dma_wait3A_219, %dma_wait3A_220] : memref<3x16x320x320xf32, #tpu.memory_space<hbm>> -> memref<1x1x320x320xf32, #tpu.memory_space<hbm>>
      %dma_wait3A_222 = tpu.memref_squeeze %dma_wait3A_221 : memref<1x1x320x320xf32, #tpu.memory_space<hbm>> -> memref<1x320x320xf32, #tpu.memory_space<hbm>>
      %dma_wait3A_223 = arith.constant 16 : i32
      %dma_wait3A_224 = arith.constant 0 : i32
      %dma_wait3A_225 = arith.constant 0 : i32
      %dma_wait3A_226 = tpu.memref_slice %arg2[%dma_wait3A_216, %dma_wait3A_223, %dma_wait3A_224, %dma_wait3A_225] : memref<3x64x320x320xf32, #tpu.memory_space<hbm>> -> memref<1x1x320x320xf32, #tpu.memory_space<hbm>>
      %dma_wait3A_227 = tpu.memref_squeeze %dma_wait3A_226 : memref<1x1x320x320xf32, #tpu.memory_space<hbm>> -> memref<1x320x320xf32, #tpu.memory_space<hbm>>
      tpu.wait_dma2 semaphore(%arg5 : memref<!tpu.dma_semaphore, #tpu.memory_space<semaphore_mem>>) src(%dma_wait3A_227 : memref<1x320x320xf32, #tpu.memory_space<hbm>>) dst(%dma_wait3A_222 : memref<1x320x320xf32, #tpu.memory_space<hbm>>)
    } else {
    }
    %eq3A_23 = arith.constant 5 : i32
    %eq3A_24 = arith.cmpi eq, %add3A, %eq3A_23 : i32
    %convert_element_type3A_25 = arith.extui %eq3A_24 : i1 to i32
    %cond3A_26 = arith.constant 0 : i32
    %cond3A_27 = arith.cmpi ne, %convert_element_type3A_25, %cond3A_26 : i32
    scf.if %cond3A_27 {
      %dma_start3A = arith.constant 0 : i32
      %dma_start3A_158 = arith.constant 0 : i32
      %dma_start3A_159 = arith.constant 30 : i32
      %dma_start3A_160 = arith.constant 0 : i32
      %dma_start3A_161 = arith.constant 0 : i32
      %dma_start3A_162 = tpu.memref_slice %arg4[%dma_start3A_158, %dma_start3A_159, %dma_start3A_160, %dma_start3A_161] : memref<3x64x320x320xf32, #tpu.memory_space<hbm>> -> memref<1x6x320x320xf32, #tpu.memory_space<hbm>>
      %dma_start3A_163 = tpu.memref_squeeze %dma_start3A_162 : memref<1x6x320x320xf32, #tpu.memory_space<hbm>> -> memref<6x320x320xf32, #tpu.memory_space<hbm>>
      %dma_start3A_164 = arith.constant 30 : i32
      %dma_start3A_165 = arith.constant 0 : i32
      %dma_start3A_166 = arith.constant 0 : i32
      %dma_start3A_167 = tpu.memref_slice %arg2[%dma_start3A, %dma_start3A_164, %dma_start3A_165, %dma_start3A_166] : memref<3x64x320x320xf32, #tpu.memory_space<hbm>> -> memref<1x6x320x320xf32, #tpu.memory_space<hbm>>
      %dma_start3A_168 = tpu.memref_squeeze %dma_start3A_167 : memref<1x6x320x320xf32, #tpu.memory_space<hbm>> -> memref<6x320x320xf32, #tpu.memory_space<hbm>>
      tpu.enqueue_dma source(%dma_start3A_168 : memref<6x320x320xf32, #tpu.memory_space<hbm>>) target(%dma_start3A_163 : memref<6x320x320xf32, #tpu.memory_space<hbm>>) target_semaphore(%arg5 : memref<!tpu.dma_semaphore, #tpu.memory_space<semaphore_mem>>)
      %dma_start3A_169 = arith.constant 0 : i32
      %dma_start3A_170 = arith.constant 0 : i32
      %dma_start3A_171 = arith.constant 5 : i32
      %dma_start3A_172 = arith.constant 0 : i32
      %dma_start3A_173 = arith.constant 0 : i32
      %dma_start3A_174 = tpu.memref_slice %arg3[%dma_start3A_170, %dma_start3A_171, %dma_start3A_172, %dma_start3A_173] : memref<3x16x320x320xf32, #tpu.memory_space<hbm>> -> memref<1x1x320x320xf32, #tpu.memory_space<hbm>>
      %dma_start3A_175 = tpu.memref_squeeze %dma_start3A_174 : memref<1x1x320x320xf32, #tpu.memory_space<hbm>> -> memref<1x320x320xf32, #tpu.memory_space<hbm>>
      %dma_start3A_176 = arith.constant 21 : i32
      %dma_start3A_177 = arith.constant 0 : i32
      %dma_start3A_178 = arith.constant 0 : i32
      %dma_start3A_179 = tpu.memref_slice %arg2[%dma_start3A_169, %dma_start3A_176, %dma_start3A_177, %dma_start3A_178] : memref<3x64x320x320xf32, #tpu.memory_space<hbm>> -> memref<1x1x320x320xf32, #tpu.memory_space<hbm>>
      %dma_start3A_180 = tpu.memref_squeeze %dma_start3A_179 : memref<1x1x320x320xf32, #tpu.memory_space<hbm>> -> memref<1x320x320xf32, #tpu.memory_space<hbm>>
      tpu.enqueue_dma source(%dma_start3A_180 : memref<1x320x320xf32, #tpu.memory_space<hbm>>) target(%dma_start3A_175 : memref<1x320x320xf32, #tpu.memory_space<hbm>>) target_semaphore(%arg5 : memref<!tpu.dma_semaphore, #tpu.memory_space<semaphore_mem>>)
      %dma_start3A_181 = arith.constant 2 : i32
      %dma_start3A_182 = arith.constant 2 : i32
      %dma_start3A_183 = arith.constant 5 : i32
      %dma_start3A_184 = arith.constant 0 : i32
      %dma_start3A_185 = arith.constant 0 : i32
      %dma_start3A_186 = tpu.memref_slice %arg3[%dma_start3A_182, %dma_start3A_183, %dma_start3A_184, %dma_start3A_185] : memref<3x16x320x320xf32, #tpu.memory_space<hbm>> -> memref<1x1x320x320xf32, #tpu.memory_space<hbm>>
      %dma_start3A_187 = tpu.memref_squeeze %dma_start3A_186 : memref<1x1x320x320xf32, #tpu.memory_space<hbm>> -> memref<1x320x320xf32, #tpu.memory_space<hbm>>
      %dma_start3A_188 = arith.constant 21 : i32
      %dma_start3A_189 = arith.constant 0 : i32
      %dma_start3A_190 = arith.constant 0 : i32
      %dma_start3A_191 = tpu.memref_slice %arg2[%dma_start3A_181, %dma_start3A_188, %dma_start3A_189, %dma_start3A_190] : memref<3x64x320x320xf32, #tpu.memory_space<hbm>> -> memref<1x1x320x320xf32, #tpu.memory_space<hbm>>
      %dma_start3A_192 = tpu.memref_squeeze %dma_start3A_191 : memref<1x1x320x320xf32, #tpu.memory_space<hbm>> -> memref<1x320x320xf32, #tpu.memory_space<hbm>>
      tpu.enqueue_dma source(%dma_start3A_192 : memref<1x320x320xf32, #tpu.memory_space<hbm>>) target(%dma_start3A_187 : memref<1x320x320xf32, #tpu.memory_space<hbm>>) target_semaphore(%arg5 : memref<!tpu.dma_semaphore, #tpu.memory_space<semaphore_mem>>)
      %dma_wait3A = arith.constant 0 : i32
      %dma_wait3A_193 = arith.constant 0 : i32
      %dma_wait3A_194 = arith.constant 30 : i32
      %dma_wait3A_195 = arith.constant 0 : i32
      %dma_wait3A_196 = arith.constant 0 : i32
      %dma_wait3A_197 = tpu.memref_slice %arg4[%dma_wait3A_193, %dma_wait3A_194, %dma_wait3A_195, %dma_wait3A_196] : memref<3x64x320x320xf32, #tpu.memory_space<hbm>> -> memref<1x6x320x320xf32, #tpu.memory_space<hbm>>
      %dma_wait3A_198 = tpu.memref_squeeze %dma_wait3A_197 : memref<1x6x320x320xf32, #tpu.memory_space<hbm>> -> memref<6x320x320xf32, #tpu.memory_space<hbm>>
      %dma_wait3A_199 = arith.constant 30 : i32
      %dma_wait3A_200 = arith.constant 0 : i32
      %dma_wait3A_201 = arith.constant 0 : i32
      %dma_wait3A_202 = tpu.memref_slice %arg2[%dma_wait3A, %dma_wait3A_199, %dma_wait3A_200, %dma_wait3A_201] : memref<3x64x320x320xf32, #tpu.memory_space<hbm>> -> memref<1x6x320x320xf32, #tpu.memory_space<hbm>>
      %dma_wait3A_203 = tpu.memref_squeeze %dma_wait3A_202 : memref<1x6x320x320xf32, #tpu.memory_space<hbm>> -> memref<6x320x320xf32, #tpu.memory_space<hbm>>
      tpu.wait_dma2 semaphore(%arg5 : memref<!tpu.dma_semaphore, #tpu.memory_space<semaphore_mem>>) src(%dma_wait3A_203 : memref<6x320x320xf32, #tpu.memory_space<hbm>>) dst(%dma_wait3A_198 : memref<6x320x320xf32, #tpu.memory_space<hbm>>)
      %dma_wait3A_204 = arith.constant 0 : i32
      %dma_wait3A_205 = arith.constant 0 : i32
      %dma_wait3A_206 = arith.constant 5 : i32
      %dma_wait3A_207 = arith.constant 0 : i32
      %dma_wait3A_208 = arith.constant 0 : i32
      %dma_wait3A_209 = tpu.memref_slice %arg3[%dma_wait3A_205, %dma_wait3A_206, %dma_wait3A_207, %dma_wait3A_208] : memref<3x16x320x320xf32, #tpu.memory_space<hbm>> -> memref<1x1x320x320xf32, #tpu.memory_space<hbm>>
      %dma_wait3A_210 = tpu.memref_squeeze %dma_wait3A_209 : memref<1x1x320x320xf32, #tpu.memory_space<hbm>> -> memref<1x320x320xf32, #tpu.memory_space<hbm>>
      %dma_wait3A_211 = arith.constant 21 : i32
      %dma_wait3A_212 = arith.constant 0 : i32
      %dma_wait3A_213 = arith.constant 0 : i32
      %dma_wait3A_214 = tpu.memref_slice %arg2[%dma_wait3A_204, %dma_wait3A_211, %dma_wait3A_212, %dma_wait3A_213] : memref<3x64x320x320xf32, #tpu.memory_space<hbm>> -> memref<1x1x320x320xf32, #tpu.memory_space<hbm>>
      %dma_wait3A_215 = tpu.memref_squeeze %dma_wait3A_214 : memref<1x1x320x320xf32, #tpu.memory_space<hbm>> -> memref<1x320x320xf32, #tpu.memory_space<hbm>>
      tpu.wait_dma2 semaphore(%arg5 : memref<!tpu.dma_semaphore, #tpu.memory_space<semaphore_mem>>) src(%dma_wait3A_215 : memref<1x320x320xf32, #tpu.memory_space<hbm>>) dst(%dma_wait3A_210 : memref<1x320x320xf32, #tpu.memory_space<hbm>>)
      %dma_wait3A_216 = arith.constant 2 : i32
      %dma_wait3A_217 = arith.constant 2 : i32
      %dma_wait3A_218 = arith.constant 5 : i32
      %dma_wait3A_219 = arith.constant 0 : i32
      %dma_wait3A_220 = arith.constant 0 : i32
      %dma_wait3A_221 = tpu.memref_slice %arg3[%dma_wait3A_217, %dma_wait3A_218, %dma_wait3A_219, %dma_wait3A_220] : memref<3x16x320x320xf32, #tpu.memory_space<hbm>> -> memref<1x1x320x320xf32, #tpu.memory_space<hbm>>
      %dma_wait3A_222 = tpu.memref_squeeze %dma_wait3A_221 : memref<1x1x320x320xf32, #tpu.memory_space<hbm>> -> memref<1x320x320xf32, #tpu.memory_space<hbm>>
      %dma_wait3A_223 = arith.constant 21 : i32
      %dma_wait3A_224 = arith.constant 0 : i32
      %dma_wait3A_225 = arith.constant 0 : i32
      %dma_wait3A_226 = tpu.memref_slice %arg2[%dma_wait3A_216, %dma_wait3A_223, %dma_wait3A_224, %dma_wait3A_225] : memref<3x64x320x320xf32, #tpu.memory_space<hbm>> -> memref<1x1x320x320xf32, #tpu.memory_space<hbm>>
      %dma_wait3A_227 = tpu.memref_squeeze %dma_wait3A_226 : memref<1x1x320x320xf32, #tpu.memory_space<hbm>> -> memref<1x320x320xf32, #tpu.memory_space<hbm>>
      tpu.wait_dma2 semaphore(%arg5 : memref<!tpu.dma_semaphore, #tpu.memory_space<semaphore_mem>>) src(%dma_wait3A_227 : memref<1x320x320xf32, #tpu.memory_space<hbm>>) dst(%dma_wait3A_222 : memref<1x320x320xf32, #tpu.memory_space<hbm>>)
    } else {
    }
    %eq3A_28 = arith.constant 6 : i32
    %eq3A_29 = arith.cmpi eq, %add3A, %eq3A_28 : i32
    %convert_element_type3A_30 = arith.extui %eq3A_29 : i1 to i32
    %cond3A_31 = arith.constant 0 : i32
    %cond3A_32 = arith.cmpi ne, %convert_element_type3A_30, %cond3A_31 : i32
    scf.if %cond3A_32 {
      %dma_start3A = arith.constant 0 : i32
      %dma_start3A_158 = arith.constant 0 : i32
      %dma_start3A_159 = arith.constant 36 : i32
      %dma_start3A_160 = arith.constant 0 : i32
      %dma_start3A_161 = arith.constant 0 : i32
      %dma_start3A_162 = tpu.memref_slice %arg4[%dma_start3A_158, %dma_start3A_159, %dma_start3A_160, %dma_start3A_161] : memref<3x64x320x320xf32, #tpu.memory_space<hbm>> -> memref<1x6x320x320xf32, #tpu.memory_space<hbm>>
      %dma_start3A_163 = tpu.memref_squeeze %dma_start3A_162 : memref<1x6x320x320xf32, #tpu.memory_space<hbm>> -> memref<6x320x320xf32, #tpu.memory_space<hbm>>
      %dma_start3A_164 = arith.constant 36 : i32
      %dma_start3A_165 = arith.constant 0 : i32
      %dma_start3A_166 = arith.constant 0 : i32
      %dma_start3A_167 = tpu.memref_slice %arg2[%dma_start3A, %dma_start3A_164, %dma_start3A_165, %dma_start3A_166] : memref<3x64x320x320xf32, #tpu.memory_space<hbm>> -> memref<1x6x320x320xf32, #tpu.memory_space<hbm>>
      %dma_start3A_168 = tpu.memref_squeeze %dma_start3A_167 : memref<1x6x320x320xf32, #tpu.memory_space<hbm>> -> memref<6x320x320xf32, #tpu.memory_space<hbm>>
      tpu.enqueue_dma source(%dma_start3A_168 : memref<6x320x320xf32, #tpu.memory_space<hbm>>) target(%dma_start3A_163 : memref<6x320x320xf32, #tpu.memory_space<hbm>>) target_semaphore(%arg5 : memref<!tpu.dma_semaphore, #tpu.memory_space<semaphore_mem>>)
      %dma_start3A_169 = arith.constant 0 : i32
      %dma_start3A_170 = arith.constant 0 : i32
      %dma_start3A_171 = arith.constant 6 : i32
      %dma_start3A_172 = arith.constant 0 : i32
      %dma_start3A_173 = arith.constant 0 : i32
      %dma_start3A_174 = tpu.memref_slice %arg3[%dma_start3A_170, %dma_start3A_171, %dma_start3A_172, %dma_start3A_173] : memref<3x16x320x320xf32, #tpu.memory_space<hbm>> -> memref<1x1x320x320xf32, #tpu.memory_space<hbm>>
      %dma_start3A_175 = tpu.memref_squeeze %dma_start3A_174 : memref<1x1x320x320xf32, #tpu.memory_space<hbm>> -> memref<1x320x320xf32, #tpu.memory_space<hbm>>
      %dma_start3A_176 = arith.constant 25 : i32
      %dma_start3A_177 = arith.constant 0 : i32
      %dma_start3A_178 = arith.constant 0 : i32
      %dma_start3A_179 = tpu.memref_slice %arg2[%dma_start3A_169, %dma_start3A_176, %dma_start3A_177, %dma_start3A_178] : memref<3x64x320x320xf32, #tpu.memory_space<hbm>> -> memref<1x1x320x320xf32, #tpu.memory_space<hbm>>
      %dma_start3A_180 = tpu.memref_squeeze %dma_start3A_179 : memref<1x1x320x320xf32, #tpu.memory_space<hbm>> -> memref<1x320x320xf32, #tpu.memory_space<hbm>>
      tpu.enqueue_dma source(%dma_start3A_180 : memref<1x320x320xf32, #tpu.memory_space<hbm>>) target(%dma_start3A_175 : memref<1x320x320xf32, #tpu.memory_space<hbm>>) target_semaphore(%arg5 : memref<!tpu.dma_semaphore, #tpu.memory_space<semaphore_mem>>)
      %dma_start3A_181 = arith.constant 2 : i32
      %dma_start3A_182 = arith.constant 2 : i32
      %dma_start3A_183 = arith.constant 6 : i32
      %dma_start3A_184 = arith.constant 0 : i32
      %dma_start3A_185 = arith.constant 0 : i32
      %dma_start3A_186 = tpu.memref_slice %arg3[%dma_start3A_182, %dma_start3A_183, %dma_start3A_184, %dma_start3A_185] : memref<3x16x320x320xf32, #tpu.memory_space<hbm>> -> memref<1x1x320x320xf32, #tpu.memory_space<hbm>>
      %dma_start3A_187 = tpu.memref_squeeze %dma_start3A_186 : memref<1x1x320x320xf32, #tpu.memory_space<hbm>> -> memref<1x320x320xf32, #tpu.memory_space<hbm>>
      %dma_start3A_188 = arith.constant 25 : i32
      %dma_start3A_189 = arith.constant 0 : i32
      %dma_start3A_190 = arith.constant 0 : i32
      %dma_start3A_191 = tpu.memref_slice %arg2[%dma_start3A_181, %dma_start3A_188, %dma_start3A_189, %dma_start3A_190] : memref<3x64x320x320xf32, #tpu.memory_space<hbm>> -> memref<1x1x320x320xf32, #tpu.memory_space<hbm>>
      %dma_start3A_192 = tpu.memref_squeeze %dma_start3A_191 : memref<1x1x320x320xf32, #tpu.memory_space<hbm>> -> memref<1x320x320xf32, #tpu.memory_space<hbm>>
      tpu.enqueue_dma source(%dma_start3A_192 : memref<1x320x320xf32, #tpu.memory_space<hbm>>) target(%dma_start3A_187 : memref<1x320x320xf32, #tpu.memory_space<hbm>>) target_semaphore(%arg5 : memref<!tpu.dma_semaphore, #tpu.memory_space<semaphore_mem>>)
      %dma_wait3A = arith.constant 0 : i32
      %dma_wait3A_193 = arith.constant 0 : i32
      %dma_wait3A_194 = arith.constant 36 : i32
      %dma_wait3A_195 = arith.constant 0 : i32
      %dma_wait3A_196 = arith.constant 0 : i32
      %dma_wait3A_197 = tpu.memref_slice %arg4[%dma_wait3A_193, %dma_wait3A_194, %dma_wait3A_195, %dma_wait3A_196] : memref<3x64x320x320xf32, #tpu.memory_space<hbm>> -> memref<1x6x320x320xf32, #tpu.memory_space<hbm>>
      %dma_wait3A_198 = tpu.memref_squeeze %dma_wait3A_197 : memref<1x6x320x320xf32, #tpu.memory_space<hbm>> -> memref<6x320x320xf32, #tpu.memory_space<hbm>>
      %dma_wait3A_199 = arith.constant 36 : i32
      %dma_wait3A_200 = arith.constant 0 : i32
      %dma_wait3A_201 = arith.constant 0 : i32
      %dma_wait3A_202 = tpu.memref_slice %arg2[%dma_wait3A, %dma_wait3A_199, %dma_wait3A_200, %dma_wait3A_201] : memref<3x64x320x320xf32, #tpu.memory_space<hbm>> -> memref<1x6x320x320xf32, #tpu.memory_space<hbm>>
      %dma_wait3A_203 = tpu.memref_squeeze %dma_wait3A_202 : memref<1x6x320x320xf32, #tpu.memory_space<hbm>> -> memref<6x320x320xf32, #tpu.memory_space<hbm>>
      tpu.wait_dma2 semaphore(%arg5 : memref<!tpu.dma_semaphore, #tpu.memory_space<semaphore_mem>>) src(%dma_wait3A_203 : memref<6x320x320xf32, #tpu.memory_space<hbm>>) dst(%dma_wait3A_198 : memref<6x320x320xf32, #tpu.memory_space<hbm>>)
      %dma_wait3A_204 = arith.constant 0 : i32
      %dma_wait3A_205 = arith.constant 0 : i32
      %dma_wait3A_206 = arith.constant 6 : i32
      %dma_wait3A_207 = arith.constant 0 : i32
      %dma_wait3A_208 = arith.constant 0 : i32
      %dma_wait3A_209 = tpu.memref_slice %arg3[%dma_wait3A_205, %dma_wait3A_206, %dma_wait3A_207, %dma_wait3A_208] : memref<3x16x320x320xf32, #tpu.memory_space<hbm>> -> memref<1x1x320x320xf32, #tpu.memory_space<hbm>>
      %dma_wait3A_210 = tpu.memref_squeeze %dma_wait3A_209 : memref<1x1x320x320xf32, #tpu.memory_space<hbm>> -> memref<1x320x320xf32, #tpu.memory_space<hbm>>
      %dma_wait3A_211 = arith.constant 25 : i32
      %dma_wait3A_212 = arith.constant 0 : i32
      %dma_wait3A_213 = arith.constant 0 : i32
      %dma_wait3A_214 = tpu.memref_slice %arg2[%dma_wait3A_204, %dma_wait3A_211, %dma_wait3A_212, %dma_wait3A_213] : memref<3x64x320x320xf32, #tpu.memory_space<hbm>> -> memref<1x1x320x320xf32, #tpu.memory_space<hbm>>
      %dma_wait3A_215 = tpu.memref_squeeze %dma_wait3A_214 : memref<1x1x320x320xf32, #tpu.memory_space<hbm>> -> memref<1x320x320xf32, #tpu.memory_space<hbm>>
      tpu.wait_dma2 semaphore(%arg5 : memref<!tpu.dma_semaphore, #tpu.memory_space<semaphore_mem>>) src(%dma_wait3A_215 : memref<1x320x320xf32, #tpu.memory_space<hbm>>) dst(%dma_wait3A_210 : memref<1x320x320xf32, #tpu.memory_space<hbm>>)
      %dma_wait3A_216 = arith.constant 2 : i32
      %dma_wait3A_217 = arith.constant 2 : i32
      %dma_wait3A_218 = arith.constant 6 : i32
      %dma_wait3A_219 = arith.constant 0 : i32
      %dma_wait3A_220 = arith.constant 0 : i32
      %dma_wait3A_221 = tpu.memref_slice %arg3[%dma_wait3A_217, %dma_wait3A_218, %dma_wait3A_219, %dma_wait3A_220] : memref<3x16x320x320xf32, #tpu.memory_space<hbm>> -> memref<1x1x320x320xf32, #tpu.memory_space<hbm>>
      %dma_wait3A_222 = tpu.memref_squeeze %dma_wait3A_221 : memref<1x1x320x320xf32, #tpu.memory_space<hbm>> -> memref<1x320x320xf32, #tpu.memory_space<hbm>>
      %dma_wait3A_223 = arith.constant 25 : i32
      %dma_wait3A_224 = arith.constant 0 : i32
      %dma_wait3A_225 = arith.constant 0 : i32
      %dma_wait3A_226 = tpu.memref_slice %arg2[%dma_wait3A_216, %dma_wait3A_223, %dma_wait3A_224, %dma_wait3A_225] : memref<3x64x320x320xf32, #tpu.memory_space<hbm>> -> memref<1x1x320x320xf32, #tpu.memory_space<hbm>>
      %dma_wait3A_227 = tpu.memref_squeeze %dma_wait3A_226 : memref<1x1x320x320xf32, #tpu.memory_space<hbm>> -> memref<1x320x320xf32, #tpu.memory_space<hbm>>
      tpu.wait_dma2 semaphore(%arg5 : memref<!tpu.dma_semaphore, #tpu.memory_space<semaphore_mem>>) src(%dma_wait3A_227 : memref<1x320x320xf32, #tpu.memory_space<hbm>>) dst(%dma_wait3A_222 : memref<1x320x320xf32, #tpu.memory_space<hbm>>)
    } else {
    }
    %eq3A_33 = arith.constant 7 : i32
    %eq3A_34 = arith.cmpi eq, %add3A, %eq3A_33 : i32
    %convert_element_type3A_35 = arith.extui %eq3A_34 : i1 to i32
    %cond3A_36 = arith.constant 0 : i32
    %cond3A_37 = arith.cmpi ne, %convert_element_type3A_35, %cond3A_36 : i32
    scf.if %cond3A_37 {
      %dma_start3A = arith.constant 0 : i32
      %dma_start3A_158 = arith.constant 0 : i32
      %dma_start3A_159 = arith.constant 42 : i32
      %dma_start3A_160 = arith.constant 0 : i32
      %dma_start3A_161 = arith.constant 0 : i32
      %dma_start3A_162 = tpu.memref_slice %arg4[%dma_start3A_158, %dma_start3A_159, %dma_start3A_160, %dma_start3A_161] : memref<3x64x320x320xf32, #tpu.memory_space<hbm>> -> memref<1x6x320x320xf32, #tpu.memory_space<hbm>>
      %dma_start3A_163 = tpu.memref_squeeze %dma_start3A_162 : memref<1x6x320x320xf32, #tpu.memory_space<hbm>> -> memref<6x320x320xf32, #tpu.memory_space<hbm>>
      %dma_start3A_164 = arith.constant 42 : i32
      %dma_start3A_165 = arith.constant 0 : i32
      %dma_start3A_166 = arith.constant 0 : i32
      %dma_start3A_167 = tpu.memref_slice %arg2[%dma_start3A, %dma_start3A_164, %dma_start3A_165, %dma_start3A_166] : memref<3x64x320x320xf32, #tpu.memory_space<hbm>> -> memref<1x6x320x320xf32, #tpu.memory_space<hbm>>
      %dma_start3A_168 = tpu.memref_squeeze %dma_start3A_167 : memref<1x6x320x320xf32, #tpu.memory_space<hbm>> -> memref<6x320x320xf32, #tpu.memory_space<hbm>>
      tpu.enqueue_dma source(%dma_start3A_168 : memref<6x320x320xf32, #tpu.memory_space<hbm>>) target(%dma_start3A_163 : memref<6x320x320xf32, #tpu.memory_space<hbm>>) target_semaphore(%arg5 : memref<!tpu.dma_semaphore, #tpu.memory_space<semaphore_mem>>)
      %dma_start3A_169 = arith.constant 0 : i32
      %dma_start3A_170 = arith.constant 0 : i32
      %dma_start3A_171 = arith.constant 7 : i32
      %dma_start3A_172 = arith.constant 0 : i32
      %dma_start3A_173 = arith.constant 0 : i32
      %dma_start3A_174 = tpu.memref_slice %arg3[%dma_start3A_170, %dma_start3A_171, %dma_start3A_172, %dma_start3A_173] : memref<3x16x320x320xf32, #tpu.memory_space<hbm>> -> memref<1x1x320x320xf32, #tpu.memory_space<hbm>>
      %dma_start3A_175 = tpu.memref_squeeze %dma_start3A_174 : memref<1x1x320x320xf32, #tpu.memory_space<hbm>> -> memref<1x320x320xf32, #tpu.memory_space<hbm>>
      %dma_start3A_176 = arith.constant 29 : i32
      %dma_start3A_177 = arith.constant 0 : i32
      %dma_start3A_178 = arith.constant 0 : i32
      %dma_start3A_179 = tpu.memref_slice %arg2[%dma_start3A_169, %dma_start3A_176, %dma_start3A_177, %dma_start3A_178] : memref<3x64x320x320xf32, #tpu.memory_space<hbm>> -> memref<1x1x320x320xf32, #tpu.memory_space<hbm>>
      %dma_start3A_180 = tpu.memref_squeeze %dma_start3A_179 : memref<1x1x320x320xf32, #tpu.memory_space<hbm>> -> memref<1x320x320xf32, #tpu.memory_space<hbm>>
      tpu.enqueue_dma source(%dma_start3A_180 : memref<1x320x320xf32, #tpu.memory_space<hbm>>) target(%dma_start3A_175 : memref<1x320x320xf32, #tpu.memory_space<hbm>>) target_semaphore(%arg5 : memref<!tpu.dma_semaphore, #tpu.memory_space<semaphore_mem>>)
      %dma_start3A_181 = arith.constant 2 : i32
      %dma_start3A_182 = arith.constant 2 : i32
      %dma_start3A_183 = arith.constant 7 : i32
      %dma_start3A_184 = arith.constant 0 : i32
      %dma_start3A_185 = arith.constant 0 : i32
      %dma_start3A_186 = tpu.memref_slice %arg3[%dma_start3A_182, %dma_start3A_183, %dma_start3A_184, %dma_start3A_185] : memref<3x16x320x320xf32, #tpu.memory_space<hbm>> -> memref<1x1x320x320xf32, #tpu.memory_space<hbm>>
      %dma_start3A_187 = tpu.memref_squeeze %dma_start3A_186 : memref<1x1x320x320xf32, #tpu.memory_space<hbm>> -> memref<1x320x320xf32, #tpu.memory_space<hbm>>
      %dma_start3A_188 = arith.constant 29 : i32
      %dma_start3A_189 = arith.constant 0 : i32
      %dma_start3A_190 = arith.constant 0 : i32
      %dma_start3A_191 = tpu.memref_slice %arg2[%dma_start3A_181, %dma_start3A_188, %dma_start3A_189, %dma_start3A_190] : memref<3x64x320x320xf32, #tpu.memory_space<hbm>> -> memref<1x1x320x320xf32, #tpu.memory_space<hbm>>
      %dma_start3A_192 = tpu.memref_squeeze %dma_start3A_191 : memref<1x1x320x320xf32, #tpu.memory_space<hbm>> -> memref<1x320x320xf32, #tpu.memory_space<hbm>>
      tpu.enqueue_dma source(%dma_start3A_192 : memref<1x320x320xf32, #tpu.memory_space<hbm>>) target(%dma_start3A_187 : memref<1x320x320xf32, #tpu.memory_space<hbm>>) target_semaphore(%arg5 : memref<!tpu.dma_semaphore, #tpu.memory_space<semaphore_mem>>)
      %dma_wait3A = arith.constant 0 : i32
      %dma_wait3A_193 = arith.constant 0 : i32
      %dma_wait3A_194 = arith.constant 42 : i32
      %dma_wait3A_195 = arith.constant 0 : i32
      %dma_wait3A_196 = arith.constant 0 : i32
      %dma_wait3A_197 = tpu.memref_slice %arg4[%dma_wait3A_193, %dma_wait3A_194, %dma_wait3A_195, %dma_wait3A_196] : memref<3x64x320x320xf32, #tpu.memory_space<hbm>> -> memref<1x6x320x320xf32, #tpu.memory_space<hbm>>
      %dma_wait3A_198 = tpu.memref_squeeze %dma_wait3A_197 : memref<1x6x320x320xf32, #tpu.memory_space<hbm>> -> memref<6x320x320xf32, #tpu.memory_space<hbm>>
      %dma_wait3A_199 = arith.constant 42 : i32
      %dma_wait3A_200 = arith.constant 0 : i32
      %dma_wait3A_201 = arith.constant 0 : i32
      %dma_wait3A_202 = tpu.memref_slice %arg2[%dma_wait3A, %dma_wait3A_199, %dma_wait3A_200, %dma_wait3A_201] : memref<3x64x320x320xf32, #tpu.memory_space<hbm>> -> memref<1x6x320x320xf32, #tpu.memory_space<hbm>>
      %dma_wait3A_203 = tpu.memref_squeeze %dma_wait3A_202 : memref<1x6x320x320xf32, #tpu.memory_space<hbm>> -> memref<6x320x320xf32, #tpu.memory_space<hbm>>
      tpu.wait_dma2 semaphore(%arg5 : memref<!tpu.dma_semaphore, #tpu.memory_space<semaphore_mem>>) src(%dma_wait3A_203 : memref<6x320x320xf32, #tpu.memory_space<hbm>>) dst(%dma_wait3A_198 : memref<6x320x320xf32, #tpu.memory_space<hbm>>)
      %dma_wait3A_204 = arith.constant 0 : i32
      %dma_wait3A_205 = arith.constant 0 : i32
      %dma_wait3A_206 = arith.constant 7 : i32
      %dma_wait3A_207 = arith.constant 0 : i32
      %dma_wait3A_208 = arith.constant 0 : i32
      %dma_wait3A_209 = tpu.memref_slice %arg3[%dma_wait3A_205, %dma_wait3A_206, %dma_wait3A_207, %dma_wait3A_208] : memref<3x16x320x320xf32, #tpu.memory_space<hbm>> -> memref<1x1x320x320xf32, #tpu.memory_space<hbm>>
      %dma_wait3A_210 = tpu.memref_squeeze %dma_wait3A_209 : memref<1x1x320x320xf32, #tpu.memory_space<hbm>> -> memref<1x320x320xf32, #tpu.memory_space<hbm>>
      %dma_wait3A_211 = arith.constant 29 : i32
      %dma_wait3A_212 = arith.constant 0 : i32
      %dma_wait3A_213 = arith.constant 0 : i32
      %dma_wait3A_214 = tpu.memref_slice %arg2[%dma_wait3A_204, %dma_wait3A_211, %dma_wait3A_212, %dma_wait3A_213] : memref<3x64x320x320xf32, #tpu.memory_space<hbm>> -> memref<1x1x320x320xf32, #tpu.memory_space<hbm>>
      %dma_wait3A_215 = tpu.memref_squeeze %dma_wait3A_214 : memref<1x1x320x320xf32, #tpu.memory_space<hbm>> -> memref<1x320x320xf32, #tpu.memory_space<hbm>>
      tpu.wait_dma2 semaphore(%arg5 : memref<!tpu.dma_semaphore, #tpu.memory_space<semaphore_mem>>) src(%dma_wait3A_215 : memref<1x320x320xf32, #tpu.memory_space<hbm>>) dst(%dma_wait3A_210 : memref<1x320x320xf32, #tpu.memory_space<hbm>>)
      %dma_wait3A_216 = arith.constant 2 : i32
      %dma_wait3A_217 = arith.constant 2 : i32
      %dma_wait3A_218 = arith.constant 7 : i32
      %dma_wait3A_219 = arith.constant 0 : i32
      %dma_wait3A_220 = arith.constant 0 : i32
      %dma_wait3A_221 = tpu.memref_slice %arg3[%dma_wait3A_217, %dma_wait3A_218, %dma_wait3A_219, %dma_wait3A_220] : memref<3x16x320x320xf32, #tpu.memory_space<hbm>> -> memref<1x1x320x320xf32, #tpu.memory_space<hbm>>
      %dma_wait3A_222 = tpu.memref_squeeze %dma_wait3A_221 : memref<1x1x320x320xf32, #tpu.memory_space<hbm>> -> memref<1x320x320xf32, #tpu.memory_space<hbm>>
      %dma_wait3A_223 = arith.constant 29 : i32
      %dma_wait3A_224 = arith.constant 0 : i32
      %dma_wait3A_225 = arith.constant 0 : i32
      %dma_wait3A_226 = tpu.memref_slice %arg2[%dma_wait3A_216, %dma_wait3A_223, %dma_wait3A_224, %dma_wait3A_225] : memref<3x64x320x320xf32, #tpu.memory_space<hbm>> -> memref<1x1x320x320xf32, #tpu.memory_space<hbm>>
      %dma_wait3A_227 = tpu.memref_squeeze %dma_wait3A_226 : memref<1x1x320x320xf32, #tpu.memory_space<hbm>> -> memref<1x320x320xf32, #tpu.memory_space<hbm>>
      tpu.wait_dma2 semaphore(%arg5 : memref<!tpu.dma_semaphore, #tpu.memory_space<semaphore_mem>>) src(%dma_wait3A_227 : memref<1x320x320xf32, #tpu.memory_space<hbm>>) dst(%dma_wait3A_222 : memref<1x320x320xf32, #tpu.memory_space<hbm>>)
    } else {
    }
    %eq3A_38 = arith.constant 8 : i32
    %eq3A_39 = arith.cmpi eq, %add3A, %eq3A_38 : i32
    %convert_element_type3A_40 = arith.extui %eq3A_39 : i1 to i32
    %cond3A_41 = arith.constant 0 : i32
    %cond3A_42 = arith.cmpi ne, %convert_element_type3A_40, %cond3A_41 : i32
    scf.if %cond3A_42 {
      %dma_start3A = arith.constant 0 : i32
      %dma_start3A_158 = arith.constant 0 : i32
      %dma_start3A_159 = arith.constant 48 : i32
      %dma_start3A_160 = arith.constant 0 : i32
      %dma_start3A_161 = arith.constant 0 : i32
      %dma_start3A_162 = tpu.memref_slice %arg4[%dma_start3A_158, %dma_start3A_159, %dma_start3A_160, %dma_start3A_161] : memref<3x64x320x320xf32, #tpu.memory_space<hbm>> -> memref<1x6x320x320xf32, #tpu.memory_space<hbm>>
      %dma_start3A_163 = tpu.memref_squeeze %dma_start3A_162 : memref<1x6x320x320xf32, #tpu.memory_space<hbm>> -> memref<6x320x320xf32, #tpu.memory_space<hbm>>
      %dma_start3A_164 = arith.constant 48 : i32
      %dma_start3A_165 = arith.constant 0 : i32
      %dma_start3A_166 = arith.constant 0 : i32
      %dma_start3A_167 = tpu.memref_slice %arg2[%dma_start3A, %dma_start3A_164, %dma_start3A_165, %dma_start3A_166] : memref<3x64x320x320xf32, #tpu.memory_space<hbm>> -> memref<1x6x320x320xf32, #tpu.memory_space<hbm>>
      %dma_start3A_168 = tpu.memref_squeeze %dma_start3A_167 : memref<1x6x320x320xf32, #tpu.memory_space<hbm>> -> memref<6x320x320xf32, #tpu.memory_space<hbm>>
      tpu.enqueue_dma source(%dma_start3A_168 : memref<6x320x320xf32, #tpu.memory_space<hbm>>) target(%dma_start3A_163 : memref<6x320x320xf32, #tpu.memory_space<hbm>>) target_semaphore(%arg5 : memref<!tpu.dma_semaphore, #tpu.memory_space<semaphore_mem>>)
      %dma_start3A_169 = arith.constant 0 : i32
      %dma_start3A_170 = arith.constant 0 : i32
      %dma_start3A_171 = arith.constant 8 : i32
      %dma_start3A_172 = arith.constant 0 : i32
      %dma_start3A_173 = arith.constant 0 : i32
      %dma_start3A_174 = tpu.memref_slice %arg3[%dma_start3A_170, %dma_start3A_171, %dma_start3A_172, %dma_start3A_173] : memref<3x16x320x320xf32, #tpu.memory_space<hbm>> -> memref<1x1x320x320xf32, #tpu.memory_space<hbm>>
      %dma_start3A_175 = tpu.memref_squeeze %dma_start3A_174 : memref<1x1x320x320xf32, #tpu.memory_space<hbm>> -> memref<1x320x320xf32, #tpu.memory_space<hbm>>
      %dma_start3A_176 = arith.constant 33 : i32
      %dma_start3A_177 = arith.constant 0 : i32
      %dma_start3A_178 = arith.constant 0 : i32
      %dma_start3A_179 = tpu.memref_slice %arg2[%dma_start3A_169, %dma_start3A_176, %dma_start3A_177, %dma_start3A_178] : memref<3x64x320x320xf32, #tpu.memory_space<hbm>> -> memref<1x1x320x320xf32, #tpu.memory_space<hbm>>
      %dma_start3A_180 = tpu.memref_squeeze %dma_start3A_179 : memref<1x1x320x320xf32, #tpu.memory_space<hbm>> -> memref<1x320x320xf32, #tpu.memory_space<hbm>>
      tpu.enqueue_dma source(%dma_start3A_180 : memref<1x320x320xf32, #tpu.memory_space<hbm>>) target(%dma_start3A_175 : memref<1x320x320xf32, #tpu.memory_space<hbm>>) target_semaphore(%arg5 : memref<!tpu.dma_semaphore, #tpu.memory_space<semaphore_mem>>)
      %dma_start3A_181 = arith.constant 2 : i32
      %dma_start3A_182 = arith.constant 2 : i32
      %dma_start3A_183 = arith.constant 8 : i32
      %dma_start3A_184 = arith.constant 0 : i32
      %dma_start3A_185 = arith.constant 0 : i32
      %dma_start3A_186 = tpu.memref_slice %arg3[%dma_start3A_182, %dma_start3A_183, %dma_start3A_184, %dma_start3A_185] : memref<3x16x320x320xf32, #tpu.memory_space<hbm>> -> memref<1x1x320x320xf32, #tpu.memory_space<hbm>>
      %dma_start3A_187 = tpu.memref_squeeze %dma_start3A_186 : memref<1x1x320x320xf32, #tpu.memory_space<hbm>> -> memref<1x320x320xf32, #tpu.memory_space<hbm>>
      %dma_start3A_188 = arith.constant 33 : i32
      %dma_start3A_189 = arith.constant 0 : i32
      %dma_start3A_190 = arith.constant 0 : i32
      %dma_start3A_191 = tpu.memref_slice %arg2[%dma_start3A_181, %dma_start3A_188, %dma_start3A_189, %dma_start3A_190] : memref<3x64x320x320xf32, #tpu.memory_space<hbm>> -> memref<1x1x320x320xf32, #tpu.memory_space<hbm>>
      %dma_start3A_192 = tpu.memref_squeeze %dma_start3A_191 : memref<1x1x320x320xf32, #tpu.memory_space<hbm>> -> memref<1x320x320xf32, #tpu.memory_space<hbm>>
      tpu.enqueue_dma source(%dma_start3A_192 : memref<1x320x320xf32, #tpu.memory_space<hbm>>) target(%dma_start3A_187 : memref<1x320x320xf32, #tpu.memory_space<hbm>>) target_semaphore(%arg5 : memref<!tpu.dma_semaphore, #tpu.memory_space<semaphore_mem>>)
      %dma_wait3A = arith.constant 0 : i32
      %dma_wait3A_193 = arith.constant 0 : i32
      %dma_wait3A_194 = arith.constant 48 : i32
      %dma_wait3A_195 = arith.constant 0 : i32
      %dma_wait3A_196 = arith.constant 0 : i32
      %dma_wait3A_197 = tpu.memref_slice %arg4[%dma_wait3A_193, %dma_wait3A_194, %dma_wait3A_195, %dma_wait3A_196] : memref<3x64x320x320xf32, #tpu.memory_space<hbm>> -> memref<1x6x320x320xf32, #tpu.memory_space<hbm>>
      %dma_wait3A_198 = tpu.memref_squeeze %dma_wait3A_197 : memref<1x6x320x320xf32, #tpu.memory_space<hbm>> -> memref<6x320x320xf32, #tpu.memory_space<hbm>>
      %dma_wait3A_199 = arith.constant 48 : i32
      %dma_wait3A_200 = arith.constant 0 : i32
      %dma_wait3A_201 = arith.constant 0 : i32
      %dma_wait3A_202 = tpu.memref_slice %arg2[%dma_wait3A, %dma_wait3A_199, %dma_wait3A_200, %dma_wait3A_201] : memref<3x64x320x320xf32, #tpu.memory_space<hbm>> -> memref<1x6x320x320xf32, #tpu.memory_space<hbm>>
      %dma_wait3A_203 = tpu.memref_squeeze %dma_wait3A_202 : memref<1x6x320x320xf32, #tpu.memory_space<hbm>> -> memref<6x320x320xf32, #tpu.memory_space<hbm>>
      tpu.wait_dma2 semaphore(%arg5 : memref<!tpu.dma_semaphore, #tpu.memory_space<semaphore_mem>>) src(%dma_wait3A_203 : memref<6x320x320xf32, #tpu.memory_space<hbm>>) dst(%dma_wait3A_198 : memref<6x320x320xf32, #tpu.memory_space<hbm>>)
      %dma_wait3A_204 = arith.constant 0 : i32
      %dma_wait3A_205 = arith.constant 0 : i32
      %dma_wait3A_206 = arith.constant 8 : i32
      %dma_wait3A_207 = arith.constant 0 : i32
      %dma_wait3A_208 = arith.constant 0 : i32
      %dma_wait3A_209 = tpu.memref_slice %arg3[%dma_wait3A_205, %dma_wait3A_206, %dma_wait3A_207, %dma_wait3A_208] : memref<3x16x320x320xf32, #tpu.memory_space<hbm>> -> memref<1x1x320x320xf32, #tpu.memory_space<hbm>>
      %dma_wait3A_210 = tpu.memref_squeeze %dma_wait3A_209 : memref<1x1x320x320xf32, #tpu.memory_space<hbm>> -> memref<1x320x320xf32, #tpu.memory_space<hbm>>
      %dma_wait3A_211 = arith.constant 33 : i32
      %dma_wait3A_212 = arith.constant 0 : i32
      %dma_wait3A_213 = arith.constant 0 : i32
      %dma_wait3A_214 = tpu.memref_slice %arg2[%dma_wait3A_204, %dma_wait3A_211, %dma_wait3A_212, %dma_wait3A_213] : memref<3x64x320x320xf32, #tpu.memory_space<hbm>> -> memref<1x1x320x320xf32, #tpu.memory_space<hbm>>
      %dma_wait3A_215 = tpu.memref_squeeze %dma_wait3A_214 : memref<1x1x320x320xf32, #tpu.memory_space<hbm>> -> memref<1x320x320xf32, #tpu.memory_space<hbm>>
      tpu.wait_dma2 semaphore(%arg5 : memref<!tpu.dma_semaphore, #tpu.memory_space<semaphore_mem>>) src(%dma_wait3A_215 : memref<1x320x320xf32, #tpu.memory_space<hbm>>) dst(%dma_wait3A_210 : memref<1x320x320xf32, #tpu.memory_space<hbm>>)
      %dma_wait3A_216 = arith.constant 2 : i32
      %dma_wait3A_217 = arith.constant 2 : i32
      %dma_wait3A_218 = arith.constant 8 : i32
      %dma_wait3A_219 = arith.constant 0 : i32
      %dma_wait3A_220 = arith.constant 0 : i32
      %dma_wait3A_221 = tpu.memref_slice %arg3[%dma_wait3A_217, %dma_wait3A_218, %dma_wait3A_219, %dma_wait3A_220] : memref<3x16x320x320xf32, #tpu.memory_space<hbm>> -> memref<1x1x320x320xf32, #tpu.memory_space<hbm>>
      %dma_wait3A_222 = tpu.memref_squeeze %dma_wait3A_221 : memref<1x1x320x320xf32, #tpu.memory_space<hbm>> -> memref<1x320x320xf32, #tpu.memory_space<hbm>>
      %dma_wait3A_223 = arith.constant 33 : i32
      %dma_wait3A_224 = arith.constant 0 : i32
      %dma_wait3A_225 = arith.constant 0 : i32
      %dma_wait3A_226 = tpu.memref_slice %arg2[%dma_wait3A_216, %dma_wait3A_223, %dma_wait3A_224, %dma_wait3A_225] : memref<3x64x320x320xf32, #tpu.memory_space<hbm>> -> memref<1x1x320x320xf32, #tpu.memory_space<hbm>>
      %dma_wait3A_227 = tpu.memref_squeeze %dma_wait3A_226 : memref<1x1x320x320xf32, #tpu.memory_space<hbm>> -> memref<1x320x320xf32, #tpu.memory_space<hbm>>
      tpu.wait_dma2 semaphore(%arg5 : memref<!tpu.dma_semaphore, #tpu.memory_space<semaphore_mem>>) src(%dma_wait3A_227 : memref<1x320x320xf32, #tpu.memory_space<hbm>>) dst(%dma_wait3A_222 : memref<1x320x320xf32, #tpu.memory_space<hbm>>)
    } else {
    }
    %eq3A_43 = arith.constant 9 : i32
    %eq3A_44 = arith.cmpi eq, %add3A, %eq3A_43 : i32
    %convert_element_type3A_45 = arith.extui %eq3A_44 : i1 to i32
    %cond3A_46 = arith.constant 0 : i32
    %cond3A_47 = arith.cmpi ne, %convert_element_type3A_45, %cond3A_46 : i32
    scf.if %cond3A_47 {
      %dma_start3A = arith.constant 0 : i32
      %dma_start3A_158 = arith.constant 0 : i32
      %dma_start3A_159 = arith.constant 54 : i32
      %dma_start3A_160 = arith.constant 0 : i32
      %dma_start3A_161 = arith.constant 0 : i32
      %dma_start3A_162 = tpu.memref_slice %arg4[%dma_start3A_158, %dma_start3A_159, %dma_start3A_160, %dma_start3A_161] : memref<3x64x320x320xf32, #tpu.memory_space<hbm>> -> memref<1x6x320x320xf32, #tpu.memory_space<hbm>>
      %dma_start3A_163 = tpu.memref_squeeze %dma_start3A_162 : memref<1x6x320x320xf32, #tpu.memory_space<hbm>> -> memref<6x320x320xf32, #tpu.memory_space<hbm>>
      %dma_start3A_164 = arith.constant 54 : i32
      %dma_start3A_165 = arith.constant 0 : i32
      %dma_start3A_166 = arith.constant 0 : i32
      %dma_start3A_167 = tpu.memref_slice %arg2[%dma_start3A, %dma_start3A_164, %dma_start3A_165, %dma_start3A_166] : memref<3x64x320x320xf32, #tpu.memory_space<hbm>> -> memref<1x6x320x320xf32, #tpu.memory_space<hbm>>
      %dma_start3A_168 = tpu.memref_squeeze %dma_start3A_167 : memref<1x6x320x320xf32, #tpu.memory_space<hbm>> -> memref<6x320x320xf32, #tpu.memory_space<hbm>>
      tpu.enqueue_dma source(%dma_start3A_168 : memref<6x320x320xf32, #tpu.memory_space<hbm>>) target(%dma_start3A_163 : memref<6x320x320xf32, #tpu.memory_space<hbm>>) target_semaphore(%arg5 : memref<!tpu.dma_semaphore, #tpu.memory_space<semaphore_mem>>)
      %dma_start3A_169 = arith.constant 0 : i32
      %dma_start3A_170 = arith.constant 0 : i32
      %dma_start3A_171 = arith.constant 9 : i32
      %dma_start3A_172 = arith.constant 0 : i32
      %dma_start3A_173 = arith.constant 0 : i32
      %dma_start3A_174 = tpu.memref_slice %arg3[%dma_start3A_170, %dma_start3A_171, %dma_start3A_172, %dma_start3A_173] : memref<3x16x320x320xf32, #tpu.memory_space<hbm>> -> memref<1x1x320x320xf32, #tpu.memory_space<hbm>>
      %dma_start3A_175 = tpu.memref_squeeze %dma_start3A_174 : memref<1x1x320x320xf32, #tpu.memory_space<hbm>> -> memref<1x320x320xf32, #tpu.memory_space<hbm>>
      %dma_start3A_176 = arith.constant 37 : i32
      %dma_start3A_177 = arith.constant 0 : i32
      %dma_start3A_178 = arith.constant 0 : i32
      %dma_start3A_179 = tpu.memref_slice %arg2[%dma_start3A_169, %dma_start3A_176, %dma_start3A_177, %dma_start3A_178] : memref<3x64x320x320xf32, #tpu.memory_space<hbm>> -> memref<1x1x320x320xf32, #tpu.memory_space<hbm>>
      %dma_start3A_180 = tpu.memref_squeeze %dma_start3A_179 : memref<1x1x320x320xf32, #tpu.memory_space<hbm>> -> memref<1x320x320xf32, #tpu.memory_space<hbm>>
      tpu.enqueue_dma source(%dma_start3A_180 : memref<1x320x320xf32, #tpu.memory_space<hbm>>) target(%dma_start3A_175 : memref<1x320x320xf32, #tpu.memory_space<hbm>>) target_semaphore(%arg5 : memref<!tpu.dma_semaphore, #tpu.memory_space<semaphore_mem>>)
      %dma_start3A_181 = arith.constant 2 : i32
      %dma_start3A_182 = arith.constant 2 : i32
      %dma_start3A_183 = arith.constant 9 : i32
      %dma_start3A_184 = arith.constant 0 : i32
      %dma_start3A_185 = arith.constant 0 : i32
      %dma_start3A_186 = tpu.memref_slice %arg3[%dma_start3A_182, %dma_start3A_183, %dma_start3A_184, %dma_start3A_185] : memref<3x16x320x320xf32, #tpu.memory_space<hbm>> -> memref<1x1x320x320xf32, #tpu.memory_space<hbm>>
      %dma_start3A_187 = tpu.memref_squeeze %dma_start3A_186 : memref<1x1x320x320xf32, #tpu.memory_space<hbm>> -> memref<1x320x320xf32, #tpu.memory_space<hbm>>
      %dma_start3A_188 = arith.constant 37 : i32
      %dma_start3A_189 = arith.constant 0 : i32
      %dma_start3A_190 = arith.constant 0 : i32
      %dma_start3A_191 = tpu.memref_slice %arg2[%dma_start3A_181, %dma_start3A_188, %dma_start3A_189, %dma_start3A_190] : memref<3x64x320x320xf32, #tpu.memory_space<hbm>> -> memref<1x1x320x320xf32, #tpu.memory_space<hbm>>
      %dma_start3A_192 = tpu.memref_squeeze %dma_start3A_191 : memref<1x1x320x320xf32, #tpu.memory_space<hbm>> -> memref<1x320x320xf32, #tpu.memory_space<hbm>>
      tpu.enqueue_dma source(%dma_start3A_192 : memref<1x320x320xf32, #tpu.memory_space<hbm>>) target(%dma_start3A_187 : memref<1x320x320xf32, #tpu.memory_space<hbm>>) target_semaphore(%arg5 : memref<!tpu.dma_semaphore, #tpu.memory_space<semaphore_mem>>)
      %dma_wait3A = arith.constant 0 : i32
      %dma_wait3A_193 = arith.constant 0 : i32
      %dma_wait3A_194 = arith.constant 54 : i32
      %dma_wait3A_195 = arith.constant 0 : i32
      %dma_wait3A_196 = arith.constant 0 : i32
      %dma_wait3A_197 = tpu.memref_slice %arg4[%dma_wait3A_193, %dma_wait3A_194, %dma_wait3A_195, %dma_wait3A_196] : memref<3x64x320x320xf32, #tpu.memory_space<hbm>> -> memref<1x6x320x320xf32, #tpu.memory_space<hbm>>
      %dma_wait3A_198 = tpu.memref_squeeze %dma_wait3A_197 : memref<1x6x320x320xf32, #tpu.memory_space<hbm>> -> memref<6x320x320xf32, #tpu.memory_space<hbm>>
      %dma_wait3A_199 = arith.constant 54 : i32
      %dma_wait3A_200 = arith.constant 0 : i32
      %dma_wait3A_201 = arith.constant 0 : i32
      %dma_wait3A_202 = tpu.memref_slice %arg2[%dma_wait3A, %dma_wait3A_199, %dma_wait3A_200, %dma_wait3A_201] : memref<3x64x320x320xf32, #tpu.memory_space<hbm>> -> memref<1x6x320x320xf32, #tpu.memory_space<hbm>>
      %dma_wait3A_203 = tpu.memref_squeeze %dma_wait3A_202 : memref<1x6x320x320xf32, #tpu.memory_space<hbm>> -> memref<6x320x320xf32, #tpu.memory_space<hbm>>
      tpu.wait_dma2 semaphore(%arg5 : memref<!tpu.dma_semaphore, #tpu.memory_space<semaphore_mem>>) src(%dma_wait3A_203 : memref<6x320x320xf32, #tpu.memory_space<hbm>>) dst(%dma_wait3A_198 : memref<6x320x320xf32, #tpu.memory_space<hbm>>)
      %dma_wait3A_204 = arith.constant 0 : i32
      %dma_wait3A_205 = arith.constant 0 : i32
      %dma_wait3A_206 = arith.constant 9 : i32
      %dma_wait3A_207 = arith.constant 0 : i32
      %dma_wait3A_208 = arith.constant 0 : i32
      %dma_wait3A_209 = tpu.memref_slice %arg3[%dma_wait3A_205, %dma_wait3A_206, %dma_wait3A_207, %dma_wait3A_208] : memref<3x16x320x320xf32, #tpu.memory_space<hbm>> -> memref<1x1x320x320xf32, #tpu.memory_space<hbm>>
      %dma_wait3A_210 = tpu.memref_squeeze %dma_wait3A_209 : memref<1x1x320x320xf32, #tpu.memory_space<hbm>> -> memref<1x320x320xf32, #tpu.memory_space<hbm>>
      %dma_wait3A_211 = arith.constant 37 : i32
      %dma_wait3A_212 = arith.constant 0 : i32
      %dma_wait3A_213 = arith.constant 0 : i32
      %dma_wait3A_214 = tpu.memref_slice %arg2[%dma_wait3A_204, %dma_wait3A_211, %dma_wait3A_212, %dma_wait3A_213] : memref<3x64x320x320xf32, #tpu.memory_space<hbm>> -> memref<1x1x320x320xf32, #tpu.memory_space<hbm>>
      %dma_wait3A_215 = tpu.memref_squeeze %dma_wait3A_214 : memref<1x1x320x320xf32, #tpu.memory_space<hbm>> -> memref<1x320x320xf32, #tpu.memory_space<hbm>>
      tpu.wait_dma2 semaphore(%arg5 : memref<!tpu.dma_semaphore, #tpu.memory_space<semaphore_mem>>) src(%dma_wait3A_215 : memref<1x320x320xf32, #tpu.memory_space<hbm>>) dst(%dma_wait3A_210 : memref<1x320x320xf32, #tpu.memory_space<hbm>>)
      %dma_wait3A_216 = arith.constant 2 : i32
      %dma_wait3A_217 = arith.constant 2 : i32
      %dma_wait3A_218 = arith.constant 9 : i32
      %dma_wait3A_219 = arith.constant 0 : i32
      %dma_wait3A_220 = arith.constant 0 : i32
      %dma_wait3A_221 = tpu.memref_slice %arg3[%dma_wait3A_217, %dma_wait3A_218, %dma_wait3A_219, %dma_wait3A_220] : memref<3x16x320x320xf32, #tpu.memory_space<hbm>> -> memref<1x1x320x320xf32, #tpu.memory_space<hbm>>
      %dma_wait3A_222 = tpu.memref_squeeze %dma_wait3A_221 : memref<1x1x320x320xf32, #tpu.memory_space<hbm>> -> memref<1x320x320xf32, #tpu.memory_space<hbm>>
      %dma_wait3A_223 = arith.constant 37 : i32
      %dma_wait3A_224 = arith.constant 0 : i32
      %dma_wait3A_225 = arith.constant 0 : i32
      %dma_wait3A_226 = tpu.memref_slice %arg2[%dma_wait3A_216, %dma_wait3A_223, %dma_wait3A_224, %dma_wait3A_225] : memref<3x64x320x320xf32, #tpu.memory_space<hbm>> -> memref<1x1x320x320xf32, #tpu.memory_space<hbm>>
      %dma_wait3A_227 = tpu.memref_squeeze %dma_wait3A_226 : memref<1x1x320x320xf32, #tpu.memory_space<hbm>> -> memref<1x320x320xf32, #tpu.memory_space<hbm>>
      tpu.wait_dma2 semaphore(%arg5 : memref<!tpu.dma_semaphore, #tpu.memory_space<semaphore_mem>>) src(%dma_wait3A_227 : memref<1x320x320xf32, #tpu.memory_space<hbm>>) dst(%dma_wait3A_222 : memref<1x320x320xf32, #tpu.memory_space<hbm>>)
    } else {
    }
    %eq3A_48 = arith.constant 10 : i32
    %eq3A_49 = arith.cmpi eq, %add3A, %eq3A_48 : i32
    %convert_element_type3A_50 = arith.extui %eq3A_49 : i1 to i32
    %cond3A_51 = arith.constant 0 : i32
    %cond3A_52 = arith.cmpi ne, %convert_element_type3A_50, %cond3A_51 : i32
    scf.if %cond3A_52 {
      %dma_start3A = arith.constant 0 : i32
      %dma_start3A_158 = arith.constant 0 : i32
      %dma_start3A_159 = arith.constant 60 : i32
      %dma_start3A_160 = arith.constant 0 : i32
      %dma_start3A_161 = arith.constant 0 : i32
      %dma_start3A_162 = tpu.memref_slice %arg4[%dma_start3A_158, %dma_start3A_159, %dma_start3A_160, %dma_start3A_161] : memref<3x64x320x320xf32, #tpu.memory_space<hbm>> -> memref<1x4x320x320xf32, #tpu.memory_space<hbm>>
      %dma_start3A_163 = tpu.memref_squeeze %dma_start3A_162 : memref<1x4x320x320xf32, #tpu.memory_space<hbm>> -> memref<4x320x320xf32, #tpu.memory_space<hbm>>
      %dma_start3A_164 = arith.constant 60 : i32
      %dma_start3A_165 = arith.constant 0 : i32
      %dma_start3A_166 = arith.constant 0 : i32
      %dma_start3A_167 = tpu.memref_slice %arg2[%dma_start3A, %dma_start3A_164, %dma_start3A_165, %dma_start3A_166] : memref<3x64x320x320xf32, #tpu.memory_space<hbm>> -> memref<1x4x320x320xf32, #tpu.memory_space<hbm>>
      %dma_start3A_168 = tpu.memref_squeeze %dma_start3A_167 : memref<1x4x320x320xf32, #tpu.memory_space<hbm>> -> memref<4x320x320xf32, #tpu.memory_space<hbm>>
      tpu.enqueue_dma source(%dma_start3A_168 : memref<4x320x320xf32, #tpu.memory_space<hbm>>) target(%dma_start3A_163 : memref<4x320x320xf32, #tpu.memory_space<hbm>>) target_semaphore(%arg5 : memref<!tpu.dma_semaphore, #tpu.memory_space<semaphore_mem>>)
      %dma_start3A_169 = arith.constant 1 : i32
      %dma_start3A_170 = arith.constant 1 : i32
      %dma_start3A_171 = arith.constant 0 : i32
      %dma_start3A_172 = arith.constant 0 : i32
      %dma_start3A_173 = arith.constant 0 : i32
      %dma_start3A_174 = tpu.memref_slice %arg4[%dma_start3A_170, %dma_start3A_171, %dma_start3A_172, %dma_start3A_173] : memref<3x64x320x320xf32, #tpu.memory_space<hbm>> -> memref<1x2x320x320xf32, #tpu.memory_space<hbm>>
      %dma_start3A_175 = tpu.memref_squeeze %dma_start3A_174 : memref<1x2x320x320xf32, #tpu.memory_space<hbm>> -> memref<2x320x320xf32, #tpu.memory_space<hbm>>
      %dma_start3A_176 = arith.constant 0 : i32
      %dma_start3A_177 = arith.constant 0 : i32
      %dma_start3A_178 = arith.constant 0 : i32
      %dma_start3A_179 = tpu.memref_slice %arg2[%dma_start3A_169, %dma_start3A_176, %dma_start3A_177, %dma_start3A_178] : memref<3x64x320x320xf32, #tpu.memory_space<hbm>> -> memref<1x2x320x320xf32, #tpu.memory_space<hbm>>
      %dma_start3A_180 = tpu.memref_squeeze %dma_start3A_179 : memref<1x2x320x320xf32, #tpu.memory_space<hbm>> -> memref<2x320x320xf32, #tpu.memory_space<hbm>>
      tpu.enqueue_dma source(%dma_start3A_180 : memref<2x320x320xf32, #tpu.memory_space<hbm>>) target(%dma_start3A_175 : memref<2x320x320xf32, #tpu.memory_space<hbm>>) target_semaphore(%arg5 : memref<!tpu.dma_semaphore, #tpu.memory_space<semaphore_mem>>)
      %dma_start3A_181 = arith.constant 0 : i32
      %dma_start3A_182 = arith.constant 0 : i32
      %dma_start3A_183 = arith.constant 10 : i32
      %dma_start3A_184 = arith.constant 0 : i32
      %dma_start3A_185 = arith.constant 0 : i32
      %dma_start3A_186 = tpu.memref_slice %arg3[%dma_start3A_182, %dma_start3A_183, %dma_start3A_184, %dma_start3A_185] : memref<3x16x320x320xf32, #tpu.memory_space<hbm>> -> memref<1x1x320x320xf32, #tpu.memory_space<hbm>>
      %dma_start3A_187 = tpu.memref_squeeze %dma_start3A_186 : memref<1x1x320x320xf32, #tpu.memory_space<hbm>> -> memref<1x320x320xf32, #tpu.memory_space<hbm>>
      %dma_start3A_188 = arith.constant 42 : i32
      %dma_start3A_189 = arith.constant 0 : i32
      %dma_start3A_190 = arith.constant 0 : i32
      %dma_start3A_191 = tpu.memref_slice %arg2[%dma_start3A_181, %dma_start3A_188, %dma_start3A_189, %dma_start3A_190] : memref<3x64x320x320xf32, #tpu.memory_space<hbm>> -> memref<1x1x320x320xf32, #tpu.memory_space<hbm>>
      %dma_start3A_192 = tpu.memref_squeeze %dma_start3A_191 : memref<1x1x320x320xf32, #tpu.memory_space<hbm>> -> memref<1x320x320xf32, #tpu.memory_space<hbm>>
      tpu.enqueue_dma source(%dma_start3A_192 : memref<1x320x320xf32, #tpu.memory_space<hbm>>) target(%dma_start3A_187 : memref<1x320x320xf32, #tpu.memory_space<hbm>>) target_semaphore(%arg5 : memref<!tpu.dma_semaphore, #tpu.memory_space<semaphore_mem>>)
      %dma_start3A_193 = arith.constant 2 : i32
      %dma_start3A_194 = arith.constant 2 : i32
      %dma_start3A_195 = arith.constant 10 : i32
      %dma_start3A_196 = arith.constant 0 : i32
      %dma_start3A_197 = arith.constant 0 : i32
      %dma_start3A_198 = tpu.memref_slice %arg3[%dma_start3A_194, %dma_start3A_195, %dma_start3A_196, %dma_start3A_197] : memref<3x16x320x320xf32, #tpu.memory_space<hbm>> -> memref<1x1x320x320xf32, #tpu.memory_space<hbm>>
      %dma_start3A_199 = tpu.memref_squeeze %dma_start3A_198 : memref<1x1x320x320xf32, #tpu.memory_space<hbm>> -> memref<1x320x320xf32, #tpu.memory_space<hbm>>
      %dma_start3A_200 = arith.constant 42 : i32
      %dma_start3A_201 = arith.constant 0 : i32
      %dma_start3A_202 = arith.constant 0 : i32
      %dma_start3A_203 = tpu.memref_slice %arg2[%dma_start3A_193, %dma_start3A_200, %dma_start3A_201, %dma_start3A_202] : memref<3x64x320x320xf32, #tpu.memory_space<hbm>> -> memref<1x1x320x320xf32, #tpu.memory_space<hbm>>
      %dma_start3A_204 = tpu.memref_squeeze %dma_start3A_203 : memref<1x1x320x320xf32, #tpu.memory_space<hbm>> -> memref<1x320x320xf32, #tpu.memory_space<hbm>>
      tpu.enqueue_dma source(%dma_start3A_204 : memref<1x320x320xf32, #tpu.memory_space<hbm>>) target(%dma_start3A_199 : memref<1x320x320xf32, #tpu.memory_space<hbm>>) target_semaphore(%arg5 : memref<!tpu.dma_semaphore, #tpu.memory_space<semaphore_mem>>)
      %dma_wait3A = arith.constant 0 : i32
      %dma_wait3A_205 = arith.constant 0 : i32
      %dma_wait3A_206 = arith.constant 60 : i32
      %dma_wait3A_207 = arith.constant 0 : i32
      %dma_wait3A_208 = arith.constant 0 : i32
      %dma_wait3A_209 = tpu.memref_slice %arg4[%dma_wait3A_205, %dma_wait3A_206, %dma_wait3A_207, %dma_wait3A_208] : memref<3x64x320x320xf32, #tpu.memory_space<hbm>> -> memref<1x4x320x320xf32, #tpu.memory_space<hbm>>
      %dma_wait3A_210 = tpu.memref_squeeze %dma_wait3A_209 : memref<1x4x320x320xf32, #tpu.memory_space<hbm>> -> memref<4x320x320xf32, #tpu.memory_space<hbm>>
      %dma_wait3A_211 = arith.constant 60 : i32
      %dma_wait3A_212 = arith.constant 0 : i32
      %dma_wait3A_213 = arith.constant 0 : i32
      %dma_wait3A_214 = tpu.memref_slice %arg2[%dma_wait3A, %dma_wait3A_211, %dma_wait3A_212, %dma_wait3A_213] : memref<3x64x320x320xf32, #tpu.memory_space<hbm>> -> memref<1x4x320x320xf32, #tpu.memory_space<hbm>>
      %dma_wait3A_215 = tpu.memref_squeeze %dma_wait3A_214 : memref<1x4x320x320xf32, #tpu.memory_space<hbm>> -> memref<4x320x320xf32, #tpu.memory_space<hbm>>
      tpu.wait_dma2 semaphore(%arg5 : memref<!tpu.dma_semaphore, #tpu.memory_space<semaphore_mem>>) src(%dma_wait3A_215 : memref<4x320x320xf32, #tpu.memory_space<hbm>>) dst(%dma_wait3A_210 : memref<4x320x320xf32, #tpu.memory_space<hbm>>)
      %dma_wait3A_216 = arith.constant 1 : i32
      %dma_wait3A_217 = arith.constant 1 : i32
      %dma_wait3A_218 = arith.constant 0 : i32
      %dma_wait3A_219 = arith.constant 0 : i32
      %dma_wait3A_220 = arith.constant 0 : i32
      %dma_wait3A_221 = tpu.memref_slice %arg4[%dma_wait3A_217, %dma_wait3A_218, %dma_wait3A_219, %dma_wait3A_220] : memref<3x64x320x320xf32, #tpu.memory_space<hbm>> -> memref<1x2x320x320xf32, #tpu.memory_space<hbm>>
      %dma_wait3A_222 = tpu.memref_squeeze %dma_wait3A_221 : memref<1x2x320x320xf32, #tpu.memory_space<hbm>> -> memref<2x320x320xf32, #tpu.memory_space<hbm>>
      %dma_wait3A_223 = arith.constant 0 : i32
      %dma_wait3A_224 = arith.constant 0 : i32
      %dma_wait3A_225 = arith.constant 0 : i32
      %dma_wait3A_226 = tpu.memref_slice %arg2[%dma_wait3A_216, %dma_wait3A_223, %dma_wait3A_224, %dma_wait3A_225] : memref<3x64x320x320xf32, #tpu.memory_space<hbm>> -> memref<1x2x320x320xf32, #tpu.memory_space<hbm>>
      %dma_wait3A_227 = tpu.memref_squeeze %dma_wait3A_226 : memref<1x2x320x320xf32, #tpu.memory_space<hbm>> -> memref<2x320x320xf32, #tpu.memory_space<hbm>>
      tpu.wait_dma2 semaphore(%arg5 : memref<!tpu.dma_semaphore, #tpu.memory_space<semaphore_mem>>) src(%dma_wait3A_227 : memref<2x320x320xf32, #tpu.memory_space<hbm>>) dst(%dma_wait3A_222 : memref<2x320x320xf32, #tpu.memory_space<hbm>>)
      %dma_wait3A_228 = arith.constant 0 : i32
      %dma_wait3A_229 = arith.constant 0 : i32
      %dma_wait3A_230 = arith.constant 10 : i32
      %dma_wait3A_231 = arith.constant 0 : i32
      %dma_wait3A_232 = arith.constant 0 : i32
      %dma_wait3A_233 = tpu.memref_slice %arg3[%dma_wait3A_229, %dma_wait3A_230, %dma_wait3A_231, %dma_wait3A_232] : memref<3x16x320x320xf32, #tpu.memory_space<hbm>> -> memref<1x1x320x320xf32, #tpu.memory_space<hbm>>
      %dma_wait3A_234 = tpu.memref_squeeze %dma_wait3A_233 : memref<1x1x320x320xf32, #tpu.memory_space<hbm>> -> memref<1x320x320xf32, #tpu.memory_space<hbm>>
      %dma_wait3A_235 = arith.constant 42 : i32
      %dma_wait3A_236 = arith.constant 0 : i32
      %dma_wait3A_237 = arith.constant 0 : i32
      %dma_wait3A_238 = tpu.memref_slice %arg2[%dma_wait3A_228, %dma_wait3A_235, %dma_wait3A_236, %dma_wait3A_237] : memref<3x64x320x320xf32, #tpu.memory_space<hbm>> -> memref<1x1x320x320xf32, #tpu.memory_space<hbm>>
      %dma_wait3A_239 = tpu.memref_squeeze %dma_wait3A_238 : memref<1x1x320x320xf32, #tpu.memory_space<hbm>> -> memref<1x320x320xf32, #tpu.memory_space<hbm>>
      tpu.wait_dma2 semaphore(%arg5 : memref<!tpu.dma_semaphore, #tpu.memory_space<semaphore_mem>>) src(%dma_wait3A_239 : memref<1x320x320xf32, #tpu.memory_space<hbm>>) dst(%dma_wait3A_234 : memref<1x320x320xf32, #tpu.memory_space<hbm>>)
      %dma_wait3A_240 = arith.constant 2 : i32
      %dma_wait3A_241 = arith.constant 2 : i32
      %dma_wait3A_242 = arith.constant 10 : i32
      %dma_wait3A_243 = arith.constant 0 : i32
      %dma_wait3A_244 = arith.constant 0 : i32
      %dma_wait3A_245 = tpu.memref_slice %arg3[%dma_wait3A_241, %dma_wait3A_242, %dma_wait3A_243, %dma_wait3A_244] : memref<3x16x320x320xf32, #tpu.memory_space<hbm>> -> memref<1x1x320x320xf32, #tpu.memory_space<hbm>>
      %dma_wait3A_246 = tpu.memref_squeeze %dma_wait3A_245 : memref<1x1x320x320xf32, #tpu.memory_space<hbm>> -> memref<1x320x320xf32, #tpu.memory_space<hbm>>
      %dma_wait3A_247 = arith.constant 42 : i32
      %dma_wait3A_248 = arith.constant 0 : i32
      %dma_wait3A_249 = arith.constant 0 : i32
      %dma_wait3A_250 = tpu.memref_slice %arg2[%dma_wait3A_240, %dma_wait3A_247, %dma_wait3A_248, %dma_wait3A_249] : memref<3x64x320x320xf32, #tpu.memory_space<hbm>> -> memref<1x1x320x320xf32, #tpu.memory_space<hbm>>
      %dma_wait3A_251 = tpu.memref_squeeze %dma_wait3A_250 : memref<1x1x320x320xf32, #tpu.memory_space<hbm>> -> memref<1x320x320xf32, #tpu.memory_space<hbm>>
      tpu.wait_dma2 semaphore(%arg5 : memref<!tpu.dma_semaphore, #tpu.memory_space<semaphore_mem>>) src(%dma_wait3A_251 : memref<1x320x320xf32, #tpu.memory_space<hbm>>) dst(%dma_wait3A_246 : memref<1x320x320xf32, #tpu.memory_space<hbm>>)
    } else {
    }
    %eq3A_53 = arith.constant 11 : i32
    %eq3A_54 = arith.cmpi eq, %add3A, %eq3A_53 : i32
    %convert_element_type3A_55 = arith.extui %eq3A_54 : i1 to i32
    %cond3A_56 = arith.constant 0 : i32
    %cond3A_57 = arith.cmpi ne, %convert_element_type3A_55, %cond3A_56 : i32
    scf.if %cond3A_57 {
      %dma_start3A = arith.constant 1 : i32
      %dma_start3A_158 = arith.constant 1 : i32
      %dma_start3A_159 = arith.constant 2 : i32
      %dma_start3A_160 = arith.constant 0 : i32
      %dma_start3A_161 = arith.constant 0 : i32
      %dma_start3A_162 = tpu.memref_slice %arg4[%dma_start3A_158, %dma_start3A_159, %dma_start3A_160, %dma_start3A_161] : memref<3x64x320x320xf32, #tpu.memory_space<hbm>> -> memref<1x6x320x320xf32, #tpu.memory_space<hbm>>
      %dma_start3A_163 = tpu.memref_squeeze %dma_start3A_162 : memref<1x6x320x320xf32, #tpu.memory_space<hbm>> -> memref<6x320x320xf32, #tpu.memory_space<hbm>>
      %dma_start3A_164 = arith.constant 2 : i32
      %dma_start3A_165 = arith.constant 0 : i32
      %dma_start3A_166 = arith.constant 0 : i32
      %dma_start3A_167 = tpu.memref_slice %arg2[%dma_start3A, %dma_start3A_164, %dma_start3A_165, %dma_start3A_166] : memref<3x64x320x320xf32, #tpu.memory_space<hbm>> -> memref<1x6x320x320xf32, #tpu.memory_space<hbm>>
      %dma_start3A_168 = tpu.memref_squeeze %dma_start3A_167 : memref<1x6x320x320xf32, #tpu.memory_space<hbm>> -> memref<6x320x320xf32, #tpu.memory_space<hbm>>
      tpu.enqueue_dma source(%dma_start3A_168 : memref<6x320x320xf32, #tpu.memory_space<hbm>>) target(%dma_start3A_163 : memref<6x320x320xf32, #tpu.memory_space<hbm>>) target_semaphore(%arg5 : memref<!tpu.dma_semaphore, #tpu.memory_space<semaphore_mem>>)
      %dma_start3A_169 = arith.constant 0 : i32
      %dma_start3A_170 = arith.constant 0 : i32
      %dma_start3A_171 = arith.constant 11 : i32
      %dma_start3A_172 = arith.constant 0 : i32
      %dma_start3A_173 = arith.constant 0 : i32
      %dma_start3A_174 = tpu.memref_slice %arg3[%dma_start3A_170, %dma_start3A_171, %dma_start3A_172, %dma_start3A_173] : memref<3x16x320x320xf32, #tpu.memory_space<hbm>> -> memref<1x1x320x320xf32, #tpu.memory_space<hbm>>
      %dma_start3A_175 = tpu.memref_squeeze %dma_start3A_174 : memref<1x1x320x320xf32, #tpu.memory_space<hbm>> -> memref<1x320x320xf32, #tpu.memory_space<hbm>>
      %dma_start3A_176 = arith.constant 46 : i32
      %dma_start3A_177 = arith.constant 0 : i32
      %dma_start3A_178 = arith.constant 0 : i32
      %dma_start3A_179 = tpu.memref_slice %arg2[%dma_start3A_169, %dma_start3A_176, %dma_start3A_177, %dma_start3A_178] : memref<3x64x320x320xf32, #tpu.memory_space<hbm>> -> memref<1x1x320x320xf32, #tpu.memory_space<hbm>>
      %dma_start3A_180 = tpu.memref_squeeze %dma_start3A_179 : memref<1x1x320x320xf32, #tpu.memory_space<hbm>> -> memref<1x320x320xf32, #tpu.memory_space<hbm>>
      tpu.enqueue_dma source(%dma_start3A_180 : memref<1x320x320xf32, #tpu.memory_space<hbm>>) target(%dma_start3A_175 : memref<1x320x320xf32, #tpu.memory_space<hbm>>) target_semaphore(%arg5 : memref<!tpu.dma_semaphore, #tpu.memory_space<semaphore_mem>>)
      %dma_start3A_181 = arith.constant 2 : i32
      %dma_start3A_182 = arith.constant 2 : i32
      %dma_start3A_183 = arith.constant 11 : i32
      %dma_start3A_184 = arith.constant 0 : i32
      %dma_start3A_185 = arith.constant 0 : i32
      %dma_start3A_186 = tpu.memref_slice %arg3[%dma_start3A_182, %dma_start3A_183, %dma_start3A_184, %dma_start3A_185] : memref<3x16x320x320xf32, #tpu.memory_space<hbm>> -> memref<1x1x320x320xf32, #tpu.memory_space<hbm>>
      %dma_start3A_187 = tpu.memref_squeeze %dma_start3A_186 : memref<1x1x320x320xf32, #tpu.memory_space<hbm>> -> memref<1x320x320xf32, #tpu.memory_space<hbm>>
      %dma_start3A_188 = arith.constant 46 : i32
      %dma_start3A_189 = arith.constant 0 : i32
      %dma_start3A_190 = arith.constant 0 : i32
      %dma_start3A_191 = tpu.memref_slice %arg2[%dma_start3A_181, %dma_start3A_188, %dma_start3A_189, %dma_start3A_190] : memref<3x64x320x320xf32, #tpu.memory_space<hbm>> -> memref<1x1x320x320xf32, #tpu.memory_space<hbm>>
      %dma_start3A_192 = tpu.memref_squeeze %dma_start3A_191 : memref<1x1x320x320xf32, #tpu.memory_space<hbm>> -> memref<1x320x320xf32, #tpu.memory_space<hbm>>
      tpu.enqueue_dma source(%dma_start3A_192 : memref<1x320x320xf32, #tpu.memory_space<hbm>>) target(%dma_start3A_187 : memref<1x320x320xf32, #tpu.memory_space<hbm>>) target_semaphore(%arg5 : memref<!tpu.dma_semaphore, #tpu.memory_space<semaphore_mem>>)
      %dma_wait3A = arith.constant 1 : i32
      %dma_wait3A_193 = arith.constant 1 : i32
      %dma_wait3A_194 = arith.constant 2 : i32
      %dma_wait3A_195 = arith.constant 0 : i32
      %dma_wait3A_196 = arith.constant 0 : i32
      %dma_wait3A_197 = tpu.memref_slice %arg4[%dma_wait3A_193, %dma_wait3A_194, %dma_wait3A_195, %dma_wait3A_196] : memref<3x64x320x320xf32, #tpu.memory_space<hbm>> -> memref<1x6x320x320xf32, #tpu.memory_space<hbm>>
      %dma_wait3A_198 = tpu.memref_squeeze %dma_wait3A_197 : memref<1x6x320x320xf32, #tpu.memory_space<hbm>> -> memref<6x320x320xf32, #tpu.memory_space<hbm>>
      %dma_wait3A_199 = arith.constant 2 : i32
      %dma_wait3A_200 = arith.constant 0 : i32
      %dma_wait3A_201 = arith.constant 0 : i32
      %dma_wait3A_202 = tpu.memref_slice %arg2[%dma_wait3A, %dma_wait3A_199, %dma_wait3A_200, %dma_wait3A_201] : memref<3x64x320x320xf32, #tpu.memory_space<hbm>> -> memref<1x6x320x320xf32, #tpu.memory_space<hbm>>
      %dma_wait3A_203 = tpu.memref_squeeze %dma_wait3A_202 : memref<1x6x320x320xf32, #tpu.memory_space<hbm>> -> memref<6x320x320xf32, #tpu.memory_space<hbm>>
      tpu.wait_dma2 semaphore(%arg5 : memref<!tpu.dma_semaphore, #tpu.memory_space<semaphore_mem>>) src(%dma_wait3A_203 : memref<6x320x320xf32, #tpu.memory_space<hbm>>) dst(%dma_wait3A_198 : memref<6x320x320xf32, #tpu.memory_space<hbm>>)
      %dma_wait3A_204 = arith.constant 0 : i32
      %dma_wait3A_205 = arith.constant 0 : i32
      %dma_wait3A_206 = arith.constant 11 : i32
      %dma_wait3A_207 = arith.constant 0 : i32
      %dma_wait3A_208 = arith.constant 0 : i32
      %dma_wait3A_209 = tpu.memref_slice %arg3[%dma_wait3A_205, %dma_wait3A_206, %dma_wait3A_207, %dma_wait3A_208] : memref<3x16x320x320xf32, #tpu.memory_space<hbm>> -> memref<1x1x320x320xf32, #tpu.memory_space<hbm>>
      %dma_wait3A_210 = tpu.memref_squeeze %dma_wait3A_209 : memref<1x1x320x320xf32, #tpu.memory_space<hbm>> -> memref<1x320x320xf32, #tpu.memory_space<hbm>>
      %dma_wait3A_211 = arith.constant 46 : i32
      %dma_wait3A_212 = arith.constant 0 : i32
      %dma_wait3A_213 = arith.constant 0 : i32
      %dma_wait3A_214 = tpu.memref_slice %arg2[%dma_wait3A_204, %dma_wait3A_211, %dma_wait3A_212, %dma_wait3A_213] : memref<3x64x320x320xf32, #tpu.memory_space<hbm>> -> memref<1x1x320x320xf32, #tpu.memory_space<hbm>>
      %dma_wait3A_215 = tpu.memref_squeeze %dma_wait3A_214 : memref<1x1x320x320xf32, #tpu.memory_space<hbm>> -> memref<1x320x320xf32, #tpu.memory_space<hbm>>
      tpu.wait_dma2 semaphore(%arg5 : memref<!tpu.dma_semaphore, #tpu.memory_space<semaphore_mem>>) src(%dma_wait3A_215 : memref<1x320x320xf32, #tpu.memory_space<hbm>>) dst(%dma_wait3A_210 : memref<1x320x320xf32, #tpu.memory_space<hbm>>)
      %dma_wait3A_216 = arith.constant 2 : i32
      %dma_wait3A_217 = arith.constant 2 : i32
      %dma_wait3A_218 = arith.constant 11 : i32
      %dma_wait3A_219 = arith.constant 0 : i32
      %dma_wait3A_220 = arith.constant 0 : i32
      %dma_wait3A_221 = tpu.memref_slice %arg3[%dma_wait3A_217, %dma_wait3A_218, %dma_wait3A_219, %dma_wait3A_220] : memref<3x16x320x320xf32, #tpu.memory_space<hbm>> -> memref<1x1x320x320xf32, #tpu.memory_space<hbm>>
      %dma_wait3A_222 = tpu.memref_squeeze %dma_wait3A_221 : memref<1x1x320x320xf32, #tpu.memory_space<hbm>> -> memref<1x320x320xf32, #tpu.memory_space<hbm>>
      %dma_wait3A_223 = arith.constant 46 : i32
      %dma_wait3A_224 = arith.constant 0 : i32
      %dma_wait3A_225 = arith.constant 0 : i32
      %dma_wait3A_226 = tpu.memref_slice %arg2[%dma_wait3A_216, %dma_wait3A_223, %dma_wait3A_224, %dma_wait3A_225] : memref<3x64x320x320xf32, #tpu.memory_space<hbm>> -> memref<1x1x320x320xf32, #tpu.memory_space<hbm>>
      %dma_wait3A_227 = tpu.memref_squeeze %dma_wait3A_226 : memref<1x1x320x320xf32, #tpu.memory_space<hbm>> -> memref<1x320x320xf32, #tpu.memory_space<hbm>>
      tpu.wait_dma2 semaphore(%arg5 : memref<!tpu.dma_semaphore, #tpu.memory_space<semaphore_mem>>) src(%dma_wait3A_227 : memref<1x320x320xf32, #tpu.memory_space<hbm>>) dst(%dma_wait3A_222 : memref<1x320x320xf32, #tpu.memory_space<hbm>>)
    } else {
    }
    %eq3A_58 = arith.constant 12 : i32
    %eq3A_59 = arith.cmpi eq, %add3A, %eq3A_58 : i32
    %convert_element_type3A_60 = arith.extui %eq3A_59 : i1 to i32
    %cond3A_61 = arith.constant 0 : i32
    %cond3A_62 = arith.cmpi ne, %convert_element_type3A_60, %cond3A_61 : i32
    scf.if %cond3A_62 {
      %dma_start3A = arith.constant 1 : i32
      %dma_start3A_158 = arith.constant 1 : i32
      %dma_start3A_159 = arith.constant 8 : i32
      %dma_start3A_160 = arith.constant 0 : i32
      %dma_start3A_161 = arith.constant 0 : i32
      %dma_start3A_162 = tpu.memref_slice %arg4[%dma_start3A_158, %dma_start3A_159, %dma_start3A_160, %dma_start3A_161] : memref<3x64x320x320xf32, #tpu.memory_space<hbm>> -> memref<1x6x320x320xf32, #tpu.memory_space<hbm>>
      %dma_start3A_163 = tpu.memref_squeeze %dma_start3A_162 : memref<1x6x320x320xf32, #tpu.memory_space<hbm>> -> memref<6x320x320xf32, #tpu.memory_space<hbm>>
      %dma_start3A_164 = arith.constant 8 : i32
      %dma_start3A_165 = arith.constant 0 : i32
      %dma_start3A_166 = arith.constant 0 : i32
      %dma_start3A_167 = tpu.memref_slice %arg2[%dma_start3A, %dma_start3A_164, %dma_start3A_165, %dma_start3A_166] : memref<3x64x320x320xf32, #tpu.memory_space<hbm>> -> memref<1x6x320x320xf32, #tpu.memory_space<hbm>>
      %dma_start3A_168 = tpu.memref_squeeze %dma_start3A_167 : memref<1x6x320x320xf32, #tpu.memory_space<hbm>> -> memref<6x320x320xf32, #tpu.memory_space<hbm>>
      tpu.enqueue_dma source(%dma_start3A_168 : memref<6x320x320xf32, #tpu.memory_space<hbm>>) target(%dma_start3A_163 : memref<6x320x320xf32, #tpu.memory_space<hbm>>) target_semaphore(%arg5 : memref<!tpu.dma_semaphore, #tpu.memory_space<semaphore_mem>>)
      %dma_start3A_169 = arith.constant 0 : i32
      %dma_start3A_170 = arith.constant 0 : i32
      %dma_start3A_171 = arith.constant 12 : i32
      %dma_start3A_172 = arith.constant 0 : i32
      %dma_start3A_173 = arith.constant 0 : i32
      %dma_start3A_174 = tpu.memref_slice %arg3[%dma_start3A_170, %dma_start3A_171, %dma_start3A_172, %dma_start3A_173] : memref<3x16x320x320xf32, #tpu.memory_space<hbm>> -> memref<1x1x320x320xf32, #tpu.memory_space<hbm>>
      %dma_start3A_175 = tpu.memref_squeeze %dma_start3A_174 : memref<1x1x320x320xf32, #tpu.memory_space<hbm>> -> memref<1x320x320xf32, #tpu.memory_space<hbm>>
      %dma_start3A_176 = arith.constant 50 : i32
      %dma_start3A_177 = arith.constant 0 : i32
      %dma_start3A_178 = arith.constant 0 : i32
      %dma_start3A_179 = tpu.memref_slice %arg2[%dma_start3A_169, %dma_start3A_176, %dma_start3A_177, %dma_start3A_178] : memref<3x64x320x320xf32, #tpu.memory_space<hbm>> -> memref<1x1x320x320xf32, #tpu.memory_space<hbm>>
      %dma_start3A_180 = tpu.memref_squeeze %dma_start3A_179 : memref<1x1x320x320xf32, #tpu.memory_space<hbm>> -> memref<1x320x320xf32, #tpu.memory_space<hbm>>
      tpu.enqueue_dma source(%dma_start3A_180 : memref<1x320x320xf32, #tpu.memory_space<hbm>>) target(%dma_start3A_175 : memref<1x320x320xf32, #tpu.memory_space<hbm>>) target_semaphore(%arg5 : memref<!tpu.dma_semaphore, #tpu.memory_space<semaphore_mem>>)
      %dma_start3A_181 = arith.constant 2 : i32
      %dma_start3A_182 = arith.constant 2 : i32
      %dma_start3A_183 = arith.constant 12 : i32
      %dma_start3A_184 = arith.constant 0 : i32
      %dma_start3A_185 = arith.constant 0 : i32
      %dma_start3A_186 = tpu.memref_slice %arg3[%dma_start3A_182, %dma_start3A_183, %dma_start3A_184, %dma_start3A_185] : memref<3x16x320x320xf32, #tpu.memory_space<hbm>> -> memref<1x1x320x320xf32, #tpu.memory_space<hbm>>
      %dma_start3A_187 = tpu.memref_squeeze %dma_start3A_186 : memref<1x1x320x320xf32, #tpu.memory_space<hbm>> -> memref<1x320x320xf32, #tpu.memory_space<hbm>>
      %dma_start3A_188 = arith.constant 50 : i32
      %dma_start3A_189 = arith.constant 0 : i32
      %dma_start3A_190 = arith.constant 0 : i32
      %dma_start3A_191 = tpu.memref_slice %arg2[%dma_start3A_181, %dma_start3A_188, %dma_start3A_189, %dma_start3A_190] : memref<3x64x320x320xf32, #tpu.memory_space<hbm>> -> memref<1x1x320x320xf32, #tpu.memory_space<hbm>>
      %dma_start3A_192 = tpu.memref_squeeze %dma_start3A_191 : memref<1x1x320x320xf32, #tpu.memory_space<hbm>> -> memref<1x320x320xf32, #tpu.memory_space<hbm>>
      tpu.enqueue_dma source(%dma_start3A_192 : memref<1x320x320xf32, #tpu.memory_space<hbm>>) target(%dma_start3A_187 : memref<1x320x320xf32, #tpu.memory_space<hbm>>) target_semaphore(%arg5 : memref<!tpu.dma_semaphore, #tpu.memory_space<semaphore_mem>>)
      %dma_wait3A = arith.constant 1 : i32
      %dma_wait3A_193 = arith.constant 1 : i32
      %dma_wait3A_194 = arith.constant 8 : i32
      %dma_wait3A_195 = arith.constant 0 : i32
      %dma_wait3A_196 = arith.constant 0 : i32
      %dma_wait3A_197 = tpu.memref_slice %arg4[%dma_wait3A_193, %dma_wait3A_194, %dma_wait3A_195, %dma_wait3A_196] : memref<3x64x320x320xf32, #tpu.memory_space<hbm>> -> memref<1x6x320x320xf32, #tpu.memory_space<hbm>>
      %dma_wait3A_198 = tpu.memref_squeeze %dma_wait3A_197 : memref<1x6x320x320xf32, #tpu.memory_space<hbm>> -> memref<6x320x320xf32, #tpu.memory_space<hbm>>
      %dma_wait3A_199 = arith.constant 8 : i32
      %dma_wait3A_200 = arith.constant 0 : i32
      %dma_wait3A_201 = arith.constant 0 : i32
      %dma_wait3A_202 = tpu.memref_slice %arg2[%dma_wait3A, %dma_wait3A_199, %dma_wait3A_200, %dma_wait3A_201] : memref<3x64x320x320xf32, #tpu.memory_space<hbm>> -> memref<1x6x320x320xf32, #tpu.memory_space<hbm>>
      %dma_wait3A_203 = tpu.memref_squeeze %dma_wait3A_202 : memref<1x6x320x320xf32, #tpu.memory_space<hbm>> -> memref<6x320x320xf32, #tpu.memory_space<hbm>>
      tpu.wait_dma2 semaphore(%arg5 : memref<!tpu.dma_semaphore, #tpu.memory_space<semaphore_mem>>) src(%dma_wait3A_203 : memref<6x320x320xf32, #tpu.memory_space<hbm>>) dst(%dma_wait3A_198 : memref<6x320x320xf32, #tpu.memory_space<hbm>>)
      %dma_wait3A_204 = arith.constant 0 : i32
      %dma_wait3A_205 = arith.constant 0 : i32
      %dma_wait3A_206 = arith.constant 12 : i32
      %dma_wait3A_207 = arith.constant 0 : i32
      %dma_wait3A_208 = arith.constant 0 : i32
      %dma_wait3A_209 = tpu.memref_slice %arg3[%dma_wait3A_205, %dma_wait3A_206, %dma_wait3A_207, %dma_wait3A_208] : memref<3x16x320x320xf32, #tpu.memory_space<hbm>> -> memref<1x1x320x320xf32, #tpu.memory_space<hbm>>
      %dma_wait3A_210 = tpu.memref_squeeze %dma_wait3A_209 : memref<1x1x320x320xf32, #tpu.memory_space<hbm>> -> memref<1x320x320xf32, #tpu.memory_space<hbm>>
      %dma_wait3A_211 = arith.constant 50 : i32
      %dma_wait3A_212 = arith.constant 0 : i32
      %dma_wait3A_213 = arith.constant 0 : i32
      %dma_wait3A_214 = tpu.memref_slice %arg2[%dma_wait3A_204, %dma_wait3A_211, %dma_wait3A_212, %dma_wait3A_213] : memref<3x64x320x320xf32, #tpu.memory_space<hbm>> -> memref<1x1x320x320xf32, #tpu.memory_space<hbm>>
      %dma_wait3A_215 = tpu.memref_squeeze %dma_wait3A_214 : memref<1x1x320x320xf32, #tpu.memory_space<hbm>> -> memref<1x320x320xf32, #tpu.memory_space<hbm>>
      tpu.wait_dma2 semaphore(%arg5 : memref<!tpu.dma_semaphore, #tpu.memory_space<semaphore_mem>>) src(%dma_wait3A_215 : memref<1x320x320xf32, #tpu.memory_space<hbm>>) dst(%dma_wait3A_210 : memref<1x320x320xf32, #tpu.memory_space<hbm>>)
      %dma_wait3A_216 = arith.constant 2 : i32
      %dma_wait3A_217 = arith.constant 2 : i32
      %dma_wait3A_218 = arith.constant 12 : i32
      %dma_wait3A_219 = arith.constant 0 : i32
      %dma_wait3A_220 = arith.constant 0 : i32
      %dma_wait3A_221 = tpu.memref_slice %arg3[%dma_wait3A_217, %dma_wait3A_218, %dma_wait3A_219, %dma_wait3A_220] : memref<3x16x320x320xf32, #tpu.memory_space<hbm>> -> memref<1x1x320x320xf32, #tpu.memory_space<hbm>>
      %dma_wait3A_222 = tpu.memref_squeeze %dma_wait3A_221 : memref<1x1x320x320xf32, #tpu.memory_space<hbm>> -> memref<1x320x320xf32, #tpu.memory_space<hbm>>
      %dma_wait3A_223 = arith.constant 50 : i32
      %dma_wait3A_224 = arith.constant 0 : i32
      %dma_wait3A_225 = arith.constant 0 : i32
      %dma_wait3A_226 = tpu.memref_slice %arg2[%dma_wait3A_216, %dma_wait3A_223, %dma_wait3A_224, %dma_wait3A_225] : memref<3x64x320x320xf32, #tpu.memory_space<hbm>> -> memref<1x1x320x320xf32, #tpu.memory_space<hbm>>
      %dma_wait3A_227 = tpu.memref_squeeze %dma_wait3A_226 : memref<1x1x320x320xf32, #tpu.memory_space<hbm>> -> memref<1x320x320xf32, #tpu.memory_space<hbm>>
      tpu.wait_dma2 semaphore(%arg5 : memref<!tpu.dma_semaphore, #tpu.memory_space<semaphore_mem>>) src(%dma_wait3A_227 : memref<1x320x320xf32, #tpu.memory_space<hbm>>) dst(%dma_wait3A_222 : memref<1x320x320xf32, #tpu.memory_space<hbm>>)
    } else {
    }
    %eq3A_63 = arith.constant 13 : i32
    %eq3A_64 = arith.cmpi eq, %add3A, %eq3A_63 : i32
    %convert_element_type3A_65 = arith.extui %eq3A_64 : i1 to i32
    %cond3A_66 = arith.constant 0 : i32
    %cond3A_67 = arith.cmpi ne, %convert_element_type3A_65, %cond3A_66 : i32
    scf.if %cond3A_67 {
      %dma_start3A = arith.constant 1 : i32
      %dma_start3A_158 = arith.constant 1 : i32
      %dma_start3A_159 = arith.constant 14 : i32
      %dma_start3A_160 = arith.constant 0 : i32
      %dma_start3A_161 = arith.constant 0 : i32
      %dma_start3A_162 = tpu.memref_slice %arg4[%dma_start3A_158, %dma_start3A_159, %dma_start3A_160, %dma_start3A_161] : memref<3x64x320x320xf32, #tpu.memory_space<hbm>> -> memref<1x6x320x320xf32, #tpu.memory_space<hbm>>
      %dma_start3A_163 = tpu.memref_squeeze %dma_start3A_162 : memref<1x6x320x320xf32, #tpu.memory_space<hbm>> -> memref<6x320x320xf32, #tpu.memory_space<hbm>>
      %dma_start3A_164 = arith.constant 14 : i32
      %dma_start3A_165 = arith.constant 0 : i32
      %dma_start3A_166 = arith.constant 0 : i32
      %dma_start3A_167 = tpu.memref_slice %arg2[%dma_start3A, %dma_start3A_164, %dma_start3A_165, %dma_start3A_166] : memref<3x64x320x320xf32, #tpu.memory_space<hbm>> -> memref<1x6x320x320xf32, #tpu.memory_space<hbm>>
      %dma_start3A_168 = tpu.memref_squeeze %dma_start3A_167 : memref<1x6x320x320xf32, #tpu.memory_space<hbm>> -> memref<6x320x320xf32, #tpu.memory_space<hbm>>
      tpu.enqueue_dma source(%dma_start3A_168 : memref<6x320x320xf32, #tpu.memory_space<hbm>>) target(%dma_start3A_163 : memref<6x320x320xf32, #tpu.memory_space<hbm>>) target_semaphore(%arg5 : memref<!tpu.dma_semaphore, #tpu.memory_space<semaphore_mem>>)
      %dma_start3A_169 = arith.constant 0 : i32
      %dma_start3A_170 = arith.constant 0 : i32
      %dma_start3A_171 = arith.constant 13 : i32
      %dma_start3A_172 = arith.constant 0 : i32
      %dma_start3A_173 = arith.constant 0 : i32
      %dma_start3A_174 = tpu.memref_slice %arg3[%dma_start3A_170, %dma_start3A_171, %dma_start3A_172, %dma_start3A_173] : memref<3x16x320x320xf32, #tpu.memory_space<hbm>> -> memref<1x1x320x320xf32, #tpu.memory_space<hbm>>
      %dma_start3A_175 = tpu.memref_squeeze %dma_start3A_174 : memref<1x1x320x320xf32, #tpu.memory_space<hbm>> -> memref<1x320x320xf32, #tpu.memory_space<hbm>>
      %dma_start3A_176 = arith.constant 54 : i32
      %dma_start3A_177 = arith.constant 0 : i32
      %dma_start3A_178 = arith.constant 0 : i32
      %dma_start3A_179 = tpu.memref_slice %arg2[%dma_start3A_169, %dma_start3A_176, %dma_start3A_177, %dma_start3A_178] : memref<3x64x320x320xf32, #tpu.memory_space<hbm>> -> memref<1x1x320x320xf32, #tpu.memory_space<hbm>>
      %dma_start3A_180 = tpu.memref_squeeze %dma_start3A_179 : memref<1x1x320x320xf32, #tpu.memory_space<hbm>> -> memref<1x320x320xf32, #tpu.memory_space<hbm>>
      tpu.enqueue_dma source(%dma_start3A_180 : memref<1x320x320xf32, #tpu.memory_space<hbm>>) target(%dma_start3A_175 : memref<1x320x320xf32, #tpu.memory_space<hbm>>) target_semaphore(%arg5 : memref<!tpu.dma_semaphore, #tpu.memory_space<semaphore_mem>>)
      %dma_start3A_181 = arith.constant 2 : i32
      %dma_start3A_182 = arith.constant 2 : i32
      %dma_start3A_183 = arith.constant 13 : i32
      %dma_start3A_184 = arith.constant 0 : i32
      %dma_start3A_185 = arith.constant 0 : i32
      %dma_start3A_186 = tpu.memref_slice %arg3[%dma_start3A_182, %dma_start3A_183, %dma_start3A_184, %dma_start3A_185] : memref<3x16x320x320xf32, #tpu.memory_space<hbm>> -> memref<1x1x320x320xf32, #tpu.memory_space<hbm>>
      %dma_start3A_187 = tpu.memref_squeeze %dma_start3A_186 : memref<1x1x320x320xf32, #tpu.memory_space<hbm>> -> memref<1x320x320xf32, #tpu.memory_space<hbm>>
      %dma_start3A_188 = arith.constant 54 : i32
      %dma_start3A_189 = arith.constant 0 : i32
      %dma_start3A_190 = arith.constant 0 : i32
      %dma_start3A_191 = tpu.memref_slice %arg2[%dma_start3A_181, %dma_start3A_188, %dma_start3A_189, %dma_start3A_190] : memref<3x64x320x320xf32, #tpu.memory_space<hbm>> -> memref<1x1x320x320xf32, #tpu.memory_space<hbm>>
      %dma_start3A_192 = tpu.memref_squeeze %dma_start3A_191 : memref<1x1x320x320xf32, #tpu.memory_space<hbm>> -> memref<1x320x320xf32, #tpu.memory_space<hbm>>
      tpu.enqueue_dma source(%dma_start3A_192 : memref<1x320x320xf32, #tpu.memory_space<hbm>>) target(%dma_start3A_187 : memref<1x320x320xf32, #tpu.memory_space<hbm>>) target_semaphore(%arg5 : memref<!tpu.dma_semaphore, #tpu.memory_space<semaphore_mem>>)
      %dma_wait3A = arith.constant 1 : i32
      %dma_wait3A_193 = arith.constant 1 : i32
      %dma_wait3A_194 = arith.constant 14 : i32
      %dma_wait3A_195 = arith.constant 0 : i32
      %dma_wait3A_196 = arith.constant 0 : i32
      %dma_wait3A_197 = tpu.memref_slice %arg4[%dma_wait3A_193, %dma_wait3A_194, %dma_wait3A_195, %dma_wait3A_196] : memref<3x64x320x320xf32, #tpu.memory_space<hbm>> -> memref<1x6x320x320xf32, #tpu.memory_space<hbm>>
      %dma_wait3A_198 = tpu.memref_squeeze %dma_wait3A_197 : memref<1x6x320x320xf32, #tpu.memory_space<hbm>> -> memref<6x320x320xf32, #tpu.memory_space<hbm>>
      %dma_wait3A_199 = arith.constant 14 : i32
      %dma_wait3A_200 = arith.constant 0 : i32
      %dma_wait3A_201 = arith.constant 0 : i32
      %dma_wait3A_202 = tpu.memref_slice %arg2[%dma_wait3A, %dma_wait3A_199, %dma_wait3A_200, %dma_wait3A_201] : memref<3x64x320x320xf32, #tpu.memory_space<hbm>> -> memref<1x6x320x320xf32, #tpu.memory_space<hbm>>
      %dma_wait3A_203 = tpu.memref_squeeze %dma_wait3A_202 : memref<1x6x320x320xf32, #tpu.memory_space<hbm>> -> memref<6x320x320xf32, #tpu.memory_space<hbm>>
      tpu.wait_dma2 semaphore(%arg5 : memref<!tpu.dma_semaphore, #tpu.memory_space<semaphore_mem>>) src(%dma_wait3A_203 : memref<6x320x320xf32, #tpu.memory_space<hbm>>) dst(%dma_wait3A_198 : memref<6x320x320xf32, #tpu.memory_space<hbm>>)
      %dma_wait3A_204 = arith.constant 0 : i32
      %dma_wait3A_205 = arith.constant 0 : i32
      %dma_wait3A_206 = arith.constant 13 : i32
      %dma_wait3A_207 = arith.constant 0 : i32
      %dma_wait3A_208 = arith.constant 0 : i32
      %dma_wait3A_209 = tpu.memref_slice %arg3[%dma_wait3A_205, %dma_wait3A_206, %dma_wait3A_207, %dma_wait3A_208] : memref<3x16x320x320xf32, #tpu.memory_space<hbm>> -> memref<1x1x320x320xf32, #tpu.memory_space<hbm>>
      %dma_wait3A_210 = tpu.memref_squeeze %dma_wait3A_209 : memref<1x1x320x320xf32, #tpu.memory_space<hbm>> -> memref<1x320x320xf32, #tpu.memory_space<hbm>>
      %dma_wait3A_211 = arith.constant 54 : i32
      %dma_wait3A_212 = arith.constant 0 : i32
      %dma_wait3A_213 = arith.constant 0 : i32
      %dma_wait3A_214 = tpu.memref_slice %arg2[%dma_wait3A_204, %dma_wait3A_211, %dma_wait3A_212, %dma_wait3A_213] : memref<3x64x320x320xf32, #tpu.memory_space<hbm>> -> memref<1x1x320x320xf32, #tpu.memory_space<hbm>>
      %dma_wait3A_215 = tpu.memref_squeeze %dma_wait3A_214 : memref<1x1x320x320xf32, #tpu.memory_space<hbm>> -> memref<1x320x320xf32, #tpu.memory_space<hbm>>
      tpu.wait_dma2 semaphore(%arg5 : memref<!tpu.dma_semaphore, #tpu.memory_space<semaphore_mem>>) src(%dma_wait3A_215 : memref<1x320x320xf32, #tpu.memory_space<hbm>>) dst(%dma_wait3A_210 : memref<1x320x320xf32, #tpu.memory_space<hbm>>)
      %dma_wait3A_216 = arith.constant 2 : i32
      %dma_wait3A_217 = arith.constant 2 : i32
      %dma_wait3A_218 = arith.constant 13 : i32
      %dma_wait3A_219 = arith.constant 0 : i32
      %dma_wait3A_220 = arith.constant 0 : i32
      %dma_wait3A_221 = tpu.memref_slice %arg3[%dma_wait3A_217, %dma_wait3A_218, %dma_wait3A_219, %dma_wait3A_220] : memref<3x16x320x320xf32, #tpu.memory_space<hbm>> -> memref<1x1x320x320xf32, #tpu.memory_space<hbm>>
      %dma_wait3A_222 = tpu.memref_squeeze %dma_wait3A_221 : memref<1x1x320x320xf32, #tpu.memory_space<hbm>> -> memref<1x320x320xf32, #tpu.memory_space<hbm>>
      %dma_wait3A_223 = arith.constant 54 : i32
      %dma_wait3A_224 = arith.constant 0 : i32
      %dma_wait3A_225 = arith.constant 0 : i32
      %dma_wait3A_226 = tpu.memref_slice %arg2[%dma_wait3A_216, %dma_wait3A_223, %dma_wait3A_224, %dma_wait3A_225] : memref<3x64x320x320xf32, #tpu.memory_space<hbm>> -> memref<1x1x320x320xf32, #tpu.memory_space<hbm>>
      %dma_wait3A_227 = tpu.memref_squeeze %dma_wait3A_226 : memref<1x1x320x320xf32, #tpu.memory_space<hbm>> -> memref<1x320x320xf32, #tpu.memory_space<hbm>>
      tpu.wait_dma2 semaphore(%arg5 : memref<!tpu.dma_semaphore, #tpu.memory_space<semaphore_mem>>) src(%dma_wait3A_227 : memref<1x320x320xf32, #tpu.memory_space<hbm>>) dst(%dma_wait3A_222 : memref<1x320x320xf32, #tpu.memory_space<hbm>>)
    } else {
    }
    %eq3A_68 = arith.constant 14 : i32
    %eq3A_69 = arith.cmpi eq, %add3A, %eq3A_68 : i32
    %convert_element_type3A_70 = arith.extui %eq3A_69 : i1 to i32
    %cond3A_71 = arith.constant 0 : i32
    %cond3A_72 = arith.cmpi ne, %convert_element_type3A_70, %cond3A_71 : i32
    scf.if %cond3A_72 {
      %dma_start3A = arith.constant 1 : i32
      %dma_start3A_158 = arith.constant 1 : i32
      %dma_start3A_159 = arith.constant 20 : i32
      %dma_start3A_160 = arith.constant 0 : i32
      %dma_start3A_161 = arith.constant 0 : i32
      %dma_start3A_162 = tpu.memref_slice %arg4[%dma_start3A_158, %dma_start3A_159, %dma_start3A_160, %dma_start3A_161] : memref<3x64x320x320xf32, #tpu.memory_space<hbm>> -> memref<1x6x320x320xf32, #tpu.memory_space<hbm>>
      %dma_start3A_163 = tpu.memref_squeeze %dma_start3A_162 : memref<1x6x320x320xf32, #tpu.memory_space<hbm>> -> memref<6x320x320xf32, #tpu.memory_space<hbm>>
      %dma_start3A_164 = arith.constant 20 : i32
      %dma_start3A_165 = arith.constant 0 : i32
      %dma_start3A_166 = arith.constant 0 : i32
      %dma_start3A_167 = tpu.memref_slice %arg2[%dma_start3A, %dma_start3A_164, %dma_start3A_165, %dma_start3A_166] : memref<3x64x320x320xf32, #tpu.memory_space<hbm>> -> memref<1x6x320x320xf32, #tpu.memory_space<hbm>>
      %dma_start3A_168 = tpu.memref_squeeze %dma_start3A_167 : memref<1x6x320x320xf32, #tpu.memory_space<hbm>> -> memref<6x320x320xf32, #tpu.memory_space<hbm>>
      tpu.enqueue_dma source(%dma_start3A_168 : memref<6x320x320xf32, #tpu.memory_space<hbm>>) target(%dma_start3A_163 : memref<6x320x320xf32, #tpu.memory_space<hbm>>) target_semaphore(%arg5 : memref<!tpu.dma_semaphore, #tpu.memory_space<semaphore_mem>>)
      %dma_start3A_169 = arith.constant 0 : i32
      %dma_start3A_170 = arith.constant 0 : i32
      %dma_start3A_171 = arith.constant 14 : i32
      %dma_start3A_172 = arith.constant 0 : i32
      %dma_start3A_173 = arith.constant 0 : i32
      %dma_start3A_174 = tpu.memref_slice %arg3[%dma_start3A_170, %dma_start3A_171, %dma_start3A_172, %dma_start3A_173] : memref<3x16x320x320xf32, #tpu.memory_space<hbm>> -> memref<1x1x320x320xf32, #tpu.memory_space<hbm>>
      %dma_start3A_175 = tpu.memref_squeeze %dma_start3A_174 : memref<1x1x320x320xf32, #tpu.memory_space<hbm>> -> memref<1x320x320xf32, #tpu.memory_space<hbm>>
      %dma_start3A_176 = arith.constant 58 : i32
      %dma_start3A_177 = arith.constant 0 : i32
      %dma_start3A_178 = arith.constant 0 : i32
      %dma_start3A_179 = tpu.memref_slice %arg2[%dma_start3A_169, %dma_start3A_176, %dma_start3A_177, %dma_start3A_178] : memref<3x64x320x320xf32, #tpu.memory_space<hbm>> -> memref<1x1x320x320xf32, #tpu.memory_space<hbm>>
      %dma_start3A_180 = tpu.memref_squeeze %dma_start3A_179 : memref<1x1x320x320xf32, #tpu.memory_space<hbm>> -> memref<1x320x320xf32, #tpu.memory_space<hbm>>
      tpu.enqueue_dma source(%dma_start3A_180 : memref<1x320x320xf32, #tpu.memory_space<hbm>>) target(%dma_start3A_175 : memref<1x320x320xf32, #tpu.memory_space<hbm>>) target_semaphore(%arg5 : memref<!tpu.dma_semaphore, #tpu.memory_space<semaphore_mem>>)
      %dma_start3A_181 = arith.constant 2 : i32
      %dma_start3A_182 = arith.constant 2 : i32
      %dma_start3A_183 = arith.constant 14 : i32
      %dma_start3A_184 = arith.constant 0 : i32
      %dma_start3A_185 = arith.constant 0 : i32
      %dma_start3A_186 = tpu.memref_slice %arg3[%dma_start3A_182, %dma_start3A_183, %dma_start3A_184, %dma_start3A_185] : memref<3x16x320x320xf32, #tpu.memory_space<hbm>> -> memref<1x1x320x320xf32, #tpu.memory_space<hbm>>
      %dma_start3A_187 = tpu.memref_squeeze %dma_start3A_186 : memref<1x1x320x320xf32, #tpu.memory_space<hbm>> -> memref<1x320x320xf32, #tpu.memory_space<hbm>>
      %dma_start3A_188 = arith.constant 58 : i32
      %dma_start3A_189 = arith.constant 0 : i32
      %dma_start3A_190 = arith.constant 0 : i32
      %dma_start3A_191 = tpu.memref_slice %arg2[%dma_start3A_181, %dma_start3A_188, %dma_start3A_189, %dma_start3A_190] : memref<3x64x320x320xf32, #tpu.memory_space<hbm>> -> memref<1x1x320x320xf32, #tpu.memory_space<hbm>>
      %dma_start3A_192 = tpu.memref_squeeze %dma_start3A_191 : memref<1x1x320x320xf32, #tpu.memory_space<hbm>> -> memref<1x320x320xf32, #tpu.memory_space<hbm>>
      tpu.enqueue_dma source(%dma_start3A_192 : memref<1x320x320xf32, #tpu.memory_space<hbm>>) target(%dma_start3A_187 : memref<1x320x320xf32, #tpu.memory_space<hbm>>) target_semaphore(%arg5 : memref<!tpu.dma_semaphore, #tpu.memory_space<semaphore_mem>>)
      %dma_wait3A = arith.constant 1 : i32
      %dma_wait3A_193 = arith.constant 1 : i32
      %dma_wait3A_194 = arith.constant 20 : i32
      %dma_wait3A_195 = arith.constant 0 : i32
      %dma_wait3A_196 = arith.constant 0 : i32
      %dma_wait3A_197 = tpu.memref_slice %arg4[%dma_wait3A_193, %dma_wait3A_194, %dma_wait3A_195, %dma_wait3A_196] : memref<3x64x320x320xf32, #tpu.memory_space<hbm>> -> memref<1x6x320x320xf32, #tpu.memory_space<hbm>>
      %dma_wait3A_198 = tpu.memref_squeeze %dma_wait3A_197 : memref<1x6x320x320xf32, #tpu.memory_space<hbm>> -> memref<6x320x320xf32, #tpu.memory_space<hbm>>
      %dma_wait3A_199 = arith.constant 20 : i32
      %dma_wait3A_200 = arith.constant 0 : i32
      %dma_wait3A_201 = arith.constant 0 : i32
      %dma_wait3A_202 = tpu.memref_slice %arg2[%dma_wait3A, %dma_wait3A_199, %dma_wait3A_200, %dma_wait3A_201] : memref<3x64x320x320xf32, #tpu.memory_space<hbm>> -> memref<1x6x320x320xf32, #tpu.memory_space<hbm>>
      %dma_wait3A_203 = tpu.memref_squeeze %dma_wait3A_202 : memref<1x6x320x320xf32, #tpu.memory_space<hbm>> -> memref<6x320x320xf32, #tpu.memory_space<hbm>>
      tpu.wait_dma2 semaphore(%arg5 : memref<!tpu.dma_semaphore, #tpu.memory_space<semaphore_mem>>) src(%dma_wait3A_203 : memref<6x320x320xf32, #tpu.memory_space<hbm>>) dst(%dma_wait3A_198 : memref<6x320x320xf32, #tpu.memory_space<hbm>>)
      %dma_wait3A_204 = arith.constant 0 : i32
      %dma_wait3A_205 = arith.constant 0 : i32
      %dma_wait3A_206 = arith.constant 14 : i32
      %dma_wait3A_207 = arith.constant 0 : i32
      %dma_wait3A_208 = arith.constant 0 : i32
      %dma_wait3A_209 = tpu.memref_slice %arg3[%dma_wait3A_205, %dma_wait3A_206, %dma_wait3A_207, %dma_wait3A_208] : memref<3x16x320x320xf32, #tpu.memory_space<hbm>> -> memref<1x1x320x320xf32, #tpu.memory_space<hbm>>
      %dma_wait3A_210 = tpu.memref_squeeze %dma_wait3A_209 : memref<1x1x320x320xf32, #tpu.memory_space<hbm>> -> memref<1x320x320xf32, #tpu.memory_space<hbm>>
      %dma_wait3A_211 = arith.constant 58 : i32
      %dma_wait3A_212 = arith.constant 0 : i32
      %dma_wait3A_213 = arith.constant 0 : i32
      %dma_wait3A_214 = tpu.memref_slice %arg2[%dma_wait3A_204, %dma_wait3A_211, %dma_wait3A_212, %dma_wait3A_213] : memref<3x64x320x320xf32, #tpu.memory_space<hbm>> -> memref<1x1x320x320xf32, #tpu.memory_space<hbm>>
      %dma_wait3A_215 = tpu.memref_squeeze %dma_wait3A_214 : memref<1x1x320x320xf32, #tpu.memory_space<hbm>> -> memref<1x320x320xf32, #tpu.memory_space<hbm>>
      tpu.wait_dma2 semaphore(%arg5 : memref<!tpu.dma_semaphore, #tpu.memory_space<semaphore_mem>>) src(%dma_wait3A_215 : memref<1x320x320xf32, #tpu.memory_space<hbm>>) dst(%dma_wait3A_210 : memref<1x320x320xf32, #tpu.memory_space<hbm>>)
      %dma_wait3A_216 = arith.constant 2 : i32
      %dma_wait3A_217 = arith.constant 2 : i32
      %dma_wait3A_218 = arith.constant 14 : i32
      %dma_wait3A_219 = arith.constant 0 : i32
      %dma_wait3A_220 = arith.constant 0 : i32
      %dma_wait3A_221 = tpu.memref_slice %arg3[%dma_wait3A_217, %dma_wait3A_218, %dma_wait3A_219, %dma_wait3A_220] : memref<3x16x320x320xf32, #tpu.memory_space<hbm>> -> memref<1x1x320x320xf32, #tpu.memory_space<hbm>>
      %dma_wait3A_222 = tpu.memref_squeeze %dma_wait3A_221 : memref<1x1x320x320xf32, #tpu.memory_space<hbm>> -> memref<1x320x320xf32, #tpu.memory_space<hbm>>
      %dma_wait3A_223 = arith.constant 58 : i32
      %dma_wait3A_224 = arith.constant 0 : i32
      %dma_wait3A_225 = arith.constant 0 : i32
      %dma_wait3A_226 = tpu.memref_slice %arg2[%dma_wait3A_216, %dma_wait3A_223, %dma_wait3A_224, %dma_wait3A_225] : memref<3x64x320x320xf32, #tpu.memory_space<hbm>> -> memref<1x1x320x320xf32, #tpu.memory_space<hbm>>
      %dma_wait3A_227 = tpu.memref_squeeze %dma_wait3A_226 : memref<1x1x320x320xf32, #tpu.memory_space<hbm>> -> memref<1x320x320xf32, #tpu.memory_space<hbm>>
      tpu.wait_dma2 semaphore(%arg5 : memref<!tpu.dma_semaphore, #tpu.memory_space<semaphore_mem>>) src(%dma_wait3A_227 : memref<1x320x320xf32, #tpu.memory_space<hbm>>) dst(%dma_wait3A_222 : memref<1x320x320xf32, #tpu.memory_space<hbm>>)
    } else {
    }
    %eq3A_73 = arith.constant 15 : i32
    %eq3A_74 = arith.cmpi eq, %add3A, %eq3A_73 : i32
    %convert_element_type3A_75 = arith.extui %eq3A_74 : i1 to i32
    %cond3A_76 = arith.constant 0 : i32
    %cond3A_77 = arith.cmpi ne, %convert_element_type3A_75, %cond3A_76 : i32
    scf.if %cond3A_77 {
      %dma_start3A = arith.constant 1 : i32
      %dma_start3A_158 = arith.constant 1 : i32
      %dma_start3A_159 = arith.constant 26 : i32
      %dma_start3A_160 = arith.constant 0 : i32
      %dma_start3A_161 = arith.constant 0 : i32
      %dma_start3A_162 = tpu.memref_slice %arg4[%dma_start3A_158, %dma_start3A_159, %dma_start3A_160, %dma_start3A_161] : memref<3x64x320x320xf32, #tpu.memory_space<hbm>> -> memref<1x6x320x320xf32, #tpu.memory_space<hbm>>
      %dma_start3A_163 = tpu.memref_squeeze %dma_start3A_162 : memref<1x6x320x320xf32, #tpu.memory_space<hbm>> -> memref<6x320x320xf32, #tpu.memory_space<hbm>>
      %dma_start3A_164 = arith.constant 26 : i32
      %dma_start3A_165 = arith.constant 0 : i32
      %dma_start3A_166 = arith.constant 0 : i32
      %dma_start3A_167 = tpu.memref_slice %arg2[%dma_start3A, %dma_start3A_164, %dma_start3A_165, %dma_start3A_166] : memref<3x64x320x320xf32, #tpu.memory_space<hbm>> -> memref<1x6x320x320xf32, #tpu.memory_space<hbm>>
      %dma_start3A_168 = tpu.memref_squeeze %dma_start3A_167 : memref<1x6x320x320xf32, #tpu.memory_space<hbm>> -> memref<6x320x320xf32, #tpu.memory_space<hbm>>
      tpu.enqueue_dma source(%dma_start3A_168 : memref<6x320x320xf32, #tpu.memory_space<hbm>>) target(%dma_start3A_163 : memref<6x320x320xf32, #tpu.memory_space<hbm>>) target_semaphore(%arg5 : memref<!tpu.dma_semaphore, #tpu.memory_space<semaphore_mem>>)
      %dma_start3A_169 = arith.constant 0 : i32
      %dma_start3A_170 = arith.constant 0 : i32
      %dma_start3A_171 = arith.constant 15 : i32
      %dma_start3A_172 = arith.constant 0 : i32
      %dma_start3A_173 = arith.constant 0 : i32
      %dma_start3A_174 = tpu.memref_slice %arg3[%dma_start3A_170, %dma_start3A_171, %dma_start3A_172, %dma_start3A_173] : memref<3x16x320x320xf32, #tpu.memory_space<hbm>> -> memref<1x1x320x320xf32, #tpu.memory_space<hbm>>
      %dma_start3A_175 = tpu.memref_squeeze %dma_start3A_174 : memref<1x1x320x320xf32, #tpu.memory_space<hbm>> -> memref<1x320x320xf32, #tpu.memory_space<hbm>>
      %dma_start3A_176 = arith.constant 63 : i32
      %dma_start3A_177 = arith.constant 0 : i32
      %dma_start3A_178 = arith.constant 0 : i32
      %dma_start3A_179 = tpu.memref_slice %arg2[%dma_start3A_169, %dma_start3A_176, %dma_start3A_177, %dma_start3A_178] : memref<3x64x320x320xf32, #tpu.memory_space<hbm>> -> memref<1x1x320x320xf32, #tpu.memory_space<hbm>>
      %dma_start3A_180 = tpu.memref_squeeze %dma_start3A_179 : memref<1x1x320x320xf32, #tpu.memory_space<hbm>> -> memref<1x320x320xf32, #tpu.memory_space<hbm>>
      tpu.enqueue_dma source(%dma_start3A_180 : memref<1x320x320xf32, #tpu.memory_space<hbm>>) target(%dma_start3A_175 : memref<1x320x320xf32, #tpu.memory_space<hbm>>) target_semaphore(%arg5 : memref<!tpu.dma_semaphore, #tpu.memory_space<semaphore_mem>>)
      %dma_start3A_181 = arith.constant 2 : i32
      %dma_start3A_182 = arith.constant 2 : i32
      %dma_start3A_183 = arith.constant 15 : i32
      %dma_start3A_184 = arith.constant 0 : i32
      %dma_start3A_185 = arith.constant 0 : i32
      %dma_start3A_186 = tpu.memref_slice %arg3[%dma_start3A_182, %dma_start3A_183, %dma_start3A_184, %dma_start3A_185] : memref<3x16x320x320xf32, #tpu.memory_space<hbm>> -> memref<1x1x320x320xf32, #tpu.memory_space<hbm>>
      %dma_start3A_187 = tpu.memref_squeeze %dma_start3A_186 : memref<1x1x320x320xf32, #tpu.memory_space<hbm>> -> memref<1x320x320xf32, #tpu.memory_space<hbm>>
      %dma_start3A_188 = arith.constant 63 : i32
      %dma_start3A_189 = arith.constant 0 : i32
      %dma_start3A_190 = arith.constant 0 : i32
      %dma_start3A_191 = tpu.memref_slice %arg2[%dma_start3A_181, %dma_start3A_188, %dma_start3A_189, %dma_start3A_190] : memref<3x64x320x320xf32, #tpu.memory_space<hbm>> -> memref<1x1x320x320xf32, #tpu.memory_space<hbm>>
      %dma_start3A_192 = tpu.memref_squeeze %dma_start3A_191 : memref<1x1x320x320xf32, #tpu.memory_space<hbm>> -> memref<1x320x320xf32, #tpu.memory_space<hbm>>
      tpu.enqueue_dma source(%dma_start3A_192 : memref<1x320x320xf32, #tpu.memory_space<hbm>>) target(%dma_start3A_187 : memref<1x320x320xf32, #tpu.memory_space<hbm>>) target_semaphore(%arg5 : memref<!tpu.dma_semaphore, #tpu.memory_space<semaphore_mem>>)
      %dma_wait3A = arith.constant 1 : i32
      %dma_wait3A_193 = arith.constant 1 : i32
      %dma_wait3A_194 = arith.constant 26 : i32
      %dma_wait3A_195 = arith.constant 0 : i32
      %dma_wait3A_196 = arith.constant 0 : i32
      %dma_wait3A_197 = tpu.memref_slice %arg4[%dma_wait3A_193, %dma_wait3A_194, %dma_wait3A_195, %dma_wait3A_196] : memref<3x64x320x320xf32, #tpu.memory_space<hbm>> -> memref<1x6x320x320xf32, #tpu.memory_space<hbm>>
      %dma_wait3A_198 = tpu.memref_squeeze %dma_wait3A_197 : memref<1x6x320x320xf32, #tpu.memory_space<hbm>> -> memref<6x320x320xf32, #tpu.memory_space<hbm>>
      %dma_wait3A_199 = arith.constant 26 : i32
      %dma_wait3A_200 = arith.constant 0 : i32
      %dma_wait3A_201 = arith.constant 0 : i32
      %dma_wait3A_202 = tpu.memref_slice %arg2[%dma_wait3A, %dma_wait3A_199, %dma_wait3A_200, %dma_wait3A_201] : memref<3x64x320x320xf32, #tpu.memory_space<hbm>> -> memref<1x6x320x320xf32, #tpu.memory_space<hbm>>
      %dma_wait3A_203 = tpu.memref_squeeze %dma_wait3A_202 : memref<1x6x320x320xf32, #tpu.memory_space<hbm>> -> memref<6x320x320xf32, #tpu.memory_space<hbm>>
      tpu.wait_dma2 semaphore(%arg5 : memref<!tpu.dma_semaphore, #tpu.memory_space<semaphore_mem>>) src(%dma_wait3A_203 : memref<6x320x320xf32, #tpu.memory_space<hbm>>) dst(%dma_wait3A_198 : memref<6x320x320xf32, #tpu.memory_space<hbm>>)
      %dma_wait3A_204 = arith.constant 0 : i32
      %dma_wait3A_205 = arith.constant 0 : i32
      %dma_wait3A_206 = arith.constant 15 : i32
      %dma_wait3A_207 = arith.constant 0 : i32
      %dma_wait3A_208 = arith.constant 0 : i32
      %dma_wait3A_209 = tpu.memref_slice %arg3[%dma_wait3A_205, %dma_wait3A_206, %dma_wait3A_207, %dma_wait3A_208] : memref<3x16x320x320xf32, #tpu.memory_space<hbm>> -> memref<1x1x320x320xf32, #tpu.memory_space<hbm>>
      %dma_wait3A_210 = tpu.memref_squeeze %dma_wait3A_209 : memref<1x1x320x320xf32, #tpu.memory_space<hbm>> -> memref<1x320x320xf32, #tpu.memory_space<hbm>>
      %dma_wait3A_211 = arith.constant 63 : i32
      %dma_wait3A_212 = arith.constant 0 : i32
      %dma_wait3A_213 = arith.constant 0 : i32
      %dma_wait3A_214 = tpu.memref_slice %arg2[%dma_wait3A_204, %dma_wait3A_211, %dma_wait3A_212, %dma_wait3A_213] : memref<3x64x320x320xf32, #tpu.memory_space<hbm>> -> memref<1x1x320x320xf32, #tpu.memory_space<hbm>>
      %dma_wait3A_215 = tpu.memref_squeeze %dma_wait3A_214 : memref<1x1x320x320xf32, #tpu.memory_space<hbm>> -> memref<1x320x320xf32, #tpu.memory_space<hbm>>
      tpu.wait_dma2 semaphore(%arg5 : memref<!tpu.dma_semaphore, #tpu.memory_space<semaphore_mem>>) src(%dma_wait3A_215 : memref<1x320x320xf32, #tpu.memory_space<hbm>>) dst(%dma_wait3A_210 : memref<1x320x320xf32, #tpu.memory_space<hbm>>)
      %dma_wait3A_216 = arith.constant 2 : i32
      %dma_wait3A_217 = arith.constant 2 : i32
      %dma_wait3A_218 = arith.constant 15 : i32
      %dma_wait3A_219 = arith.constant 0 : i32
      %dma_wait3A_220 = arith.constant 0 : i32
      %dma_wait3A_221 = tpu.memref_slice %arg3[%dma_wait3A_217, %dma_wait3A_218, %dma_wait3A_219, %dma_wait3A_220] : memref<3x16x320x320xf32, #tpu.memory_space<hbm>> -> memref<1x1x320x320xf32, #tpu.memory_space<hbm>>
      %dma_wait3A_222 = tpu.memref_squeeze %dma_wait3A_221 : memref<1x1x320x320xf32, #tpu.memory_space<hbm>> -> memref<1x320x320xf32, #tpu.memory_space<hbm>>
      %dma_wait3A_223 = arith.constant 63 : i32
      %dma_wait3A_224 = arith.constant 0 : i32
      %dma_wait3A_225 = arith.constant 0 : i32
      %dma_wait3A_226 = tpu.memref_slice %arg2[%dma_wait3A_216, %dma_wait3A_223, %dma_wait3A_224, %dma_wait3A_225] : memref<3x64x320x320xf32, #tpu.memory_space<hbm>> -> memref<1x1x320x320xf32, #tpu.memory_space<hbm>>
      %dma_wait3A_227 = tpu.memref_squeeze %dma_wait3A_226 : memref<1x1x320x320xf32, #tpu.memory_space<hbm>> -> memref<1x320x320xf32, #tpu.memory_space<hbm>>
      tpu.wait_dma2 semaphore(%arg5 : memref<!tpu.dma_semaphore, #tpu.memory_space<semaphore_mem>>) src(%dma_wait3A_227 : memref<1x320x320xf32, #tpu.memory_space<hbm>>) dst(%dma_wait3A_222 : memref<1x320x320xf32, #tpu.memory_space<hbm>>)
    } else {
    }
    %eq3A_78 = arith.constant 16 : i32
    %eq3A_79 = arith.cmpi eq, %add3A, %eq3A_78 : i32
    %convert_element_type3A_80 = arith.extui %eq3A_79 : i1 to i32
    %cond3A_81 = arith.constant 0 : i32
    %cond3A_82 = arith.cmpi ne, %convert_element_type3A_80, %cond3A_81 : i32
    scf.if %cond3A_82 {
      %dma_start3A = arith.constant 1 : i32
      %dma_start3A_158 = arith.constant 1 : i32
      %dma_start3A_159 = arith.constant 32 : i32
      %dma_start3A_160 = arith.constant 0 : i32
      %dma_start3A_161 = arith.constant 0 : i32
      %dma_start3A_162 = tpu.memref_slice %arg4[%dma_start3A_158, %dma_start3A_159, %dma_start3A_160, %dma_start3A_161] : memref<3x64x320x320xf32, #tpu.memory_space<hbm>> -> memref<1x6x320x320xf32, #tpu.memory_space<hbm>>
      %dma_start3A_163 = tpu.memref_squeeze %dma_start3A_162 : memref<1x6x320x320xf32, #tpu.memory_space<hbm>> -> memref<6x320x320xf32, #tpu.memory_space<hbm>>
      %dma_start3A_164 = arith.constant 32 : i32
      %dma_start3A_165 = arith.constant 0 : i32
      %dma_start3A_166 = arith.constant 0 : i32
      %dma_start3A_167 = tpu.memref_slice %arg2[%dma_start3A, %dma_start3A_164, %dma_start3A_165, %dma_start3A_166] : memref<3x64x320x320xf32, #tpu.memory_space<hbm>> -> memref<1x6x320x320xf32, #tpu.memory_space<hbm>>
      %dma_start3A_168 = tpu.memref_squeeze %dma_start3A_167 : memref<1x6x320x320xf32, #tpu.memory_space<hbm>> -> memref<6x320x320xf32, #tpu.memory_space<hbm>>
      tpu.enqueue_dma source(%dma_start3A_168 : memref<6x320x320xf32, #tpu.memory_space<hbm>>) target(%dma_start3A_163 : memref<6x320x320xf32, #tpu.memory_space<hbm>>) target_semaphore(%arg5 : memref<!tpu.dma_semaphore, #tpu.memory_space<semaphore_mem>>)
      %dma_start3A_169 = arith.constant 1 : i32
      %dma_start3A_170 = arith.constant 1 : i32
      %dma_start3A_171 = arith.constant 0 : i32
      %dma_start3A_172 = arith.constant 0 : i32
      %dma_start3A_173 = arith.constant 0 : i32
      %dma_start3A_174 = tpu.memref_slice %arg3[%dma_start3A_170, %dma_start3A_171, %dma_start3A_172, %dma_start3A_173] : memref<3x16x320x320xf32, #tpu.memory_space<hbm>> -> memref<1x1x320x320xf32, #tpu.memory_space<hbm>>
      %dma_start3A_175 = tpu.memref_squeeze %dma_start3A_174 : memref<1x1x320x320xf32, #tpu.memory_space<hbm>> -> memref<1x320x320xf32, #tpu.memory_space<hbm>>
      %dma_start3A_176 = arith.constant 0 : i32
      %dma_start3A_177 = arith.constant 0 : i32
      %dma_start3A_178 = arith.constant 0 : i32
      %dma_start3A_179 = tpu.memref_slice %arg2[%dma_start3A_169, %dma_start3A_176, %dma_start3A_177, %dma_start3A_178] : memref<3x64x320x320xf32, #tpu.memory_space<hbm>> -> memref<1x1x320x320xf32, #tpu.memory_space<hbm>>
      %dma_start3A_180 = tpu.memref_squeeze %dma_start3A_179 : memref<1x1x320x320xf32, #tpu.memory_space<hbm>> -> memref<1x320x320xf32, #tpu.memory_space<hbm>>
      tpu.enqueue_dma source(%dma_start3A_180 : memref<1x320x320xf32, #tpu.memory_space<hbm>>) target(%dma_start3A_175 : memref<1x320x320xf32, #tpu.memory_space<hbm>>) target_semaphore(%arg5 : memref<!tpu.dma_semaphore, #tpu.memory_space<semaphore_mem>>)
      %dma_wait3A = arith.constant 1 : i32
      %dma_wait3A_181 = arith.constant 1 : i32
      %dma_wait3A_182 = arith.constant 32 : i32
      %dma_wait3A_183 = arith.constant 0 : i32
      %dma_wait3A_184 = arith.constant 0 : i32
      %dma_wait3A_185 = tpu.memref_slice %arg4[%dma_wait3A_181, %dma_wait3A_182, %dma_wait3A_183, %dma_wait3A_184] : memref<3x64x320x320xf32, #tpu.memory_space<hbm>> -> memref<1x6x320x320xf32, #tpu.memory_space<hbm>>
      %dma_wait3A_186 = tpu.memref_squeeze %dma_wait3A_185 : memref<1x6x320x320xf32, #tpu.memory_space<hbm>> -> memref<6x320x320xf32, #tpu.memory_space<hbm>>
      %dma_wait3A_187 = arith.constant 32 : i32
      %dma_wait3A_188 = arith.constant 0 : i32
      %dma_wait3A_189 = arith.constant 0 : i32
      %dma_wait3A_190 = tpu.memref_slice %arg2[%dma_wait3A, %dma_wait3A_187, %dma_wait3A_188, %dma_wait3A_189] : memref<3x64x320x320xf32, #tpu.memory_space<hbm>> -> memref<1x6x320x320xf32, #tpu.memory_space<hbm>>
      %dma_wait3A_191 = tpu.memref_squeeze %dma_wait3A_190 : memref<1x6x320x320xf32, #tpu.memory_space<hbm>> -> memref<6x320x320xf32, #tpu.memory_space<hbm>>
      tpu.wait_dma2 semaphore(%arg5 : memref<!tpu.dma_semaphore, #tpu.memory_space<semaphore_mem>>) src(%dma_wait3A_191 : memref<6x320x320xf32, #tpu.memory_space<hbm>>) dst(%dma_wait3A_186 : memref<6x320x320xf32, #tpu.memory_space<hbm>>)
      %dma_wait3A_192 = arith.constant 1 : i32
      %dma_wait3A_193 = arith.constant 1 : i32
      %dma_wait3A_194 = arith.constant 0 : i32
      %dma_wait3A_195 = arith.constant 0 : i32
      %dma_wait3A_196 = arith.constant 0 : i32
      %dma_wait3A_197 = tpu.memref_slice %arg3[%dma_wait3A_193, %dma_wait3A_194, %dma_wait3A_195, %dma_wait3A_196] : memref<3x16x320x320xf32, #tpu.memory_space<hbm>> -> memref<1x1x320x320xf32, #tpu.memory_space<hbm>>
      %dma_wait3A_198 = tpu.memref_squeeze %dma_wait3A_197 : memref<1x1x320x320xf32, #tpu.memory_space<hbm>> -> memref<1x320x320xf32, #tpu.memory_space<hbm>>
      %dma_wait3A_199 = arith.constant 0 : i32
      %dma_wait3A_200 = arith.constant 0 : i32
      %dma_wait3A_201 = arith.constant 0 : i32
      %dma_wait3A_202 = tpu.memref_slice %arg2[%dma_wait3A_192, %dma_wait3A_199, %dma_wait3A_200, %dma_wait3A_201] : memref<3x64x320x320xf32, #tpu.memory_space<hbm>> -> memref<1x1x320x320xf32, #tpu.memory_space<hbm>>
      %dma_wait3A_203 = tpu.memref_squeeze %dma_wait3A_202 : memref<1x1x320x320xf32, #tpu.memory_space<hbm>> -> memref<1x320x320xf32, #tpu.memory_space<hbm>>
      tpu.wait_dma2 semaphore(%arg5 : memref<!tpu.dma_semaphore, #tpu.memory_space<semaphore_mem>>) src(%dma_wait3A_203 : memref<1x320x320xf32, #tpu.memory_space<hbm>>) dst(%dma_wait3A_198 : memref<1x320x320xf32, #tpu.memory_space<hbm>>)
    } else {
    }
    %eq3A_83 = arith.constant 17 : i32
    %eq3A_84 = arith.cmpi eq, %add3A, %eq3A_83 : i32
    %convert_element_type3A_85 = arith.extui %eq3A_84 : i1 to i32
    %cond3A_86 = arith.constant 0 : i32
    %cond3A_87 = arith.cmpi ne, %convert_element_type3A_85, %cond3A_86 : i32
    scf.if %cond3A_87 {
      %dma_start3A = arith.constant 1 : i32
      %dma_start3A_158 = arith.constant 1 : i32
      %dma_start3A_159 = arith.constant 38 : i32
      %dma_start3A_160 = arith.constant 0 : i32
      %dma_start3A_161 = arith.constant 0 : i32
      %dma_start3A_162 = tpu.memref_slice %arg4[%dma_start3A_158, %dma_start3A_159, %dma_start3A_160, %dma_start3A_161] : memref<3x64x320x320xf32, #tpu.memory_space<hbm>> -> memref<1x6x320x320xf32, #tpu.memory_space<hbm>>
      %dma_start3A_163 = tpu.memref_squeeze %dma_start3A_162 : memref<1x6x320x320xf32, #tpu.memory_space<hbm>> -> memref<6x320x320xf32, #tpu.memory_space<hbm>>
      %dma_start3A_164 = arith.constant 38 : i32
      %dma_start3A_165 = arith.constant 0 : i32
      %dma_start3A_166 = arith.constant 0 : i32
      %dma_start3A_167 = tpu.memref_slice %arg2[%dma_start3A, %dma_start3A_164, %dma_start3A_165, %dma_start3A_166] : memref<3x64x320x320xf32, #tpu.memory_space<hbm>> -> memref<1x6x320x320xf32, #tpu.memory_space<hbm>>
      %dma_start3A_168 = tpu.memref_squeeze %dma_start3A_167 : memref<1x6x320x320xf32, #tpu.memory_space<hbm>> -> memref<6x320x320xf32, #tpu.memory_space<hbm>>
      tpu.enqueue_dma source(%dma_start3A_168 : memref<6x320x320xf32, #tpu.memory_space<hbm>>) target(%dma_start3A_163 : memref<6x320x320xf32, #tpu.memory_space<hbm>>) target_semaphore(%arg5 : memref<!tpu.dma_semaphore, #tpu.memory_space<semaphore_mem>>)
      %dma_start3A_169 = arith.constant 1 : i32
      %dma_start3A_170 = arith.constant 1 : i32
      %dma_start3A_171 = arith.constant 1 : i32
      %dma_start3A_172 = arith.constant 0 : i32
      %dma_start3A_173 = arith.constant 0 : i32
      %dma_start3A_174 = tpu.memref_slice %arg3[%dma_start3A_170, %dma_start3A_171, %dma_start3A_172, %dma_start3A_173] : memref<3x16x320x320xf32, #tpu.memory_space<hbm>> -> memref<1x1x320x320xf32, #tpu.memory_space<hbm>>
      %dma_start3A_175 = tpu.memref_squeeze %dma_start3A_174 : memref<1x1x320x320xf32, #tpu.memory_space<hbm>> -> memref<1x320x320xf32, #tpu.memory_space<hbm>>
      %dma_start3A_176 = arith.constant 4 : i32
      %dma_start3A_177 = arith.constant 0 : i32
      %dma_start3A_178 = arith.constant 0 : i32
      %dma_start3A_179 = tpu.memref_slice %arg2[%dma_start3A_169, %dma_start3A_176, %dma_start3A_177, %dma_start3A_178] : memref<3x64x320x320xf32, #tpu.memory_space<hbm>> -> memref<1x1x320x320xf32, #tpu.memory_space<hbm>>
      %dma_start3A_180 = tpu.memref_squeeze %dma_start3A_179 : memref<1x1x320x320xf32, #tpu.memory_space<hbm>> -> memref<1x320x320xf32, #tpu.memory_space<hbm>>
      tpu.enqueue_dma source(%dma_start3A_180 : memref<1x320x320xf32, #tpu.memory_space<hbm>>) target(%dma_start3A_175 : memref<1x320x320xf32, #tpu.memory_space<hbm>>) target_semaphore(%arg5 : memref<!tpu.dma_semaphore, #tpu.memory_space<semaphore_mem>>)
      %dma_wait3A = arith.constant 1 : i32
      %dma_wait3A_181 = arith.constant 1 : i32
      %dma_wait3A_182 = arith.constant 38 : i32
      %dma_wait3A_183 = arith.constant 0 : i32
      %dma_wait3A_184 = arith.constant 0 : i32
      %dma_wait3A_185 = tpu.memref_slice %arg4[%dma_wait3A_181, %dma_wait3A_182, %dma_wait3A_183, %dma_wait3A_184] : memref<3x64x320x320xf32, #tpu.memory_space<hbm>> -> memref<1x6x320x320xf32, #tpu.memory_space<hbm>>
      %dma_wait3A_186 = tpu.memref_squeeze %dma_wait3A_185 : memref<1x6x320x320xf32, #tpu.memory_space<hbm>> -> memref<6x320x320xf32, #tpu.memory_space<hbm>>
      %dma_wait3A_187 = arith.constant 38 : i32
      %dma_wait3A_188 = arith.constant 0 : i32
      %dma_wait3A_189 = arith.constant 0 : i32
      %dma_wait3A_190 = tpu.memref_slice %arg2[%dma_wait3A, %dma_wait3A_187, %dma_wait3A_188, %dma_wait3A_189] : memref<3x64x320x320xf32, #tpu.memory_space<hbm>> -> memref<1x6x320x320xf32, #tpu.memory_space<hbm>>
      %dma_wait3A_191 = tpu.memref_squeeze %dma_wait3A_190 : memref<1x6x320x320xf32, #tpu.memory_space<hbm>> -> memref<6x320x320xf32, #tpu.memory_space<hbm>>
      tpu.wait_dma2 semaphore(%arg5 : memref<!tpu.dma_semaphore, #tpu.memory_space<semaphore_mem>>) src(%dma_wait3A_191 : memref<6x320x320xf32, #tpu.memory_space<hbm>>) dst(%dma_wait3A_186 : memref<6x320x320xf32, #tpu.memory_space<hbm>>)
      %dma_wait3A_192 = arith.constant 1 : i32
      %dma_wait3A_193 = arith.constant 1 : i32
      %dma_wait3A_194 = arith.constant 1 : i32
      %dma_wait3A_195 = arith.constant 0 : i32
      %dma_wait3A_196 = arith.constant 0 : i32
      %dma_wait3A_197 = tpu.memref_slice %arg3[%dma_wait3A_193, %dma_wait3A_194, %dma_wait3A_195, %dma_wait3A_196] : memref<3x16x320x320xf32, #tpu.memory_space<hbm>> -> memref<1x1x320x320xf32, #tpu.memory_space<hbm>>
      %dma_wait3A_198 = tpu.memref_squeeze %dma_wait3A_197 : memref<1x1x320x320xf32, #tpu.memory_space<hbm>> -> memref<1x320x320xf32, #tpu.memory_space<hbm>>
      %dma_wait3A_199 = arith.constant 4 : i32
      %dma_wait3A_200 = arith.constant 0 : i32
      %dma_wait3A_201 = arith.constant 0 : i32
      %dma_wait3A_202 = tpu.memref_slice %arg2[%dma_wait3A_192, %dma_wait3A_199, %dma_wait3A_200, %dma_wait3A_201] : memref<3x64x320x320xf32, #tpu.memory_space<hbm>> -> memref<1x1x320x320xf32, #tpu.memory_space<hbm>>
      %dma_wait3A_203 = tpu.memref_squeeze %dma_wait3A_202 : memref<1x1x320x320xf32, #tpu.memory_space<hbm>> -> memref<1x320x320xf32, #tpu.memory_space<hbm>>
      tpu.wait_dma2 semaphore(%arg5 : memref<!tpu.dma_semaphore, #tpu.memory_space<semaphore_mem>>) src(%dma_wait3A_203 : memref<1x320x320xf32, #tpu.memory_space<hbm>>) dst(%dma_wait3A_198 : memref<1x320x320xf32, #tpu.memory_space<hbm>>)
    } else {
    }
    %eq3A_88 = arith.constant 18 : i32
    %eq3A_89 = arith.cmpi eq, %add3A, %eq3A_88 : i32
    %convert_element_type3A_90 = arith.extui %eq3A_89 : i1 to i32
    %cond3A_91 = arith.constant 0 : i32
    %cond3A_92 = arith.cmpi ne, %convert_element_type3A_90, %cond3A_91 : i32
    scf.if %cond3A_92 {
      %dma_start3A = arith.constant 1 : i32
      %dma_start3A_158 = arith.constant 1 : i32
      %dma_start3A_159 = arith.constant 44 : i32
      %dma_start3A_160 = arith.constant 0 : i32
      %dma_start3A_161 = arith.constant 0 : i32
      %dma_start3A_162 = tpu.memref_slice %arg4[%dma_start3A_158, %dma_start3A_159, %dma_start3A_160, %dma_start3A_161] : memref<3x64x320x320xf32, #tpu.memory_space<hbm>> -> memref<1x6x320x320xf32, #tpu.memory_space<hbm>>
      %dma_start3A_163 = tpu.memref_squeeze %dma_start3A_162 : memref<1x6x320x320xf32, #tpu.memory_space<hbm>> -> memref<6x320x320xf32, #tpu.memory_space<hbm>>
      %dma_start3A_164 = arith.constant 44 : i32
      %dma_start3A_165 = arith.constant 0 : i32
      %dma_start3A_166 = arith.constant 0 : i32
      %dma_start3A_167 = tpu.memref_slice %arg2[%dma_start3A, %dma_start3A_164, %dma_start3A_165, %dma_start3A_166] : memref<3x64x320x320xf32, #tpu.memory_space<hbm>> -> memref<1x6x320x320xf32, #tpu.memory_space<hbm>>
      %dma_start3A_168 = tpu.memref_squeeze %dma_start3A_167 : memref<1x6x320x320xf32, #tpu.memory_space<hbm>> -> memref<6x320x320xf32, #tpu.memory_space<hbm>>
      tpu.enqueue_dma source(%dma_start3A_168 : memref<6x320x320xf32, #tpu.memory_space<hbm>>) target(%dma_start3A_163 : memref<6x320x320xf32, #tpu.memory_space<hbm>>) target_semaphore(%arg5 : memref<!tpu.dma_semaphore, #tpu.memory_space<semaphore_mem>>)
      %dma_start3A_169 = arith.constant 1 : i32
      %dma_start3A_170 = arith.constant 1 : i32
      %dma_start3A_171 = arith.constant 2 : i32
      %dma_start3A_172 = arith.constant 0 : i32
      %dma_start3A_173 = arith.constant 0 : i32
      %dma_start3A_174 = tpu.memref_slice %arg3[%dma_start3A_170, %dma_start3A_171, %dma_start3A_172, %dma_start3A_173] : memref<3x16x320x320xf32, #tpu.memory_space<hbm>> -> memref<1x1x320x320xf32, #tpu.memory_space<hbm>>
      %dma_start3A_175 = tpu.memref_squeeze %dma_start3A_174 : memref<1x1x320x320xf32, #tpu.memory_space<hbm>> -> memref<1x320x320xf32, #tpu.memory_space<hbm>>
      %dma_start3A_176 = arith.constant 8 : i32
      %dma_start3A_177 = arith.constant 0 : i32
      %dma_start3A_178 = arith.constant 0 : i32
      %dma_start3A_179 = tpu.memref_slice %arg2[%dma_start3A_169, %dma_start3A_176, %dma_start3A_177, %dma_start3A_178] : memref<3x64x320x320xf32, #tpu.memory_space<hbm>> -> memref<1x1x320x320xf32, #tpu.memory_space<hbm>>
      %dma_start3A_180 = tpu.memref_squeeze %dma_start3A_179 : memref<1x1x320x320xf32, #tpu.memory_space<hbm>> -> memref<1x320x320xf32, #tpu.memory_space<hbm>>
      tpu.enqueue_dma source(%dma_start3A_180 : memref<1x320x320xf32, #tpu.memory_space<hbm>>) target(%dma_start3A_175 : memref<1x320x320xf32, #tpu.memory_space<hbm>>) target_semaphore(%arg5 : memref<!tpu.dma_semaphore, #tpu.memory_space<semaphore_mem>>)
      %dma_wait3A = arith.constant 1 : i32
      %dma_wait3A_181 = arith.constant 1 : i32
      %dma_wait3A_182 = arith.constant 44 : i32
      %dma_wait3A_183 = arith.constant 0 : i32
      %dma_wait3A_184 = arith.constant 0 : i32
      %dma_wait3A_185 = tpu.memref_slice %arg4[%dma_wait3A_181, %dma_wait3A_182, %dma_wait3A_183, %dma_wait3A_184] : memref<3x64x320x320xf32, #tpu.memory_space<hbm>> -> memref<1x6x320x320xf32, #tpu.memory_space<hbm>>
      %dma_wait3A_186 = tpu.memref_squeeze %dma_wait3A_185 : memref<1x6x320x320xf32, #tpu.memory_space<hbm>> -> memref<6x320x320xf32, #tpu.memory_space<hbm>>
      %dma_wait3A_187 = arith.constant 44 : i32
      %dma_wait3A_188 = arith.constant 0 : i32
      %dma_wait3A_189 = arith.constant 0 : i32
      %dma_wait3A_190 = tpu.memref_slice %arg2[%dma_wait3A, %dma_wait3A_187, %dma_wait3A_188, %dma_wait3A_189] : memref<3x64x320x320xf32, #tpu.memory_space<hbm>> -> memref<1x6x320x320xf32, #tpu.memory_space<hbm>>
      %dma_wait3A_191 = tpu.memref_squeeze %dma_wait3A_190 : memref<1x6x320x320xf32, #tpu.memory_space<hbm>> -> memref<6x320x320xf32, #tpu.memory_space<hbm>>
      tpu.wait_dma2 semaphore(%arg5 : memref<!tpu.dma_semaphore, #tpu.memory_space<semaphore_mem>>) src(%dma_wait3A_191 : memref<6x320x320xf32, #tpu.memory_space<hbm>>) dst(%dma_wait3A_186 : memref<6x320x320xf32, #tpu.memory_space<hbm>>)
      %dma_wait3A_192 = arith.constant 1 : i32
      %dma_wait3A_193 = arith.constant 1 : i32
      %dma_wait3A_194 = arith.constant 2 : i32
      %dma_wait3A_195 = arith.constant 0 : i32
      %dma_wait3A_196 = arith.constant 0 : i32
      %dma_wait3A_197 = tpu.memref_slice %arg3[%dma_wait3A_193, %dma_wait3A_194, %dma_wait3A_195, %dma_wait3A_196] : memref<3x16x320x320xf32, #tpu.memory_space<hbm>> -> memref<1x1x320x320xf32, #tpu.memory_space<hbm>>
      %dma_wait3A_198 = tpu.memref_squeeze %dma_wait3A_197 : memref<1x1x320x320xf32, #tpu.memory_space<hbm>> -> memref<1x320x320xf32, #tpu.memory_space<hbm>>
      %dma_wait3A_199 = arith.constant 8 : i32
      %dma_wait3A_200 = arith.constant 0 : i32
      %dma_wait3A_201 = arith.constant 0 : i32
      %dma_wait3A_202 = tpu.memref_slice %arg2[%dma_wait3A_192, %dma_wait3A_199, %dma_wait3A_200, %dma_wait3A_201] : memref<3x64x320x320xf32, #tpu.memory_space<hbm>> -> memref<1x1x320x320xf32, #tpu.memory_space<hbm>>
      %dma_wait3A_203 = tpu.memref_squeeze %dma_wait3A_202 : memref<1x1x320x320xf32, #tpu.memory_space<hbm>> -> memref<1x320x320xf32, #tpu.memory_space<hbm>>
      tpu.wait_dma2 semaphore(%arg5 : memref<!tpu.dma_semaphore, #tpu.memory_space<semaphore_mem>>) src(%dma_wait3A_203 : memref<1x320x320xf32, #tpu.memory_space<hbm>>) dst(%dma_wait3A_198 : memref<1x320x320xf32, #tpu.memory_space<hbm>>)
    } else {
    }
    %eq3A_93 = arith.constant 19 : i32
    %eq3A_94 = arith.cmpi eq, %add3A, %eq3A_93 : i32
    %convert_element_type3A_95 = arith.extui %eq3A_94 : i1 to i32
    %cond3A_96 = arith.constant 0 : i32
    %cond3A_97 = arith.cmpi ne, %convert_element_type3A_95, %cond3A_96 : i32
    scf.if %cond3A_97 {
      %dma_start3A = arith.constant 1 : i32
      %dma_start3A_158 = arith.constant 1 : i32
      %dma_start3A_159 = arith.constant 50 : i32
      %dma_start3A_160 = arith.constant 0 : i32
      %dma_start3A_161 = arith.constant 0 : i32
      %dma_start3A_162 = tpu.memref_slice %arg4[%dma_start3A_158, %dma_start3A_159, %dma_start3A_160, %dma_start3A_161] : memref<3x64x320x320xf32, #tpu.memory_space<hbm>> -> memref<1x6x320x320xf32, #tpu.memory_space<hbm>>
      %dma_start3A_163 = tpu.memref_squeeze %dma_start3A_162 : memref<1x6x320x320xf32, #tpu.memory_space<hbm>> -> memref<6x320x320xf32, #tpu.memory_space<hbm>>
      %dma_start3A_164 = arith.constant 50 : i32
      %dma_start3A_165 = arith.constant 0 : i32
      %dma_start3A_166 = arith.constant 0 : i32
      %dma_start3A_167 = tpu.memref_slice %arg2[%dma_start3A, %dma_start3A_164, %dma_start3A_165, %dma_start3A_166] : memref<3x64x320x320xf32, #tpu.memory_space<hbm>> -> memref<1x6x320x320xf32, #tpu.memory_space<hbm>>
      %dma_start3A_168 = tpu.memref_squeeze %dma_start3A_167 : memref<1x6x320x320xf32, #tpu.memory_space<hbm>> -> memref<6x320x320xf32, #tpu.memory_space<hbm>>
      tpu.enqueue_dma source(%dma_start3A_168 : memref<6x320x320xf32, #tpu.memory_space<hbm>>) target(%dma_start3A_163 : memref<6x320x320xf32, #tpu.memory_space<hbm>>) target_semaphore(%arg5 : memref<!tpu.dma_semaphore, #tpu.memory_space<semaphore_mem>>)
      %dma_start3A_169 = arith.constant 1 : i32
      %dma_start3A_170 = arith.constant 1 : i32
      %dma_start3A_171 = arith.constant 3 : i32
      %dma_start3A_172 = arith.constant 0 : i32
      %dma_start3A_173 = arith.constant 0 : i32
      %dma_start3A_174 = tpu.memref_slice %arg3[%dma_start3A_170, %dma_start3A_171, %dma_start3A_172, %dma_start3A_173] : memref<3x16x320x320xf32, #tpu.memory_space<hbm>> -> memref<1x1x320x320xf32, #tpu.memory_space<hbm>>
      %dma_start3A_175 = tpu.memref_squeeze %dma_start3A_174 : memref<1x1x320x320xf32, #tpu.memory_space<hbm>> -> memref<1x320x320xf32, #tpu.memory_space<hbm>>
      %dma_start3A_176 = arith.constant 12 : i32
      %dma_start3A_177 = arith.constant 0 : i32
      %dma_start3A_178 = arith.constant 0 : i32
      %dma_start3A_179 = tpu.memref_slice %arg2[%dma_start3A_169, %dma_start3A_176, %dma_start3A_177, %dma_start3A_178] : memref<3x64x320x320xf32, #tpu.memory_space<hbm>> -> memref<1x1x320x320xf32, #tpu.memory_space<hbm>>
      %dma_start3A_180 = tpu.memref_squeeze %dma_start3A_179 : memref<1x1x320x320xf32, #tpu.memory_space<hbm>> -> memref<1x320x320xf32, #tpu.memory_space<hbm>>
      tpu.enqueue_dma source(%dma_start3A_180 : memref<1x320x320xf32, #tpu.memory_space<hbm>>) target(%dma_start3A_175 : memref<1x320x320xf32, #tpu.memory_space<hbm>>) target_semaphore(%arg5 : memref<!tpu.dma_semaphore, #tpu.memory_space<semaphore_mem>>)
      %dma_wait3A = arith.constant 1 : i32
      %dma_wait3A_181 = arith.constant 1 : i32
      %dma_wait3A_182 = arith.constant 50 : i32
      %dma_wait3A_183 = arith.constant 0 : i32
      %dma_wait3A_184 = arith.constant 0 : i32
      %dma_wait3A_185 = tpu.memref_slice %arg4[%dma_wait3A_181, %dma_wait3A_182, %dma_wait3A_183, %dma_wait3A_184] : memref<3x64x320x320xf32, #tpu.memory_space<hbm>> -> memref<1x6x320x320xf32, #tpu.memory_space<hbm>>
      %dma_wait3A_186 = tpu.memref_squeeze %dma_wait3A_185 : memref<1x6x320x320xf32, #tpu.memory_space<hbm>> -> memref<6x320x320xf32, #tpu.memory_space<hbm>>
      %dma_wait3A_187 = arith.constant 50 : i32
      %dma_wait3A_188 = arith.constant 0 : i32
      %dma_wait3A_189 = arith.constant 0 : i32
      %dma_wait3A_190 = tpu.memref_slice %arg2[%dma_wait3A, %dma_wait3A_187, %dma_wait3A_188, %dma_wait3A_189] : memref<3x64x320x320xf32, #tpu.memory_space<hbm>> -> memref<1x6x320x320xf32, #tpu.memory_space<hbm>>
      %dma_wait3A_191 = tpu.memref_squeeze %dma_wait3A_190 : memref<1x6x320x320xf32, #tpu.memory_space<hbm>> -> memref<6x320x320xf32, #tpu.memory_space<hbm>>
      tpu.wait_dma2 semaphore(%arg5 : memref<!tpu.dma_semaphore, #tpu.memory_space<semaphore_mem>>) src(%dma_wait3A_191 : memref<6x320x320xf32, #tpu.memory_space<hbm>>) dst(%dma_wait3A_186 : memref<6x320x320xf32, #tpu.memory_space<hbm>>)
      %dma_wait3A_192 = arith.constant 1 : i32
      %dma_wait3A_193 = arith.constant 1 : i32
      %dma_wait3A_194 = arith.constant 3 : i32
      %dma_wait3A_195 = arith.constant 0 : i32
      %dma_wait3A_196 = arith.constant 0 : i32
      %dma_wait3A_197 = tpu.memref_slice %arg3[%dma_wait3A_193, %dma_wait3A_194, %dma_wait3A_195, %dma_wait3A_196] : memref<3x16x320x320xf32, #tpu.memory_space<hbm>> -> memref<1x1x320x320xf32, #tpu.memory_space<hbm>>
      %dma_wait3A_198 = tpu.memref_squeeze %dma_wait3A_197 : memref<1x1x320x320xf32, #tpu.memory_space<hbm>> -> memref<1x320x320xf32, #tpu.memory_space<hbm>>
      %dma_wait3A_199 = arith.constant 12 : i32
      %dma_wait3A_200 = arith.constant 0 : i32
      %dma_wait3A_201 = arith.constant 0 : i32
      %dma_wait3A_202 = tpu.memref_slice %arg2[%dma_wait3A_192, %dma_wait3A_199, %dma_wait3A_200, %dma_wait3A_201] : memref<3x64x320x320xf32, #tpu.memory_space<hbm>> -> memref<1x1x320x320xf32, #tpu.memory_space<hbm>>
      %dma_wait3A_203 = tpu.memref_squeeze %dma_wait3A_202 : memref<1x1x320x320xf32, #tpu.memory_space<hbm>> -> memref<1x320x320xf32, #tpu.memory_space<hbm>>
      tpu.wait_dma2 semaphore(%arg5 : memref<!tpu.dma_semaphore, #tpu.memory_space<semaphore_mem>>) src(%dma_wait3A_203 : memref<1x320x320xf32, #tpu.memory_space<hbm>>) dst(%dma_wait3A_198 : memref<1x320x320xf32, #tpu.memory_space<hbm>>)
    } else {
    }
    %eq3A_98 = arith.constant 20 : i32
    %eq3A_99 = arith.cmpi eq, %add3A, %eq3A_98 : i32
    %convert_element_type3A_100 = arith.extui %eq3A_99 : i1 to i32
    %cond3A_101 = arith.constant 0 : i32
    %cond3A_102 = arith.cmpi ne, %convert_element_type3A_100, %cond3A_101 : i32
    scf.if %cond3A_102 {
      %dma_start3A = arith.constant 1 : i32
      %dma_start3A_158 = arith.constant 1 : i32
      %dma_start3A_159 = arith.constant 56 : i32
      %dma_start3A_160 = arith.constant 0 : i32
      %dma_start3A_161 = arith.constant 0 : i32
      %dma_start3A_162 = tpu.memref_slice %arg4[%dma_start3A_158, %dma_start3A_159, %dma_start3A_160, %dma_start3A_161] : memref<3x64x320x320xf32, #tpu.memory_space<hbm>> -> memref<1x6x320x320xf32, #tpu.memory_space<hbm>>
      %dma_start3A_163 = tpu.memref_squeeze %dma_start3A_162 : memref<1x6x320x320xf32, #tpu.memory_space<hbm>> -> memref<6x320x320xf32, #tpu.memory_space<hbm>>
      %dma_start3A_164 = arith.constant 56 : i32
      %dma_start3A_165 = arith.constant 0 : i32
      %dma_start3A_166 = arith.constant 0 : i32
      %dma_start3A_167 = tpu.memref_slice %arg2[%dma_start3A, %dma_start3A_164, %dma_start3A_165, %dma_start3A_166] : memref<3x64x320x320xf32, #tpu.memory_space<hbm>> -> memref<1x6x320x320xf32, #tpu.memory_space<hbm>>
      %dma_start3A_168 = tpu.memref_squeeze %dma_start3A_167 : memref<1x6x320x320xf32, #tpu.memory_space<hbm>> -> memref<6x320x320xf32, #tpu.memory_space<hbm>>
      tpu.enqueue_dma source(%dma_start3A_168 : memref<6x320x320xf32, #tpu.memory_space<hbm>>) target(%dma_start3A_163 : memref<6x320x320xf32, #tpu.memory_space<hbm>>) target_semaphore(%arg5 : memref<!tpu.dma_semaphore, #tpu.memory_space<semaphore_mem>>)
      %dma_start3A_169 = arith.constant 1 : i32
      %dma_start3A_170 = arith.constant 1 : i32
      %dma_start3A_171 = arith.constant 4 : i32
      %dma_start3A_172 = arith.constant 0 : i32
      %dma_start3A_173 = arith.constant 0 : i32
      %dma_start3A_174 = tpu.memref_slice %arg3[%dma_start3A_170, %dma_start3A_171, %dma_start3A_172, %dma_start3A_173] : memref<3x16x320x320xf32, #tpu.memory_space<hbm>> -> memref<1x1x320x320xf32, #tpu.memory_space<hbm>>
      %dma_start3A_175 = tpu.memref_squeeze %dma_start3A_174 : memref<1x1x320x320xf32, #tpu.memory_space<hbm>> -> memref<1x320x320xf32, #tpu.memory_space<hbm>>
      %dma_start3A_176 = arith.constant 16 : i32
      %dma_start3A_177 = arith.constant 0 : i32
      %dma_start3A_178 = arith.constant 0 : i32
      %dma_start3A_179 = tpu.memref_slice %arg2[%dma_start3A_169, %dma_start3A_176, %dma_start3A_177, %dma_start3A_178] : memref<3x64x320x320xf32, #tpu.memory_space<hbm>> -> memref<1x1x320x320xf32, #tpu.memory_space<hbm>>
      %dma_start3A_180 = tpu.memref_squeeze %dma_start3A_179 : memref<1x1x320x320xf32, #tpu.memory_space<hbm>> -> memref<1x320x320xf32, #tpu.memory_space<hbm>>
      tpu.enqueue_dma source(%dma_start3A_180 : memref<1x320x320xf32, #tpu.memory_space<hbm>>) target(%dma_start3A_175 : memref<1x320x320xf32, #tpu.memory_space<hbm>>) target_semaphore(%arg5 : memref<!tpu.dma_semaphore, #tpu.memory_space<semaphore_mem>>)
      %dma_wait3A = arith.constant 1 : i32
      %dma_wait3A_181 = arith.constant 1 : i32
      %dma_wait3A_182 = arith.constant 56 : i32
      %dma_wait3A_183 = arith.constant 0 : i32
      %dma_wait3A_184 = arith.constant 0 : i32
      %dma_wait3A_185 = tpu.memref_slice %arg4[%dma_wait3A_181, %dma_wait3A_182, %dma_wait3A_183, %dma_wait3A_184] : memref<3x64x320x320xf32, #tpu.memory_space<hbm>> -> memref<1x6x320x320xf32, #tpu.memory_space<hbm>>
      %dma_wait3A_186 = tpu.memref_squeeze %dma_wait3A_185 : memref<1x6x320x320xf32, #tpu.memory_space<hbm>> -> memref<6x320x320xf32, #tpu.memory_space<hbm>>
      %dma_wait3A_187 = arith.constant 56 : i32
      %dma_wait3A_188 = arith.constant 0 : i32
      %dma_wait3A_189 = arith.constant 0 : i32
      %dma_wait3A_190 = tpu.memref_slice %arg2[%dma_wait3A, %dma_wait3A_187, %dma_wait3A_188, %dma_wait3A_189] : memref<3x64x320x320xf32, #tpu.memory_space<hbm>> -> memref<1x6x320x320xf32, #tpu.memory_space<hbm>>
      %dma_wait3A_191 = tpu.memref_squeeze %dma_wait3A_190 : memref<1x6x320x320xf32, #tpu.memory_space<hbm>> -> memref<6x320x320xf32, #tpu.memory_space<hbm>>
      tpu.wait_dma2 semaphore(%arg5 : memref<!tpu.dma_semaphore, #tpu.memory_space<semaphore_mem>>) src(%dma_wait3A_191 : memref<6x320x320xf32, #tpu.memory_space<hbm>>) dst(%dma_wait3A_186 : memref<6x320x320xf32, #tpu.memory_space<hbm>>)
      %dma_wait3A_192 = arith.constant 1 : i32
      %dma_wait3A_193 = arith.constant 1 : i32
      %dma_wait3A_194 = arith.constant 4 : i32
      %dma_wait3A_195 = arith.constant 0 : i32
      %dma_wait3A_196 = arith.constant 0 : i32
      %dma_wait3A_197 = tpu.memref_slice %arg3[%dma_wait3A_193, %dma_wait3A_194, %dma_wait3A_195, %dma_wait3A_196] : memref<3x16x320x320xf32, #tpu.memory_space<hbm>> -> memref<1x1x320x320xf32, #tpu.memory_space<hbm>>
      %dma_wait3A_198 = tpu.memref_squeeze %dma_wait3A_197 : memref<1x1x320x320xf32, #tpu.memory_space<hbm>> -> memref<1x320x320xf32, #tpu.memory_space<hbm>>
      %dma_wait3A_199 = arith.constant 16 : i32
      %dma_wait3A_200 = arith.constant 0 : i32
      %dma_wait3A_201 = arith.constant 0 : i32
      %dma_wait3A_202 = tpu.memref_slice %arg2[%dma_wait3A_192, %dma_wait3A_199, %dma_wait3A_200, %dma_wait3A_201] : memref<3x64x320x320xf32, #tpu.memory_space<hbm>> -> memref<1x1x320x320xf32, #tpu.memory_space<hbm>>
      %dma_wait3A_203 = tpu.memref_squeeze %dma_wait3A_202 : memref<1x1x320x320xf32, #tpu.memory_space<hbm>> -> memref<1x320x320xf32, #tpu.memory_space<hbm>>
      tpu.wait_dma2 semaphore(%arg5 : memref<!tpu.dma_semaphore, #tpu.memory_space<semaphore_mem>>) src(%dma_wait3A_203 : memref<1x320x320xf32, #tpu.memory_space<hbm>>) dst(%dma_wait3A_198 : memref<1x320x320xf32, #tpu.memory_space<hbm>>)
    } else {
    }
    %eq3A_103 = arith.constant 21 : i32
    %eq3A_104 = arith.cmpi eq, %add3A, %eq3A_103 : i32
    %convert_element_type3A_105 = arith.extui %eq3A_104 : i1 to i32
    %cond3A_106 = arith.constant 0 : i32
    %cond3A_107 = arith.cmpi ne, %convert_element_type3A_105, %cond3A_106 : i32
    scf.if %cond3A_107 {
      %dma_start3A = arith.constant 1 : i32
      %dma_start3A_158 = arith.constant 1 : i32
      %dma_start3A_159 = arith.constant 62 : i32
      %dma_start3A_160 = arith.constant 0 : i32
      %dma_start3A_161 = arith.constant 0 : i32
      %dma_start3A_162 = tpu.memref_slice %arg4[%dma_start3A_158, %dma_start3A_159, %dma_start3A_160, %dma_start3A_161] : memref<3x64x320x320xf32, #tpu.memory_space<hbm>> -> memref<1x2x320x320xf32, #tpu.memory_space<hbm>>
      %dma_start3A_163 = tpu.memref_squeeze %dma_start3A_162 : memref<1x2x320x320xf32, #tpu.memory_space<hbm>> -> memref<2x320x320xf32, #tpu.memory_space<hbm>>
      %dma_start3A_164 = arith.constant 62 : i32
      %dma_start3A_165 = arith.constant 0 : i32
      %dma_start3A_166 = arith.constant 0 : i32
      %dma_start3A_167 = tpu.memref_slice %arg2[%dma_start3A, %dma_start3A_164, %dma_start3A_165, %dma_start3A_166] : memref<3x64x320x320xf32, #tpu.memory_space<hbm>> -> memref<1x2x320x320xf32, #tpu.memory_space<hbm>>
      %dma_start3A_168 = tpu.memref_squeeze %dma_start3A_167 : memref<1x2x320x320xf32, #tpu.memory_space<hbm>> -> memref<2x320x320xf32, #tpu.memory_space<hbm>>
      tpu.enqueue_dma source(%dma_start3A_168 : memref<2x320x320xf32, #tpu.memory_space<hbm>>) target(%dma_start3A_163 : memref<2x320x320xf32, #tpu.memory_space<hbm>>) target_semaphore(%arg5 : memref<!tpu.dma_semaphore, #tpu.memory_space<semaphore_mem>>)
      %dma_start3A_169 = arith.constant 2 : i32
      %dma_start3A_170 = arith.constant 2 : i32
      %dma_start3A_171 = arith.constant 0 : i32
      %dma_start3A_172 = arith.constant 0 : i32
      %dma_start3A_173 = arith.constant 0 : i32
      %dma_start3A_174 = tpu.memref_slice %arg4[%dma_start3A_170, %dma_start3A_171, %dma_start3A_172, %dma_start3A_173] : memref<3x64x320x320xf32, #tpu.memory_space<hbm>> -> memref<1x4x320x320xf32, #tpu.memory_space<hbm>>
      %dma_start3A_175 = tpu.memref_squeeze %dma_start3A_174 : memref<1x4x320x320xf32, #tpu.memory_space<hbm>> -> memref<4x320x320xf32, #tpu.memory_space<hbm>>
      %dma_start3A_176 = arith.constant 0 : i32
      %dma_start3A_177 = arith.constant 0 : i32
      %dma_start3A_178 = arith.constant 0 : i32
      %dma_start3A_179 = tpu.memref_slice %arg2[%dma_start3A_169, %dma_start3A_176, %dma_start3A_177, %dma_start3A_178] : memref<3x64x320x320xf32, #tpu.memory_space<hbm>> -> memref<1x4x320x320xf32, #tpu.memory_space<hbm>>
      %dma_start3A_180 = tpu.memref_squeeze %dma_start3A_179 : memref<1x4x320x320xf32, #tpu.memory_space<hbm>> -> memref<4x320x320xf32, #tpu.memory_space<hbm>>
      tpu.enqueue_dma source(%dma_start3A_180 : memref<4x320x320xf32, #tpu.memory_space<hbm>>) target(%dma_start3A_175 : memref<4x320x320xf32, #tpu.memory_space<hbm>>) target_semaphore(%arg5 : memref<!tpu.dma_semaphore, #tpu.memory_space<semaphore_mem>>)
      %dma_start3A_181 = arith.constant 1 : i32
      %dma_start3A_182 = arith.constant 1 : i32
      %dma_start3A_183 = arith.constant 5 : i32
      %dma_start3A_184 = arith.constant 0 : i32
      %dma_start3A_185 = arith.constant 0 : i32
      %dma_start3A_186 = tpu.memref_slice %arg3[%dma_start3A_182, %dma_start3A_183, %dma_start3A_184, %dma_start3A_185] : memref<3x16x320x320xf32, #tpu.memory_space<hbm>> -> memref<1x1x320x320xf32, #tpu.memory_space<hbm>>
      %dma_start3A_187 = tpu.memref_squeeze %dma_start3A_186 : memref<1x1x320x320xf32, #tpu.memory_space<hbm>> -> memref<1x320x320xf32, #tpu.memory_space<hbm>>
      %dma_start3A_188 = arith.constant 21 : i32
      %dma_start3A_189 = arith.constant 0 : i32
      %dma_start3A_190 = arith.constant 0 : i32
      %dma_start3A_191 = tpu.memref_slice %arg2[%dma_start3A_181, %dma_start3A_188, %dma_start3A_189, %dma_start3A_190] : memref<3x64x320x320xf32, #tpu.memory_space<hbm>> -> memref<1x1x320x320xf32, #tpu.memory_space<hbm>>
      %dma_start3A_192 = tpu.memref_squeeze %dma_start3A_191 : memref<1x1x320x320xf32, #tpu.memory_space<hbm>> -> memref<1x320x320xf32, #tpu.memory_space<hbm>>
      tpu.enqueue_dma source(%dma_start3A_192 : memref<1x320x320xf32, #tpu.memory_space<hbm>>) target(%dma_start3A_187 : memref<1x320x320xf32, #tpu.memory_space<hbm>>) target_semaphore(%arg5 : memref<!tpu.dma_semaphore, #tpu.memory_space<semaphore_mem>>)
      %dma_wait3A = arith.constant 1 : i32
      %dma_wait3A_193 = arith.constant 1 : i32
      %dma_wait3A_194 = arith.constant 62 : i32
      %dma_wait3A_195 = arith.constant 0 : i32
      %dma_wait3A_196 = arith.constant 0 : i32
      %dma_wait3A_197 = tpu.memref_slice %arg4[%dma_wait3A_193, %dma_wait3A_194, %dma_wait3A_195, %dma_wait3A_196] : memref<3x64x320x320xf32, #tpu.memory_space<hbm>> -> memref<1x2x320x320xf32, #tpu.memory_space<hbm>>
      %dma_wait3A_198 = tpu.memref_squeeze %dma_wait3A_197 : memref<1x2x320x320xf32, #tpu.memory_space<hbm>> -> memref<2x320x320xf32, #tpu.memory_space<hbm>>
      %dma_wait3A_199 = arith.constant 62 : i32
      %dma_wait3A_200 = arith.constant 0 : i32
      %dma_wait3A_201 = arith.constant 0 : i32
      %dma_wait3A_202 = tpu.memref_slice %arg2[%dma_wait3A, %dma_wait3A_199, %dma_wait3A_200, %dma_wait3A_201] : memref<3x64x320x320xf32, #tpu.memory_space<hbm>> -> memref<1x2x320x320xf32, #tpu.memory_space<hbm>>
      %dma_wait3A_203 = tpu.memref_squeeze %dma_wait3A_202 : memref<1x2x320x320xf32, #tpu.memory_space<hbm>> -> memref<2x320x320xf32, #tpu.memory_space<hbm>>
      tpu.wait_dma2 semaphore(%arg5 : memref<!tpu.dma_semaphore, #tpu.memory_space<semaphore_mem>>) src(%dma_wait3A_203 : memref<2x320x320xf32, #tpu.memory_space<hbm>>) dst(%dma_wait3A_198 : memref<2x320x320xf32, #tpu.memory_space<hbm>>)
      %dma_wait3A_204 = arith.constant 2 : i32
      %dma_wait3A_205 = arith.constant 2 : i32
      %dma_wait3A_206 = arith.constant 0 : i32
      %dma_wait3A_207 = arith.constant 0 : i32
      %dma_wait3A_208 = arith.constant 0 : i32
      %dma_wait3A_209 = tpu.memref_slice %arg4[%dma_wait3A_205, %dma_wait3A_206, %dma_wait3A_207, %dma_wait3A_208] : memref<3x64x320x320xf32, #tpu.memory_space<hbm>> -> memref<1x4x320x320xf32, #tpu.memory_space<hbm>>
      %dma_wait3A_210 = tpu.memref_squeeze %dma_wait3A_209 : memref<1x4x320x320xf32, #tpu.memory_space<hbm>> -> memref<4x320x320xf32, #tpu.memory_space<hbm>>
      %dma_wait3A_211 = arith.constant 0 : i32
      %dma_wait3A_212 = arith.constant 0 : i32
      %dma_wait3A_213 = arith.constant 0 : i32
      %dma_wait3A_214 = tpu.memref_slice %arg2[%dma_wait3A_204, %dma_wait3A_211, %dma_wait3A_212, %dma_wait3A_213] : memref<3x64x320x320xf32, #tpu.memory_space<hbm>> -> memref<1x4x320x320xf32, #tpu.memory_space<hbm>>
      %dma_wait3A_215 = tpu.memref_squeeze %dma_wait3A_214 : memref<1x4x320x320xf32, #tpu.memory_space<hbm>> -> memref<4x320x320xf32, #tpu.memory_space<hbm>>
      tpu.wait_dma2 semaphore(%arg5 : memref<!tpu.dma_semaphore, #tpu.memory_space<semaphore_mem>>) src(%dma_wait3A_215 : memref<4x320x320xf32, #tpu.memory_space<hbm>>) dst(%dma_wait3A_210 : memref<4x320x320xf32, #tpu.memory_space<hbm>>)
      %dma_wait3A_216 = arith.constant 1 : i32
      %dma_wait3A_217 = arith.constant 1 : i32
      %dma_wait3A_218 = arith.constant 5 : i32
      %dma_wait3A_219 = arith.constant 0 : i32
      %dma_wait3A_220 = arith.constant 0 : i32
      %dma_wait3A_221 = tpu.memref_slice %arg3[%dma_wait3A_217, %dma_wait3A_218, %dma_wait3A_219, %dma_wait3A_220] : memref<3x16x320x320xf32, #tpu.memory_space<hbm>> -> memref<1x1x320x320xf32, #tpu.memory_space<hbm>>
      %dma_wait3A_222 = tpu.memref_squeeze %dma_wait3A_221 : memref<1x1x320x320xf32, #tpu.memory_space<hbm>> -> memref<1x320x320xf32, #tpu.memory_space<hbm>>
      %dma_wait3A_223 = arith.constant 21 : i32
      %dma_wait3A_224 = arith.constant 0 : i32
      %dma_wait3A_225 = arith.constant 0 : i32
      %dma_wait3A_226 = tpu.memref_slice %arg2[%dma_wait3A_216, %dma_wait3A_223, %dma_wait3A_224, %dma_wait3A_225] : memref<3x64x320x320xf32, #tpu.memory_space<hbm>> -> memref<1x1x320x320xf32, #tpu.memory_space<hbm>>
      %dma_wait3A_227 = tpu.memref_squeeze %dma_wait3A_226 : memref<1x1x320x320xf32, #tpu.memory_space<hbm>> -> memref<1x320x320xf32, #tpu.memory_space<hbm>>
      tpu.wait_dma2 semaphore(%arg5 : memref<!tpu.dma_semaphore, #tpu.memory_space<semaphore_mem>>) src(%dma_wait3A_227 : memref<1x320x320xf32, #tpu.memory_space<hbm>>) dst(%dma_wait3A_222 : memref<1x320x320xf32, #tpu.memory_space<hbm>>)
    } else {
    }
    %eq3A_108 = arith.constant 22 : i32
    %eq3A_109 = arith.cmpi eq, %add3A, %eq3A_108 : i32
    %convert_element_type3A_110 = arith.extui %eq3A_109 : i1 to i32
    %cond3A_111 = arith.constant 0 : i32
    %cond3A_112 = arith.cmpi ne, %convert_element_type3A_110, %cond3A_111 : i32
    scf.if %cond3A_112 {
      %dma_start3A = arith.constant 2 : i32
      %dma_start3A_158 = arith.constant 2 : i32
      %dma_start3A_159 = arith.constant 4 : i32
      %dma_start3A_160 = arith.constant 0 : i32
      %dma_start3A_161 = arith.constant 0 : i32
      %dma_start3A_162 = tpu.memref_slice %arg4[%dma_start3A_158, %dma_start3A_159, %dma_start3A_160, %dma_start3A_161] : memref<3x64x320x320xf32, #tpu.memory_space<hbm>> -> memref<1x6x320x320xf32, #tpu.memory_space<hbm>>
      %dma_start3A_163 = tpu.memref_squeeze %dma_start3A_162 : memref<1x6x320x320xf32, #tpu.memory_space<hbm>> -> memref<6x320x320xf32, #tpu.memory_space<hbm>>
      %dma_start3A_164 = arith.constant 4 : i32
      %dma_start3A_165 = arith.constant 0 : i32
      %dma_start3A_166 = arith.constant 0 : i32
      %dma_start3A_167 = tpu.memref_slice %arg2[%dma_start3A, %dma_start3A_164, %dma_start3A_165, %dma_start3A_166] : memref<3x64x320x320xf32, #tpu.memory_space<hbm>> -> memref<1x6x320x320xf32, #tpu.memory_space<hbm>>
      %dma_start3A_168 = tpu.memref_squeeze %dma_start3A_167 : memref<1x6x320x320xf32, #tpu.memory_space<hbm>> -> memref<6x320x320xf32, #tpu.memory_space<hbm>>
      tpu.enqueue_dma source(%dma_start3A_168 : memref<6x320x320xf32, #tpu.memory_space<hbm>>) target(%dma_start3A_163 : memref<6x320x320xf32, #tpu.memory_space<hbm>>) target_semaphore(%arg5 : memref<!tpu.dma_semaphore, #tpu.memory_space<semaphore_mem>>)
      %dma_start3A_169 = arith.constant 1 : i32
      %dma_start3A_170 = arith.constant 1 : i32
      %dma_start3A_171 = arith.constant 6 : i32
      %dma_start3A_172 = arith.constant 0 : i32
      %dma_start3A_173 = arith.constant 0 : i32
      %dma_start3A_174 = tpu.memref_slice %arg3[%dma_start3A_170, %dma_start3A_171, %dma_start3A_172, %dma_start3A_173] : memref<3x16x320x320xf32, #tpu.memory_space<hbm>> -> memref<1x1x320x320xf32, #tpu.memory_space<hbm>>
      %dma_start3A_175 = tpu.memref_squeeze %dma_start3A_174 : memref<1x1x320x320xf32, #tpu.memory_space<hbm>> -> memref<1x320x320xf32, #tpu.memory_space<hbm>>
      %dma_start3A_176 = arith.constant 25 : i32
      %dma_start3A_177 = arith.constant 0 : i32
      %dma_start3A_178 = arith.constant 0 : i32
      %dma_start3A_179 = tpu.memref_slice %arg2[%dma_start3A_169, %dma_start3A_176, %dma_start3A_177, %dma_start3A_178] : memref<3x64x320x320xf32, #tpu.memory_space<hbm>> -> memref<1x1x320x320xf32, #tpu.memory_space<hbm>>
      %dma_start3A_180 = tpu.memref_squeeze %dma_start3A_179 : memref<1x1x320x320xf32, #tpu.memory_space<hbm>> -> memref<1x320x320xf32, #tpu.memory_space<hbm>>
      tpu.enqueue_dma source(%dma_start3A_180 : memref<1x320x320xf32, #tpu.memory_space<hbm>>) target(%dma_start3A_175 : memref<1x320x320xf32, #tpu.memory_space<hbm>>) target_semaphore(%arg5 : memref<!tpu.dma_semaphore, #tpu.memory_space<semaphore_mem>>)
      %dma_wait3A = arith.constant 2 : i32
      %dma_wait3A_181 = arith.constant 2 : i32
      %dma_wait3A_182 = arith.constant 4 : i32
      %dma_wait3A_183 = arith.constant 0 : i32
      %dma_wait3A_184 = arith.constant 0 : i32
      %dma_wait3A_185 = tpu.memref_slice %arg4[%dma_wait3A_181, %dma_wait3A_182, %dma_wait3A_183, %dma_wait3A_184] : memref<3x64x320x320xf32, #tpu.memory_space<hbm>> -> memref<1x6x320x320xf32, #tpu.memory_space<hbm>>
      %dma_wait3A_186 = tpu.memref_squeeze %dma_wait3A_185 : memref<1x6x320x320xf32, #tpu.memory_space<hbm>> -> memref<6x320x320xf32, #tpu.memory_space<hbm>>
      %dma_wait3A_187 = arith.constant 4 : i32
      %dma_wait3A_188 = arith.constant 0 : i32
      %dma_wait3A_189 = arith.constant 0 : i32
      %dma_wait3A_190 = tpu.memref_slice %arg2[%dma_wait3A, %dma_wait3A_187, %dma_wait3A_188, %dma_wait3A_189] : memref<3x64x320x320xf32, #tpu.memory_space<hbm>> -> memref<1x6x320x320xf32, #tpu.memory_space<hbm>>
      %dma_wait3A_191 = tpu.memref_squeeze %dma_wait3A_190 : memref<1x6x320x320xf32, #tpu.memory_space<hbm>> -> memref<6x320x320xf32, #tpu.memory_space<hbm>>
      tpu.wait_dma2 semaphore(%arg5 : memref<!tpu.dma_semaphore, #tpu.memory_space<semaphore_mem>>) src(%dma_wait3A_191 : memref<6x320x320xf32, #tpu.memory_space<hbm>>) dst(%dma_wait3A_186 : memref<6x320x320xf32, #tpu.memory_space<hbm>>)
      %dma_wait3A_192 = arith.constant 1 : i32
      %dma_wait3A_193 = arith.constant 1 : i32
      %dma_wait3A_194 = arith.constant 6 : i32
      %dma_wait3A_195 = arith.constant 0 : i32
      %dma_wait3A_196 = arith.constant 0 : i32
      %dma_wait3A_197 = tpu.memref_slice %arg3[%dma_wait3A_193, %dma_wait3A_194, %dma_wait3A_195, %dma_wait3A_196] : memref<3x16x320x320xf32, #tpu.memory_space<hbm>> -> memref<1x1x320x320xf32, #tpu.memory_space<hbm>>
      %dma_wait3A_198 = tpu.memref_squeeze %dma_wait3A_197 : memref<1x1x320x320xf32, #tpu.memory_space<hbm>> -> memref<1x320x320xf32, #tpu.memory_space<hbm>>
      %dma_wait3A_199 = arith.constant 25 : i32
      %dma_wait3A_200 = arith.constant 0 : i32
      %dma_wait3A_201 = arith.constant 0 : i32
      %dma_wait3A_202 = tpu.memref_slice %arg2[%dma_wait3A_192, %dma_wait3A_199, %dma_wait3A_200, %dma_wait3A_201] : memref<3x64x320x320xf32, #tpu.memory_space<hbm>> -> memref<1x1x320x320xf32, #tpu.memory_space<hbm>>
      %dma_wait3A_203 = tpu.memref_squeeze %dma_wait3A_202 : memref<1x1x320x320xf32, #tpu.memory_space<hbm>> -> memref<1x320x320xf32, #tpu.memory_space<hbm>>
      tpu.wait_dma2 semaphore(%arg5 : memref<!tpu.dma_semaphore, #tpu.memory_space<semaphore_mem>>) src(%dma_wait3A_203 : memref<1x320x320xf32, #tpu.memory_space<hbm>>) dst(%dma_wait3A_198 : memref<1x320x320xf32, #tpu.memory_space<hbm>>)
    } else {
    }
    %eq3A_113 = arith.constant 23 : i32
    %eq3A_114 = arith.cmpi eq, %add3A, %eq3A_113 : i32
    %convert_element_type3A_115 = arith.extui %eq3A_114 : i1 to i32
    %cond3A_116 = arith.constant 0 : i32
    %cond3A_117 = arith.cmpi ne, %convert_element_type3A_115, %cond3A_116 : i32
    scf.if %cond3A_117 {
      %dma_start3A = arith.constant 2 : i32
      %dma_start3A_158 = arith.constant 2 : i32
      %dma_start3A_159 = arith.constant 10 : i32
      %dma_start3A_160 = arith.constant 0 : i32
      %dma_start3A_161 = arith.constant 0 : i32
      %dma_start3A_162 = tpu.memref_slice %arg4[%dma_start3A_158, %dma_start3A_159, %dma_start3A_160, %dma_start3A_161] : memref<3x64x320x320xf32, #tpu.memory_space<hbm>> -> memref<1x6x320x320xf32, #tpu.memory_space<hbm>>
      %dma_start3A_163 = tpu.memref_squeeze %dma_start3A_162 : memref<1x6x320x320xf32, #tpu.memory_space<hbm>> -> memref<6x320x320xf32, #tpu.memory_space<hbm>>
      %dma_start3A_164 = arith.constant 10 : i32
      %dma_start3A_165 = arith.constant 0 : i32
      %dma_start3A_166 = arith.constant 0 : i32
      %dma_start3A_167 = tpu.memref_slice %arg2[%dma_start3A, %dma_start3A_164, %dma_start3A_165, %dma_start3A_166] : memref<3x64x320x320xf32, #tpu.memory_space<hbm>> -> memref<1x6x320x320xf32, #tpu.memory_space<hbm>>
      %dma_start3A_168 = tpu.memref_squeeze %dma_start3A_167 : memref<1x6x320x320xf32, #tpu.memory_space<hbm>> -> memref<6x320x320xf32, #tpu.memory_space<hbm>>
      tpu.enqueue_dma source(%dma_start3A_168 : memref<6x320x320xf32, #tpu.memory_space<hbm>>) target(%dma_start3A_163 : memref<6x320x320xf32, #tpu.memory_space<hbm>>) target_semaphore(%arg5 : memref<!tpu.dma_semaphore, #tpu.memory_space<semaphore_mem>>)
      %dma_start3A_169 = arith.constant 1 : i32
      %dma_start3A_170 = arith.constant 1 : i32
      %dma_start3A_171 = arith.constant 7 : i32
      %dma_start3A_172 = arith.constant 0 : i32
      %dma_start3A_173 = arith.constant 0 : i32
      %dma_start3A_174 = tpu.memref_slice %arg3[%dma_start3A_170, %dma_start3A_171, %dma_start3A_172, %dma_start3A_173] : memref<3x16x320x320xf32, #tpu.memory_space<hbm>> -> memref<1x1x320x320xf32, #tpu.memory_space<hbm>>
      %dma_start3A_175 = tpu.memref_squeeze %dma_start3A_174 : memref<1x1x320x320xf32, #tpu.memory_space<hbm>> -> memref<1x320x320xf32, #tpu.memory_space<hbm>>
      %dma_start3A_176 = arith.constant 29 : i32
      %dma_start3A_177 = arith.constant 0 : i32
      %dma_start3A_178 = arith.constant 0 : i32
      %dma_start3A_179 = tpu.memref_slice %arg2[%dma_start3A_169, %dma_start3A_176, %dma_start3A_177, %dma_start3A_178] : memref<3x64x320x320xf32, #tpu.memory_space<hbm>> -> memref<1x1x320x320xf32, #tpu.memory_space<hbm>>
      %dma_start3A_180 = tpu.memref_squeeze %dma_start3A_179 : memref<1x1x320x320xf32, #tpu.memory_space<hbm>> -> memref<1x320x320xf32, #tpu.memory_space<hbm>>
      tpu.enqueue_dma source(%dma_start3A_180 : memref<1x320x320xf32, #tpu.memory_space<hbm>>) target(%dma_start3A_175 : memref<1x320x320xf32, #tpu.memory_space<hbm>>) target_semaphore(%arg5 : memref<!tpu.dma_semaphore, #tpu.memory_space<semaphore_mem>>)
      %dma_wait3A = arith.constant 2 : i32
      %dma_wait3A_181 = arith.constant 2 : i32
      %dma_wait3A_182 = arith.constant 10 : i32
      %dma_wait3A_183 = arith.constant 0 : i32
      %dma_wait3A_184 = arith.constant 0 : i32
      %dma_wait3A_185 = tpu.memref_slice %arg4[%dma_wait3A_181, %dma_wait3A_182, %dma_wait3A_183, %dma_wait3A_184] : memref<3x64x320x320xf32, #tpu.memory_space<hbm>> -> memref<1x6x320x320xf32, #tpu.memory_space<hbm>>
      %dma_wait3A_186 = tpu.memref_squeeze %dma_wait3A_185 : memref<1x6x320x320xf32, #tpu.memory_space<hbm>> -> memref<6x320x320xf32, #tpu.memory_space<hbm>>
      %dma_wait3A_187 = arith.constant 10 : i32
      %dma_wait3A_188 = arith.constant 0 : i32
      %dma_wait3A_189 = arith.constant 0 : i32
      %dma_wait3A_190 = tpu.memref_slice %arg2[%dma_wait3A, %dma_wait3A_187, %dma_wait3A_188, %dma_wait3A_189] : memref<3x64x320x320xf32, #tpu.memory_space<hbm>> -> memref<1x6x320x320xf32, #tpu.memory_space<hbm>>
      %dma_wait3A_191 = tpu.memref_squeeze %dma_wait3A_190 : memref<1x6x320x320xf32, #tpu.memory_space<hbm>> -> memref<6x320x320xf32, #tpu.memory_space<hbm>>
      tpu.wait_dma2 semaphore(%arg5 : memref<!tpu.dma_semaphore, #tpu.memory_space<semaphore_mem>>) src(%dma_wait3A_191 : memref<6x320x320xf32, #tpu.memory_space<hbm>>) dst(%dma_wait3A_186 : memref<6x320x320xf32, #tpu.memory_space<hbm>>)
      %dma_wait3A_192 = arith.constant 1 : i32
      %dma_wait3A_193 = arith.constant 1 : i32
      %dma_wait3A_194 = arith.constant 7 : i32
      %dma_wait3A_195 = arith.constant 0 : i32
      %dma_wait3A_196 = arith.constant 0 : i32
      %dma_wait3A_197 = tpu.memref_slice %arg3[%dma_wait3A_193, %dma_wait3A_194, %dma_wait3A_195, %dma_wait3A_196] : memref<3x16x320x320xf32, #tpu.memory_space<hbm>> -> memref<1x1x320x320xf32, #tpu.memory_space<hbm>>
      %dma_wait3A_198 = tpu.memref_squeeze %dma_wait3A_197 : memref<1x1x320x320xf32, #tpu.memory_space<hbm>> -> memref<1x320x320xf32, #tpu.memory_space<hbm>>
      %dma_wait3A_199 = arith.constant 29 : i32
      %dma_wait3A_200 = arith.constant 0 : i32
      %dma_wait3A_201 = arith.constant 0 : i32
      %dma_wait3A_202 = tpu.memref_slice %arg2[%dma_wait3A_192, %dma_wait3A_199, %dma_wait3A_200, %dma_wait3A_201] : memref<3x64x320x320xf32, #tpu.memory_space<hbm>> -> memref<1x1x320x320xf32, #tpu.memory_space<hbm>>
      %dma_wait3A_203 = tpu.memref_squeeze %dma_wait3A_202 : memref<1x1x320x320xf32, #tpu.memory_space<hbm>> -> memref<1x320x320xf32, #tpu.memory_space<hbm>>
      tpu.wait_dma2 semaphore(%arg5 : memref<!tpu.dma_semaphore, #tpu.memory_space<semaphore_mem>>) src(%dma_wait3A_203 : memref<1x320x320xf32, #tpu.memory_space<hbm>>) dst(%dma_wait3A_198 : memref<1x320x320xf32, #tpu.memory_space<hbm>>)
    } else {
    }
    %eq3A_118 = arith.constant 24 : i32
    %eq3A_119 = arith.cmpi eq, %add3A, %eq3A_118 : i32
    %convert_element_type3A_120 = arith.extui %eq3A_119 : i1 to i32
    %cond3A_121 = arith.constant 0 : i32
    %cond3A_122 = arith.cmpi ne, %convert_element_type3A_120, %cond3A_121 : i32
    scf.if %cond3A_122 {
      %dma_start3A = arith.constant 2 : i32
      %dma_start3A_158 = arith.constant 2 : i32
      %dma_start3A_159 = arith.constant 16 : i32
      %dma_start3A_160 = arith.constant 0 : i32
      %dma_start3A_161 = arith.constant 0 : i32
      %dma_start3A_162 = tpu.memref_slice %arg4[%dma_start3A_158, %dma_start3A_159, %dma_start3A_160, %dma_start3A_161] : memref<3x64x320x320xf32, #tpu.memory_space<hbm>> -> memref<1x6x320x320xf32, #tpu.memory_space<hbm>>
      %dma_start3A_163 = tpu.memref_squeeze %dma_start3A_162 : memref<1x6x320x320xf32, #tpu.memory_space<hbm>> -> memref<6x320x320xf32, #tpu.memory_space<hbm>>
      %dma_start3A_164 = arith.constant 16 : i32
      %dma_start3A_165 = arith.constant 0 : i32
      %dma_start3A_166 = arith.constant 0 : i32
      %dma_start3A_167 = tpu.memref_slice %arg2[%dma_start3A, %dma_start3A_164, %dma_start3A_165, %dma_start3A_166] : memref<3x64x320x320xf32, #tpu.memory_space<hbm>> -> memref<1x6x320x320xf32, #tpu.memory_space<hbm>>
      %dma_start3A_168 = tpu.memref_squeeze %dma_start3A_167 : memref<1x6x320x320xf32, #tpu.memory_space<hbm>> -> memref<6x320x320xf32, #tpu.memory_space<hbm>>
      tpu.enqueue_dma source(%dma_start3A_168 : memref<6x320x320xf32, #tpu.memory_space<hbm>>) target(%dma_start3A_163 : memref<6x320x320xf32, #tpu.memory_space<hbm>>) target_semaphore(%arg5 : memref<!tpu.dma_semaphore, #tpu.memory_space<semaphore_mem>>)
      %dma_start3A_169 = arith.constant 1 : i32
      %dma_start3A_170 = arith.constant 1 : i32
      %dma_start3A_171 = arith.constant 8 : i32
      %dma_start3A_172 = arith.constant 0 : i32
      %dma_start3A_173 = arith.constant 0 : i32
      %dma_start3A_174 = tpu.memref_slice %arg3[%dma_start3A_170, %dma_start3A_171, %dma_start3A_172, %dma_start3A_173] : memref<3x16x320x320xf32, #tpu.memory_space<hbm>> -> memref<1x1x320x320xf32, #tpu.memory_space<hbm>>
      %dma_start3A_175 = tpu.memref_squeeze %dma_start3A_174 : memref<1x1x320x320xf32, #tpu.memory_space<hbm>> -> memref<1x320x320xf32, #tpu.memory_space<hbm>>
      %dma_start3A_176 = arith.constant 33 : i32
      %dma_start3A_177 = arith.constant 0 : i32
      %dma_start3A_178 = arith.constant 0 : i32
      %dma_start3A_179 = tpu.memref_slice %arg2[%dma_start3A_169, %dma_start3A_176, %dma_start3A_177, %dma_start3A_178] : memref<3x64x320x320xf32, #tpu.memory_space<hbm>> -> memref<1x1x320x320xf32, #tpu.memory_space<hbm>>
      %dma_start3A_180 = tpu.memref_squeeze %dma_start3A_179 : memref<1x1x320x320xf32, #tpu.memory_space<hbm>> -> memref<1x320x320xf32, #tpu.memory_space<hbm>>
      tpu.enqueue_dma source(%dma_start3A_180 : memref<1x320x320xf32, #tpu.memory_space<hbm>>) target(%dma_start3A_175 : memref<1x320x320xf32, #tpu.memory_space<hbm>>) target_semaphore(%arg5 : memref<!tpu.dma_semaphore, #tpu.memory_space<semaphore_mem>>)
      %dma_wait3A = arith.constant 2 : i32
      %dma_wait3A_181 = arith.constant 2 : i32
      %dma_wait3A_182 = arith.constant 16 : i32
      %dma_wait3A_183 = arith.constant 0 : i32
      %dma_wait3A_184 = arith.constant 0 : i32
      %dma_wait3A_185 = tpu.memref_slice %arg4[%dma_wait3A_181, %dma_wait3A_182, %dma_wait3A_183, %dma_wait3A_184] : memref<3x64x320x320xf32, #tpu.memory_space<hbm>> -> memref<1x6x320x320xf32, #tpu.memory_space<hbm>>
      %dma_wait3A_186 = tpu.memref_squeeze %dma_wait3A_185 : memref<1x6x320x320xf32, #tpu.memory_space<hbm>> -> memref<6x320x320xf32, #tpu.memory_space<hbm>>
      %dma_wait3A_187 = arith.constant 16 : i32
      %dma_wait3A_188 = arith.constant 0 : i32
      %dma_wait3A_189 = arith.constant 0 : i32
      %dma_wait3A_190 = tpu.memref_slice %arg2[%dma_wait3A, %dma_wait3A_187, %dma_wait3A_188, %dma_wait3A_189] : memref<3x64x320x320xf32, #tpu.memory_space<hbm>> -> memref<1x6x320x320xf32, #tpu.memory_space<hbm>>
      %dma_wait3A_191 = tpu.memref_squeeze %dma_wait3A_190 : memref<1x6x320x320xf32, #tpu.memory_space<hbm>> -> memref<6x320x320xf32, #tpu.memory_space<hbm>>
      tpu.wait_dma2 semaphore(%arg5 : memref<!tpu.dma_semaphore, #tpu.memory_space<semaphore_mem>>) src(%dma_wait3A_191 : memref<6x320x320xf32, #tpu.memory_space<hbm>>) dst(%dma_wait3A_186 : memref<6x320x320xf32, #tpu.memory_space<hbm>>)
      %dma_wait3A_192 = arith.constant 1 : i32
      %dma_wait3A_193 = arith.constant 1 : i32
      %dma_wait3A_194 = arith.constant 8 : i32
      %dma_wait3A_195 = arith.constant 0 : i32
      %dma_wait3A_196 = arith.constant 0 : i32
      %dma_wait3A_197 = tpu.memref_slice %arg3[%dma_wait3A_193, %dma_wait3A_194, %dma_wait3A_195, %dma_wait3A_196] : memref<3x16x320x320xf32, #tpu.memory_space<hbm>> -> memref<1x1x320x320xf32, #tpu.memory_space<hbm>>
      %dma_wait3A_198 = tpu.memref_squeeze %dma_wait3A_197 : memref<1x1x320x320xf32, #tpu.memory_space<hbm>> -> memref<1x320x320xf32, #tpu.memory_space<hbm>>
      %dma_wait3A_199 = arith.constant 33 : i32
      %dma_wait3A_200 = arith.constant 0 : i32
      %dma_wait3A_201 = arith.constant 0 : i32
      %dma_wait3A_202 = tpu.memref_slice %arg2[%dma_wait3A_192, %dma_wait3A_199, %dma_wait3A_200, %dma_wait3A_201] : memref<3x64x320x320xf32, #tpu.memory_space<hbm>> -> memref<1x1x320x320xf32, #tpu.memory_space<hbm>>
      %dma_wait3A_203 = tpu.memref_squeeze %dma_wait3A_202 : memref<1x1x320x320xf32, #tpu.memory_space<hbm>> -> memref<1x320x320xf32, #tpu.memory_space<hbm>>
      tpu.wait_dma2 semaphore(%arg5 : memref<!tpu.dma_semaphore, #tpu.memory_space<semaphore_mem>>) src(%dma_wait3A_203 : memref<1x320x320xf32, #tpu.memory_space<hbm>>) dst(%dma_wait3A_198 : memref<1x320x320xf32, #tpu.memory_space<hbm>>)
    } else {
    }
    %eq3A_123 = arith.constant 25 : i32
    %eq3A_124 = arith.cmpi eq, %add3A, %eq3A_123 : i32
    %convert_element_type3A_125 = arith.extui %eq3A_124 : i1 to i32
    %cond3A_126 = arith.constant 0 : i32
    %cond3A_127 = arith.cmpi ne, %convert_element_type3A_125, %cond3A_126 : i32
    scf.if %cond3A_127 {
      %dma_start3A = arith.constant 2 : i32
      %dma_start3A_158 = arith.constant 2 : i32
      %dma_start3A_159 = arith.constant 22 : i32
      %dma_start3A_160 = arith.constant 0 : i32
      %dma_start3A_161 = arith.constant 0 : i32
      %dma_start3A_162 = tpu.memref_slice %arg4[%dma_start3A_158, %dma_start3A_159, %dma_start3A_160, %dma_start3A_161] : memref<3x64x320x320xf32, #tpu.memory_space<hbm>> -> memref<1x6x320x320xf32, #tpu.memory_space<hbm>>
      %dma_start3A_163 = tpu.memref_squeeze %dma_start3A_162 : memref<1x6x320x320xf32, #tpu.memory_space<hbm>> -> memref<6x320x320xf32, #tpu.memory_space<hbm>>
      %dma_start3A_164 = arith.constant 22 : i32
      %dma_start3A_165 = arith.constant 0 : i32
      %dma_start3A_166 = arith.constant 0 : i32
      %dma_start3A_167 = tpu.memref_slice %arg2[%dma_start3A, %dma_start3A_164, %dma_start3A_165, %dma_start3A_166] : memref<3x64x320x320xf32, #tpu.memory_space<hbm>> -> memref<1x6x320x320xf32, #tpu.memory_space<hbm>>
      %dma_start3A_168 = tpu.memref_squeeze %dma_start3A_167 : memref<1x6x320x320xf32, #tpu.memory_space<hbm>> -> memref<6x320x320xf32, #tpu.memory_space<hbm>>
      tpu.enqueue_dma source(%dma_start3A_168 : memref<6x320x320xf32, #tpu.memory_space<hbm>>) target(%dma_start3A_163 : memref<6x320x320xf32, #tpu.memory_space<hbm>>) target_semaphore(%arg5 : memref<!tpu.dma_semaphore, #tpu.memory_space<semaphore_mem>>)
      %dma_start3A_169 = arith.constant 1 : i32
      %dma_start3A_170 = arith.constant 1 : i32
      %dma_start3A_171 = arith.constant 9 : i32
      %dma_start3A_172 = arith.constant 0 : i32
      %dma_start3A_173 = arith.constant 0 : i32
      %dma_start3A_174 = tpu.memref_slice %arg3[%dma_start3A_170, %dma_start3A_171, %dma_start3A_172, %dma_start3A_173] : memref<3x16x320x320xf32, #tpu.memory_space<hbm>> -> memref<1x1x320x320xf32, #tpu.memory_space<hbm>>
      %dma_start3A_175 = tpu.memref_squeeze %dma_start3A_174 : memref<1x1x320x320xf32, #tpu.memory_space<hbm>> -> memref<1x320x320xf32, #tpu.memory_space<hbm>>
      %dma_start3A_176 = arith.constant 37 : i32
      %dma_start3A_177 = arith.constant 0 : i32
      %dma_start3A_178 = arith.constant 0 : i32
      %dma_start3A_179 = tpu.memref_slice %arg2[%dma_start3A_169, %dma_start3A_176, %dma_start3A_177, %dma_start3A_178] : memref<3x64x320x320xf32, #tpu.memory_space<hbm>> -> memref<1x1x320x320xf32, #tpu.memory_space<hbm>>
      %dma_start3A_180 = tpu.memref_squeeze %dma_start3A_179 : memref<1x1x320x320xf32, #tpu.memory_space<hbm>> -> memref<1x320x320xf32, #tpu.memory_space<hbm>>
      tpu.enqueue_dma source(%dma_start3A_180 : memref<1x320x320xf32, #tpu.memory_space<hbm>>) target(%dma_start3A_175 : memref<1x320x320xf32, #tpu.memory_space<hbm>>) target_semaphore(%arg5 : memref<!tpu.dma_semaphore, #tpu.memory_space<semaphore_mem>>)
      %dma_wait3A = arith.constant 2 : i32
      %dma_wait3A_181 = arith.constant 2 : i32
      %dma_wait3A_182 = arith.constant 22 : i32
      %dma_wait3A_183 = arith.constant 0 : i32
      %dma_wait3A_184 = arith.constant 0 : i32
      %dma_wait3A_185 = tpu.memref_slice %arg4[%dma_wait3A_181, %dma_wait3A_182, %dma_wait3A_183, %dma_wait3A_184] : memref<3x64x320x320xf32, #tpu.memory_space<hbm>> -> memref<1x6x320x320xf32, #tpu.memory_space<hbm>>
      %dma_wait3A_186 = tpu.memref_squeeze %dma_wait3A_185 : memref<1x6x320x320xf32, #tpu.memory_space<hbm>> -> memref<6x320x320xf32, #tpu.memory_space<hbm>>
      %dma_wait3A_187 = arith.constant 22 : i32
      %dma_wait3A_188 = arith.constant 0 : i32
      %dma_wait3A_189 = arith.constant 0 : i32
      %dma_wait3A_190 = tpu.memref_slice %arg2[%dma_wait3A, %dma_wait3A_187, %dma_wait3A_188, %dma_wait3A_189] : memref<3x64x320x320xf32, #tpu.memory_space<hbm>> -> memref<1x6x320x320xf32, #tpu.memory_space<hbm>>
      %dma_wait3A_191 = tpu.memref_squeeze %dma_wait3A_190 : memref<1x6x320x320xf32, #tpu.memory_space<hbm>> -> memref<6x320x320xf32, #tpu.memory_space<hbm>>
      tpu.wait_dma2 semaphore(%arg5 : memref<!tpu.dma_semaphore, #tpu.memory_space<semaphore_mem>>) src(%dma_wait3A_191 : memref<6x320x320xf32, #tpu.memory_space<hbm>>) dst(%dma_wait3A_186 : memref<6x320x320xf32, #tpu.memory_space<hbm>>)
      %dma_wait3A_192 = arith.constant 1 : i32
      %dma_wait3A_193 = arith.constant 1 : i32
      %dma_wait3A_194 = arith.constant 9 : i32
      %dma_wait3A_195 = arith.constant 0 : i32
      %dma_wait3A_196 = arith.constant 0 : i32
      %dma_wait3A_197 = tpu.memref_slice %arg3[%dma_wait3A_193, %dma_wait3A_194, %dma_wait3A_195, %dma_wait3A_196] : memref<3x16x320x320xf32, #tpu.memory_space<hbm>> -> memref<1x1x320x320xf32, #tpu.memory_space<hbm>>
      %dma_wait3A_198 = tpu.memref_squeeze %dma_wait3A_197 : memref<1x1x320x320xf32, #tpu.memory_space<hbm>> -> memref<1x320x320xf32, #tpu.memory_space<hbm>>
      %dma_wait3A_199 = arith.constant 37 : i32
      %dma_wait3A_200 = arith.constant 0 : i32
      %dma_wait3A_201 = arith.constant 0 : i32
      %dma_wait3A_202 = tpu.memref_slice %arg2[%dma_wait3A_192, %dma_wait3A_199, %dma_wait3A_200, %dma_wait3A_201] : memref<3x64x320x320xf32, #tpu.memory_space<hbm>> -> memref<1x1x320x320xf32, #tpu.memory_space<hbm>>
      %dma_wait3A_203 = tpu.memref_squeeze %dma_wait3A_202 : memref<1x1x320x320xf32, #tpu.memory_space<hbm>> -> memref<1x320x320xf32, #tpu.memory_space<hbm>>
      tpu.wait_dma2 semaphore(%arg5 : memref<!tpu.dma_semaphore, #tpu.memory_space<semaphore_mem>>) src(%dma_wait3A_203 : memref<1x320x320xf32, #tpu.memory_space<hbm>>) dst(%dma_wait3A_198 : memref<1x320x320xf32, #tpu.memory_space<hbm>>)
    } else {
    }
    %eq3A_128 = arith.constant 26 : i32
    %eq3A_129 = arith.cmpi eq, %add3A, %eq3A_128 : i32
    %convert_element_type3A_130 = arith.extui %eq3A_129 : i1 to i32
    %cond3A_131 = arith.constant 0 : i32
    %cond3A_132 = arith.cmpi ne, %convert_element_type3A_130, %cond3A_131 : i32
    scf.if %cond3A_132 {
      %dma_start3A = arith.constant 2 : i32
      %dma_start3A_158 = arith.constant 2 : i32
      %dma_start3A_159 = arith.constant 28 : i32
      %dma_start3A_160 = arith.constant 0 : i32
      %dma_start3A_161 = arith.constant 0 : i32
      %dma_start3A_162 = tpu.memref_slice %arg4[%dma_start3A_158, %dma_start3A_159, %dma_start3A_160, %dma_start3A_161] : memref<3x64x320x320xf32, #tpu.memory_space<hbm>> -> memref<1x6x320x320xf32, #tpu.memory_space<hbm>>
      %dma_start3A_163 = tpu.memref_squeeze %dma_start3A_162 : memref<1x6x320x320xf32, #tpu.memory_space<hbm>> -> memref<6x320x320xf32, #tpu.memory_space<hbm>>
      %dma_start3A_164 = arith.constant 28 : i32
      %dma_start3A_165 = arith.constant 0 : i32
      %dma_start3A_166 = arith.constant 0 : i32
      %dma_start3A_167 = tpu.memref_slice %arg2[%dma_start3A, %dma_start3A_164, %dma_start3A_165, %dma_start3A_166] : memref<3x64x320x320xf32, #tpu.memory_space<hbm>> -> memref<1x6x320x320xf32, #tpu.memory_space<hbm>>
      %dma_start3A_168 = tpu.memref_squeeze %dma_start3A_167 : memref<1x6x320x320xf32, #tpu.memory_space<hbm>> -> memref<6x320x320xf32, #tpu.memory_space<hbm>>
      tpu.enqueue_dma source(%dma_start3A_168 : memref<6x320x320xf32, #tpu.memory_space<hbm>>) target(%dma_start3A_163 : memref<6x320x320xf32, #tpu.memory_space<hbm>>) target_semaphore(%arg5 : memref<!tpu.dma_semaphore, #tpu.memory_space<semaphore_mem>>)
      %dma_start3A_169 = arith.constant 1 : i32
      %dma_start3A_170 = arith.constant 1 : i32
      %dma_start3A_171 = arith.constant 10 : i32
      %dma_start3A_172 = arith.constant 0 : i32
      %dma_start3A_173 = arith.constant 0 : i32
      %dma_start3A_174 = tpu.memref_slice %arg3[%dma_start3A_170, %dma_start3A_171, %dma_start3A_172, %dma_start3A_173] : memref<3x16x320x320xf32, #tpu.memory_space<hbm>> -> memref<1x1x320x320xf32, #tpu.memory_space<hbm>>
      %dma_start3A_175 = tpu.memref_squeeze %dma_start3A_174 : memref<1x1x320x320xf32, #tpu.memory_space<hbm>> -> memref<1x320x320xf32, #tpu.memory_space<hbm>>
      %dma_start3A_176 = arith.constant 42 : i32
      %dma_start3A_177 = arith.constant 0 : i32
      %dma_start3A_178 = arith.constant 0 : i32
      %dma_start3A_179 = tpu.memref_slice %arg2[%dma_start3A_169, %dma_start3A_176, %dma_start3A_177, %dma_start3A_178] : memref<3x64x320x320xf32, #tpu.memory_space<hbm>> -> memref<1x1x320x320xf32, #tpu.memory_space<hbm>>
      %dma_start3A_180 = tpu.memref_squeeze %dma_start3A_179 : memref<1x1x320x320xf32, #tpu.memory_space<hbm>> -> memref<1x320x320xf32, #tpu.memory_space<hbm>>
      tpu.enqueue_dma source(%dma_start3A_180 : memref<1x320x320xf32, #tpu.memory_space<hbm>>) target(%dma_start3A_175 : memref<1x320x320xf32, #tpu.memory_space<hbm>>) target_semaphore(%arg5 : memref<!tpu.dma_semaphore, #tpu.memory_space<semaphore_mem>>)
      %dma_wait3A = arith.constant 2 : i32
      %dma_wait3A_181 = arith.constant 2 : i32
      %dma_wait3A_182 = arith.constant 28 : i32
      %dma_wait3A_183 = arith.constant 0 : i32
      %dma_wait3A_184 = arith.constant 0 : i32
      %dma_wait3A_185 = tpu.memref_slice %arg4[%dma_wait3A_181, %dma_wait3A_182, %dma_wait3A_183, %dma_wait3A_184] : memref<3x64x320x320xf32, #tpu.memory_space<hbm>> -> memref<1x6x320x320xf32, #tpu.memory_space<hbm>>
      %dma_wait3A_186 = tpu.memref_squeeze %dma_wait3A_185 : memref<1x6x320x320xf32, #tpu.memory_space<hbm>> -> memref<6x320x320xf32, #tpu.memory_space<hbm>>
      %dma_wait3A_187 = arith.constant 28 : i32
      %dma_wait3A_188 = arith.constant 0 : i32
      %dma_wait3A_189 = arith.constant 0 : i32
      %dma_wait3A_190 = tpu.memref_slice %arg2[%dma_wait3A, %dma_wait3A_187, %dma_wait3A_188, %dma_wait3A_189] : memref<3x64x320x320xf32, #tpu.memory_space<hbm>> -> memref<1x6x320x320xf32, #tpu.memory_space<hbm>>
      %dma_wait3A_191 = tpu.memref_squeeze %dma_wait3A_190 : memref<1x6x320x320xf32, #tpu.memory_space<hbm>> -> memref<6x320x320xf32, #tpu.memory_space<hbm>>
      tpu.wait_dma2 semaphore(%arg5 : memref<!tpu.dma_semaphore, #tpu.memory_space<semaphore_mem>>) src(%dma_wait3A_191 : memref<6x320x320xf32, #tpu.memory_space<hbm>>) dst(%dma_wait3A_186 : memref<6x320x320xf32, #tpu.memory_space<hbm>>)
      %dma_wait3A_192 = arith.constant 1 : i32
      %dma_wait3A_193 = arith.constant 1 : i32
      %dma_wait3A_194 = arith.constant 10 : i32
      %dma_wait3A_195 = arith.constant 0 : i32
      %dma_wait3A_196 = arith.constant 0 : i32
      %dma_wait3A_197 = tpu.memref_slice %arg3[%dma_wait3A_193, %dma_wait3A_194, %dma_wait3A_195, %dma_wait3A_196] : memref<3x16x320x320xf32, #tpu.memory_space<hbm>> -> memref<1x1x320x320xf32, #tpu.memory_space<hbm>>
      %dma_wait3A_198 = tpu.memref_squeeze %dma_wait3A_197 : memref<1x1x320x320xf32, #tpu.memory_space<hbm>> -> memref<1x320x320xf32, #tpu.memory_space<hbm>>
      %dma_wait3A_199 = arith.constant 42 : i32
      %dma_wait3A_200 = arith.constant 0 : i32
      %dma_wait3A_201 = arith.constant 0 : i32
      %dma_wait3A_202 = tpu.memref_slice %arg2[%dma_wait3A_192, %dma_wait3A_199, %dma_wait3A_200, %dma_wait3A_201] : memref<3x64x320x320xf32, #tpu.memory_space<hbm>> -> memref<1x1x320x320xf32, #tpu.memory_space<hbm>>
      %dma_wait3A_203 = tpu.memref_squeeze %dma_wait3A_202 : memref<1x1x320x320xf32, #tpu.memory_space<hbm>> -> memref<1x320x320xf32, #tpu.memory_space<hbm>>
      tpu.wait_dma2 semaphore(%arg5 : memref<!tpu.dma_semaphore, #tpu.memory_space<semaphore_mem>>) src(%dma_wait3A_203 : memref<1x320x320xf32, #tpu.memory_space<hbm>>) dst(%dma_wait3A_198 : memref<1x320x320xf32, #tpu.memory_space<hbm>>)
    } else {
    }
    %eq3A_133 = arith.constant 27 : i32
    %eq3A_134 = arith.cmpi eq, %add3A, %eq3A_133 : i32
    %convert_element_type3A_135 = arith.extui %eq3A_134 : i1 to i32
    %cond3A_136 = arith.constant 0 : i32
    %cond3A_137 = arith.cmpi ne, %convert_element_type3A_135, %cond3A_136 : i32
    scf.if %cond3A_137 {
      %dma_start3A = arith.constant 2 : i32
      %dma_start3A_158 = arith.constant 2 : i32
      %dma_start3A_159 = arith.constant 34 : i32
      %dma_start3A_160 = arith.constant 0 : i32
      %dma_start3A_161 = arith.constant 0 : i32
      %dma_start3A_162 = tpu.memref_slice %arg4[%dma_start3A_158, %dma_start3A_159, %dma_start3A_160, %dma_start3A_161] : memref<3x64x320x320xf32, #tpu.memory_space<hbm>> -> memref<1x6x320x320xf32, #tpu.memory_space<hbm>>
      %dma_start3A_163 = tpu.memref_squeeze %dma_start3A_162 : memref<1x6x320x320xf32, #tpu.memory_space<hbm>> -> memref<6x320x320xf32, #tpu.memory_space<hbm>>
      %dma_start3A_164 = arith.constant 34 : i32
      %dma_start3A_165 = arith.constant 0 : i32
      %dma_start3A_166 = arith.constant 0 : i32
      %dma_start3A_167 = tpu.memref_slice %arg2[%dma_start3A, %dma_start3A_164, %dma_start3A_165, %dma_start3A_166] : memref<3x64x320x320xf32, #tpu.memory_space<hbm>> -> memref<1x6x320x320xf32, #tpu.memory_space<hbm>>
      %dma_start3A_168 = tpu.memref_squeeze %dma_start3A_167 : memref<1x6x320x320xf32, #tpu.memory_space<hbm>> -> memref<6x320x320xf32, #tpu.memory_space<hbm>>
      tpu.enqueue_dma source(%dma_start3A_168 : memref<6x320x320xf32, #tpu.memory_space<hbm>>) target(%dma_start3A_163 : memref<6x320x320xf32, #tpu.memory_space<hbm>>) target_semaphore(%arg5 : memref<!tpu.dma_semaphore, #tpu.memory_space<semaphore_mem>>)
      %dma_start3A_169 = arith.constant 1 : i32
      %dma_start3A_170 = arith.constant 1 : i32
      %dma_start3A_171 = arith.constant 11 : i32
      %dma_start3A_172 = arith.constant 0 : i32
      %dma_start3A_173 = arith.constant 0 : i32
      %dma_start3A_174 = tpu.memref_slice %arg3[%dma_start3A_170, %dma_start3A_171, %dma_start3A_172, %dma_start3A_173] : memref<3x16x320x320xf32, #tpu.memory_space<hbm>> -> memref<1x1x320x320xf32, #tpu.memory_space<hbm>>
      %dma_start3A_175 = tpu.memref_squeeze %dma_start3A_174 : memref<1x1x320x320xf32, #tpu.memory_space<hbm>> -> memref<1x320x320xf32, #tpu.memory_space<hbm>>
      %dma_start3A_176 = arith.constant 46 : i32
      %dma_start3A_177 = arith.constant 0 : i32
      %dma_start3A_178 = arith.constant 0 : i32
      %dma_start3A_179 = tpu.memref_slice %arg2[%dma_start3A_169, %dma_start3A_176, %dma_start3A_177, %dma_start3A_178] : memref<3x64x320x320xf32, #tpu.memory_space<hbm>> -> memref<1x1x320x320xf32, #tpu.memory_space<hbm>>
      %dma_start3A_180 = tpu.memref_squeeze %dma_start3A_179 : memref<1x1x320x320xf32, #tpu.memory_space<hbm>> -> memref<1x320x320xf32, #tpu.memory_space<hbm>>
      tpu.enqueue_dma source(%dma_start3A_180 : memref<1x320x320xf32, #tpu.memory_space<hbm>>) target(%dma_start3A_175 : memref<1x320x320xf32, #tpu.memory_space<hbm>>) target_semaphore(%arg5 : memref<!tpu.dma_semaphore, #tpu.memory_space<semaphore_mem>>)
      %dma_wait3A = arith.constant 2 : i32
      %dma_wait3A_181 = arith.constant 2 : i32
      %dma_wait3A_182 = arith.constant 34 : i32
      %dma_wait3A_183 = arith.constant 0 : i32
      %dma_wait3A_184 = arith.constant 0 : i32
      %dma_wait3A_185 = tpu.memref_slice %arg4[%dma_wait3A_181, %dma_wait3A_182, %dma_wait3A_183, %dma_wait3A_184] : memref<3x64x320x320xf32, #tpu.memory_space<hbm>> -> memref<1x6x320x320xf32, #tpu.memory_space<hbm>>
      %dma_wait3A_186 = tpu.memref_squeeze %dma_wait3A_185 : memref<1x6x320x320xf32, #tpu.memory_space<hbm>> -> memref<6x320x320xf32, #tpu.memory_space<hbm>>
      %dma_wait3A_187 = arith.constant 34 : i32
      %dma_wait3A_188 = arith.constant 0 : i32
      %dma_wait3A_189 = arith.constant 0 : i32
      %dma_wait3A_190 = tpu.memref_slice %arg2[%dma_wait3A, %dma_wait3A_187, %dma_wait3A_188, %dma_wait3A_189] : memref<3x64x320x320xf32, #tpu.memory_space<hbm>> -> memref<1x6x320x320xf32, #tpu.memory_space<hbm>>
      %dma_wait3A_191 = tpu.memref_squeeze %dma_wait3A_190 : memref<1x6x320x320xf32, #tpu.memory_space<hbm>> -> memref<6x320x320xf32, #tpu.memory_space<hbm>>
      tpu.wait_dma2 semaphore(%arg5 : memref<!tpu.dma_semaphore, #tpu.memory_space<semaphore_mem>>) src(%dma_wait3A_191 : memref<6x320x320xf32, #tpu.memory_space<hbm>>) dst(%dma_wait3A_186 : memref<6x320x320xf32, #tpu.memory_space<hbm>>)
      %dma_wait3A_192 = arith.constant 1 : i32
      %dma_wait3A_193 = arith.constant 1 : i32
      %dma_wait3A_194 = arith.constant 11 : i32
      %dma_wait3A_195 = arith.constant 0 : i32
      %dma_wait3A_196 = arith.constant 0 : i32
      %dma_wait3A_197 = tpu.memref_slice %arg3[%dma_wait3A_193, %dma_wait3A_194, %dma_wait3A_195, %dma_wait3A_196] : memref<3x16x320x320xf32, #tpu.memory_space<hbm>> -> memref<1x1x320x320xf32, #tpu.memory_space<hbm>>
      %dma_wait3A_198 = tpu.memref_squeeze %dma_wait3A_197 : memref<1x1x320x320xf32, #tpu.memory_space<hbm>> -> memref<1x320x320xf32, #tpu.memory_space<hbm>>
      %dma_wait3A_199 = arith.constant 46 : i32
      %dma_wait3A_200 = arith.constant 0 : i32
      %dma_wait3A_201 = arith.constant 0 : i32
      %dma_wait3A_202 = tpu.memref_slice %arg2[%dma_wait3A_192, %dma_wait3A_199, %dma_wait3A_200, %dma_wait3A_201] : memref<3x64x320x320xf32, #tpu.memory_space<hbm>> -> memref<1x1x320x320xf32, #tpu.memory_space<hbm>>
      %dma_wait3A_203 = tpu.memref_squeeze %dma_wait3A_202 : memref<1x1x320x320xf32, #tpu.memory_space<hbm>> -> memref<1x320x320xf32, #tpu.memory_space<hbm>>
      tpu.wait_dma2 semaphore(%arg5 : memref<!tpu.dma_semaphore, #tpu.memory_space<semaphore_mem>>) src(%dma_wait3A_203 : memref<1x320x320xf32, #tpu.memory_space<hbm>>) dst(%dma_wait3A_198 : memref<1x320x320xf32, #tpu.memory_space<hbm>>)
    } else {
    }
    %eq3A_138 = arith.constant 28 : i32
    %eq3A_139 = arith.cmpi eq, %add3A, %eq3A_138 : i32
    %convert_element_type3A_140 = arith.extui %eq3A_139 : i1 to i32
    %cond3A_141 = arith.constant 0 : i32
    %cond3A_142 = arith.cmpi ne, %convert_element_type3A_140, %cond3A_141 : i32
    scf.if %cond3A_142 {
      %dma_start3A = arith.constant 2 : i32
      %dma_start3A_158 = arith.constant 2 : i32
      %dma_start3A_159 = arith.constant 40 : i32
      %dma_start3A_160 = arith.constant 0 : i32
      %dma_start3A_161 = arith.constant 0 : i32
      %dma_start3A_162 = tpu.memref_slice %arg4[%dma_start3A_158, %dma_start3A_159, %dma_start3A_160, %dma_start3A_161] : memref<3x64x320x320xf32, #tpu.memory_space<hbm>> -> memref<1x6x320x320xf32, #tpu.memory_space<hbm>>
      %dma_start3A_163 = tpu.memref_squeeze %dma_start3A_162 : memref<1x6x320x320xf32, #tpu.memory_space<hbm>> -> memref<6x320x320xf32, #tpu.memory_space<hbm>>
      %dma_start3A_164 = arith.constant 40 : i32
      %dma_start3A_165 = arith.constant 0 : i32
      %dma_start3A_166 = arith.constant 0 : i32
      %dma_start3A_167 = tpu.memref_slice %arg2[%dma_start3A, %dma_start3A_164, %dma_start3A_165, %dma_start3A_166] : memref<3x64x320x320xf32, #tpu.memory_space<hbm>> -> memref<1x6x320x320xf32, #tpu.memory_space<hbm>>
      %dma_start3A_168 = tpu.memref_squeeze %dma_start3A_167 : memref<1x6x320x320xf32, #tpu.memory_space<hbm>> -> memref<6x320x320xf32, #tpu.memory_space<hbm>>
      tpu.enqueue_dma source(%dma_start3A_168 : memref<6x320x320xf32, #tpu.memory_space<hbm>>) target(%dma_start3A_163 : memref<6x320x320xf32, #tpu.memory_space<hbm>>) target_semaphore(%arg5 : memref<!tpu.dma_semaphore, #tpu.memory_space<semaphore_mem>>)
      %dma_start3A_169 = arith.constant 1 : i32
      %dma_start3A_170 = arith.constant 1 : i32
      %dma_start3A_171 = arith.constant 12 : i32
      %dma_start3A_172 = arith.constant 0 : i32
      %dma_start3A_173 = arith.constant 0 : i32
      %dma_start3A_174 = tpu.memref_slice %arg3[%dma_start3A_170, %dma_start3A_171, %dma_start3A_172, %dma_start3A_173] : memref<3x16x320x320xf32, #tpu.memory_space<hbm>> -> memref<1x1x320x320xf32, #tpu.memory_space<hbm>>
      %dma_start3A_175 = tpu.memref_squeeze %dma_start3A_174 : memref<1x1x320x320xf32, #tpu.memory_space<hbm>> -> memref<1x320x320xf32, #tpu.memory_space<hbm>>
      %dma_start3A_176 = arith.constant 50 : i32
      %dma_start3A_177 = arith.constant 0 : i32
      %dma_start3A_178 = arith.constant 0 : i32
      %dma_start3A_179 = tpu.memref_slice %arg2[%dma_start3A_169, %dma_start3A_176, %dma_start3A_177, %dma_start3A_178] : memref<3x64x320x320xf32, #tpu.memory_space<hbm>> -> memref<1x1x320x320xf32, #tpu.memory_space<hbm>>
      %dma_start3A_180 = tpu.memref_squeeze %dma_start3A_179 : memref<1x1x320x320xf32, #tpu.memory_space<hbm>> -> memref<1x320x320xf32, #tpu.memory_space<hbm>>
      tpu.enqueue_dma source(%dma_start3A_180 : memref<1x320x320xf32, #tpu.memory_space<hbm>>) target(%dma_start3A_175 : memref<1x320x320xf32, #tpu.memory_space<hbm>>) target_semaphore(%arg5 : memref<!tpu.dma_semaphore, #tpu.memory_space<semaphore_mem>>)
      %dma_wait3A = arith.constant 2 : i32
      %dma_wait3A_181 = arith.constant 2 : i32
      %dma_wait3A_182 = arith.constant 40 : i32
      %dma_wait3A_183 = arith.constant 0 : i32
      %dma_wait3A_184 = arith.constant 0 : i32
      %dma_wait3A_185 = tpu.memref_slice %arg4[%dma_wait3A_181, %dma_wait3A_182, %dma_wait3A_183, %dma_wait3A_184] : memref<3x64x320x320xf32, #tpu.memory_space<hbm>> -> memref<1x6x320x320xf32, #tpu.memory_space<hbm>>
      %dma_wait3A_186 = tpu.memref_squeeze %dma_wait3A_185 : memref<1x6x320x320xf32, #tpu.memory_space<hbm>> -> memref<6x320x320xf32, #tpu.memory_space<hbm>>
      %dma_wait3A_187 = arith.constant 40 : i32
      %dma_wait3A_188 = arith.constant 0 : i32
      %dma_wait3A_189 = arith.constant 0 : i32
      %dma_wait3A_190 = tpu.memref_slice %arg2[%dma_wait3A, %dma_wait3A_187, %dma_wait3A_188, %dma_wait3A_189] : memref<3x64x320x320xf32, #tpu.memory_space<hbm>> -> memref<1x6x320x320xf32, #tpu.memory_space<hbm>>
      %dma_wait3A_191 = tpu.memref_squeeze %dma_wait3A_190 : memref<1x6x320x320xf32, #tpu.memory_space<hbm>> -> memref<6x320x320xf32, #tpu.memory_space<hbm>>
      tpu.wait_dma2 semaphore(%arg5 : memref<!tpu.dma_semaphore, #tpu.memory_space<semaphore_mem>>) src(%dma_wait3A_191 : memref<6x320x320xf32, #tpu.memory_space<hbm>>) dst(%dma_wait3A_186 : memref<6x320x320xf32, #tpu.memory_space<hbm>>)
      %dma_wait3A_192 = arith.constant 1 : i32
      %dma_wait3A_193 = arith.constant 1 : i32
      %dma_wait3A_194 = arith.constant 12 : i32
      %dma_wait3A_195 = arith.constant 0 : i32
      %dma_wait3A_196 = arith.constant 0 : i32
      %dma_wait3A_197 = tpu.memref_slice %arg3[%dma_wait3A_193, %dma_wait3A_194, %dma_wait3A_195, %dma_wait3A_196] : memref<3x16x320x320xf32, #tpu.memory_space<hbm>> -> memref<1x1x320x320xf32, #tpu.memory_space<hbm>>
      %dma_wait3A_198 = tpu.memref_squeeze %dma_wait3A_197 : memref<1x1x320x320xf32, #tpu.memory_space<hbm>> -> memref<1x320x320xf32, #tpu.memory_space<hbm>>
      %dma_wait3A_199 = arith.constant 50 : i32
      %dma_wait3A_200 = arith.constant 0 : i32
      %dma_wait3A_201 = arith.constant 0 : i32
      %dma_wait3A_202 = tpu.memref_slice %arg2[%dma_wait3A_192, %dma_wait3A_199, %dma_wait3A_200, %dma_wait3A_201] : memref<3x64x320x320xf32, #tpu.memory_space<hbm>> -> memref<1x1x320x320xf32, #tpu.memory_space<hbm>>
      %dma_wait3A_203 = tpu.memref_squeeze %dma_wait3A_202 : memref<1x1x320x320xf32, #tpu.memory_space<hbm>> -> memref<1x320x320xf32, #tpu.memory_space<hbm>>
      tpu.wait_dma2 semaphore(%arg5 : memref<!tpu.dma_semaphore, #tpu.memory_space<semaphore_mem>>) src(%dma_wait3A_203 : memref<1x320x320xf32, #tpu.memory_space<hbm>>) dst(%dma_wait3A_198 : memref<1x320x320xf32, #tpu.memory_space<hbm>>)
    } else {
    }
    %eq3A_143 = arith.constant 29 : i32
    %eq3A_144 = arith.cmpi eq, %add3A, %eq3A_143 : i32
    %convert_element_type3A_145 = arith.extui %eq3A_144 : i1 to i32
    %cond3A_146 = arith.constant 0 : i32
    %cond3A_147 = arith.cmpi ne, %convert_element_type3A_145, %cond3A_146 : i32
    scf.if %cond3A_147 {
      %dma_start3A = arith.constant 2 : i32
      %dma_start3A_158 = arith.constant 2 : i32
      %dma_start3A_159 = arith.constant 46 : i32
      %dma_start3A_160 = arith.constant 0 : i32
      %dma_start3A_161 = arith.constant 0 : i32
      %dma_start3A_162 = tpu.memref_slice %arg4[%dma_start3A_158, %dma_start3A_159, %dma_start3A_160, %dma_start3A_161] : memref<3x64x320x320xf32, #tpu.memory_space<hbm>> -> memref<1x6x320x320xf32, #tpu.memory_space<hbm>>
      %dma_start3A_163 = tpu.memref_squeeze %dma_start3A_162 : memref<1x6x320x320xf32, #tpu.memory_space<hbm>> -> memref<6x320x320xf32, #tpu.memory_space<hbm>>
      %dma_start3A_164 = arith.constant 46 : i32
      %dma_start3A_165 = arith.constant 0 : i32
      %dma_start3A_166 = arith.constant 0 : i32
      %dma_start3A_167 = tpu.memref_slice %arg2[%dma_start3A, %dma_start3A_164, %dma_start3A_165, %dma_start3A_166] : memref<3x64x320x320xf32, #tpu.memory_space<hbm>> -> memref<1x6x320x320xf32, #tpu.memory_space<hbm>>
      %dma_start3A_168 = tpu.memref_squeeze %dma_start3A_167 : memref<1x6x320x320xf32, #tpu.memory_space<hbm>> -> memref<6x320x320xf32, #tpu.memory_space<hbm>>
      tpu.enqueue_dma source(%dma_start3A_168 : memref<6x320x320xf32, #tpu.memory_space<hbm>>) target(%dma_start3A_163 : memref<6x320x320xf32, #tpu.memory_space<hbm>>) target_semaphore(%arg5 : memref<!tpu.dma_semaphore, #tpu.memory_space<semaphore_mem>>)
      %dma_start3A_169 = arith.constant 1 : i32
      %dma_start3A_170 = arith.constant 1 : i32
      %dma_start3A_171 = arith.constant 13 : i32
      %dma_start3A_172 = arith.constant 0 : i32
      %dma_start3A_173 = arith.constant 0 : i32
      %dma_start3A_174 = tpu.memref_slice %arg3[%dma_start3A_170, %dma_start3A_171, %dma_start3A_172, %dma_start3A_173] : memref<3x16x320x320xf32, #tpu.memory_space<hbm>> -> memref<1x1x320x320xf32, #tpu.memory_space<hbm>>
      %dma_start3A_175 = tpu.memref_squeeze %dma_start3A_174 : memref<1x1x320x320xf32, #tpu.memory_space<hbm>> -> memref<1x320x320xf32, #tpu.memory_space<hbm>>
      %dma_start3A_176 = arith.constant 54 : i32
      %dma_start3A_177 = arith.constant 0 : i32
      %dma_start3A_178 = arith.constant 0 : i32
      %dma_start3A_179 = tpu.memref_slice %arg2[%dma_start3A_169, %dma_start3A_176, %dma_start3A_177, %dma_start3A_178] : memref<3x64x320x320xf32, #tpu.memory_space<hbm>> -> memref<1x1x320x320xf32, #tpu.memory_space<hbm>>
      %dma_start3A_180 = tpu.memref_squeeze %dma_start3A_179 : memref<1x1x320x320xf32, #tpu.memory_space<hbm>> -> memref<1x320x320xf32, #tpu.memory_space<hbm>>
      tpu.enqueue_dma source(%dma_start3A_180 : memref<1x320x320xf32, #tpu.memory_space<hbm>>) target(%dma_start3A_175 : memref<1x320x320xf32, #tpu.memory_space<hbm>>) target_semaphore(%arg5 : memref<!tpu.dma_semaphore, #tpu.memory_space<semaphore_mem>>)
      %dma_wait3A = arith.constant 2 : i32
      %dma_wait3A_181 = arith.constant 2 : i32
      %dma_wait3A_182 = arith.constant 46 : i32
      %dma_wait3A_183 = arith.constant 0 : i32
      %dma_wait3A_184 = arith.constant 0 : i32
      %dma_wait3A_185 = tpu.memref_slice %arg4[%dma_wait3A_181, %dma_wait3A_182, %dma_wait3A_183, %dma_wait3A_184] : memref<3x64x320x320xf32, #tpu.memory_space<hbm>> -> memref<1x6x320x320xf32, #tpu.memory_space<hbm>>
      %dma_wait3A_186 = tpu.memref_squeeze %dma_wait3A_185 : memref<1x6x320x320xf32, #tpu.memory_space<hbm>> -> memref<6x320x320xf32, #tpu.memory_space<hbm>>
      %dma_wait3A_187 = arith.constant 46 : i32
      %dma_wait3A_188 = arith.constant 0 : i32
      %dma_wait3A_189 = arith.constant 0 : i32
      %dma_wait3A_190 = tpu.memref_slice %arg2[%dma_wait3A, %dma_wait3A_187, %dma_wait3A_188, %dma_wait3A_189] : memref<3x64x320x320xf32, #tpu.memory_space<hbm>> -> memref<1x6x320x320xf32, #tpu.memory_space<hbm>>
      %dma_wait3A_191 = tpu.memref_squeeze %dma_wait3A_190 : memref<1x6x320x320xf32, #tpu.memory_space<hbm>> -> memref<6x320x320xf32, #tpu.memory_space<hbm>>
      tpu.wait_dma2 semaphore(%arg5 : memref<!tpu.dma_semaphore, #tpu.memory_space<semaphore_mem>>) src(%dma_wait3A_191 : memref<6x320x320xf32, #tpu.memory_space<hbm>>) dst(%dma_wait3A_186 : memref<6x320x320xf32, #tpu.memory_space<hbm>>)
      %dma_wait3A_192 = arith.constant 1 : i32
      %dma_wait3A_193 = arith.constant 1 : i32
      %dma_wait3A_194 = arith.constant 13 : i32
      %dma_wait3A_195 = arith.constant 0 : i32
      %dma_wait3A_196 = arith.constant 0 : i32
      %dma_wait3A_197 = tpu.memref_slice %arg3[%dma_wait3A_193, %dma_wait3A_194, %dma_wait3A_195, %dma_wait3A_196] : memref<3x16x320x320xf32, #tpu.memory_space<hbm>> -> memref<1x1x320x320xf32, #tpu.memory_space<hbm>>
      %dma_wait3A_198 = tpu.memref_squeeze %dma_wait3A_197 : memref<1x1x320x320xf32, #tpu.memory_space<hbm>> -> memref<1x320x320xf32, #tpu.memory_space<hbm>>
      %dma_wait3A_199 = arith.constant 54 : i32
      %dma_wait3A_200 = arith.constant 0 : i32
      %dma_wait3A_201 = arith.constant 0 : i32
      %dma_wait3A_202 = tpu.memref_slice %arg2[%dma_wait3A_192, %dma_wait3A_199, %dma_wait3A_200, %dma_wait3A_201] : memref<3x64x320x320xf32, #tpu.memory_space<hbm>> -> memref<1x1x320x320xf32, #tpu.memory_space<hbm>>
      %dma_wait3A_203 = tpu.memref_squeeze %dma_wait3A_202 : memref<1x1x320x320xf32, #tpu.memory_space<hbm>> -> memref<1x320x320xf32, #tpu.memory_space<hbm>>
      tpu.wait_dma2 semaphore(%arg5 : memref<!tpu.dma_semaphore, #tpu.memory_space<semaphore_mem>>) src(%dma_wait3A_203 : memref<1x320x320xf32, #tpu.memory_space<hbm>>) dst(%dma_wait3A_198 : memref<1x320x320xf32, #tpu.memory_space<hbm>>)
    } else {
    }
    %eq3A_148 = arith.constant 30 : i32
    %eq3A_149 = arith.cmpi eq, %add3A, %eq3A_148 : i32
    %convert_element_type3A_150 = arith.extui %eq3A_149 : i1 to i32
    %cond3A_151 = arith.constant 0 : i32
    %cond3A_152 = arith.cmpi ne, %convert_element_type3A_150, %cond3A_151 : i32
    scf.if %cond3A_152 {
      %dma_start3A = arith.constant 2 : i32
      %dma_start3A_158 = arith.constant 2 : i32
      %dma_start3A_159 = arith.constant 52 : i32
      %dma_start3A_160 = arith.constant 0 : i32
      %dma_start3A_161 = arith.constant 0 : i32
      %dma_start3A_162 = tpu.memref_slice %arg4[%dma_start3A_158, %dma_start3A_159, %dma_start3A_160, %dma_start3A_161] : memref<3x64x320x320xf32, #tpu.memory_space<hbm>> -> memref<1x6x320x320xf32, #tpu.memory_space<hbm>>
      %dma_start3A_163 = tpu.memref_squeeze %dma_start3A_162 : memref<1x6x320x320xf32, #tpu.memory_space<hbm>> -> memref<6x320x320xf32, #tpu.memory_space<hbm>>
      %dma_start3A_164 = arith.constant 52 : i32
      %dma_start3A_165 = arith.constant 0 : i32
      %dma_start3A_166 = arith.constant 0 : i32
      %dma_start3A_167 = tpu.memref_slice %arg2[%dma_start3A, %dma_start3A_164, %dma_start3A_165, %dma_start3A_166] : memref<3x64x320x320xf32, #tpu.memory_space<hbm>> -> memref<1x6x320x320xf32, #tpu.memory_space<hbm>>
      %dma_start3A_168 = tpu.memref_squeeze %dma_start3A_167 : memref<1x6x320x320xf32, #tpu.memory_space<hbm>> -> memref<6x320x320xf32, #tpu.memory_space<hbm>>
      tpu.enqueue_dma source(%dma_start3A_168 : memref<6x320x320xf32, #tpu.memory_space<hbm>>) target(%dma_start3A_163 : memref<6x320x320xf32, #tpu.memory_space<hbm>>) target_semaphore(%arg5 : memref<!tpu.dma_semaphore, #tpu.memory_space<semaphore_mem>>)
      %dma_start3A_169 = arith.constant 1 : i32
      %dma_start3A_170 = arith.constant 1 : i32
      %dma_start3A_171 = arith.constant 14 : i32
      %dma_start3A_172 = arith.constant 0 : i32
      %dma_start3A_173 = arith.constant 0 : i32
      %dma_start3A_174 = tpu.memref_slice %arg3[%dma_start3A_170, %dma_start3A_171, %dma_start3A_172, %dma_start3A_173] : memref<3x16x320x320xf32, #tpu.memory_space<hbm>> -> memref<1x1x320x320xf32, #tpu.memory_space<hbm>>
      %dma_start3A_175 = tpu.memref_squeeze %dma_start3A_174 : memref<1x1x320x320xf32, #tpu.memory_space<hbm>> -> memref<1x320x320xf32, #tpu.memory_space<hbm>>
      %dma_start3A_176 = arith.constant 58 : i32
      %dma_start3A_177 = arith.constant 0 : i32
      %dma_start3A_178 = arith.constant 0 : i32
      %dma_start3A_179 = tpu.memref_slice %arg2[%dma_start3A_169, %dma_start3A_176, %dma_start3A_177, %dma_start3A_178] : memref<3x64x320x320xf32, #tpu.memory_space<hbm>> -> memref<1x1x320x320xf32, #tpu.memory_space<hbm>>
      %dma_start3A_180 = tpu.memref_squeeze %dma_start3A_179 : memref<1x1x320x320xf32, #tpu.memory_space<hbm>> -> memref<1x320x320xf32, #tpu.memory_space<hbm>>
      tpu.enqueue_dma source(%dma_start3A_180 : memref<1x320x320xf32, #tpu.memory_space<hbm>>) target(%dma_start3A_175 : memref<1x320x320xf32, #tpu.memory_space<hbm>>) target_semaphore(%arg5 : memref<!tpu.dma_semaphore, #tpu.memory_space<semaphore_mem>>)
      %dma_wait3A = arith.constant 2 : i32
      %dma_wait3A_181 = arith.constant 2 : i32
      %dma_wait3A_182 = arith.constant 52 : i32
      %dma_wait3A_183 = arith.constant 0 : i32
      %dma_wait3A_184 = arith.constant 0 : i32
      %dma_wait3A_185 = tpu.memref_slice %arg4[%dma_wait3A_181, %dma_wait3A_182, %dma_wait3A_183, %dma_wait3A_184] : memref<3x64x320x320xf32, #tpu.memory_space<hbm>> -> memref<1x6x320x320xf32, #tpu.memory_space<hbm>>
      %dma_wait3A_186 = tpu.memref_squeeze %dma_wait3A_185 : memref<1x6x320x320xf32, #tpu.memory_space<hbm>> -> memref<6x320x320xf32, #tpu.memory_space<hbm>>
      %dma_wait3A_187 = arith.constant 52 : i32
      %dma_wait3A_188 = arith.constant 0 : i32
      %dma_wait3A_189 = arith.constant 0 : i32
      %dma_wait3A_190 = tpu.memref_slice %arg2[%dma_wait3A, %dma_wait3A_187, %dma_wait3A_188, %dma_wait3A_189] : memref<3x64x320x320xf32, #tpu.memory_space<hbm>> -> memref<1x6x320x320xf32, #tpu.memory_space<hbm>>
      %dma_wait3A_191 = tpu.memref_squeeze %dma_wait3A_190 : memref<1x6x320x320xf32, #tpu.memory_space<hbm>> -> memref<6x320x320xf32, #tpu.memory_space<hbm>>
      tpu.wait_dma2 semaphore(%arg5 : memref<!tpu.dma_semaphore, #tpu.memory_space<semaphore_mem>>) src(%dma_wait3A_191 : memref<6x320x320xf32, #tpu.memory_space<hbm>>) dst(%dma_wait3A_186 : memref<6x320x320xf32, #tpu.memory_space<hbm>>)
      %dma_wait3A_192 = arith.constant 1 : i32
      %dma_wait3A_193 = arith.constant 1 : i32
      %dma_wait3A_194 = arith.constant 14 : i32
      %dma_wait3A_195 = arith.constant 0 : i32
      %dma_wait3A_196 = arith.constant 0 : i32
      %dma_wait3A_197 = tpu.memref_slice %arg3[%dma_wait3A_193, %dma_wait3A_194, %dma_wait3A_195, %dma_wait3A_196] : memref<3x16x320x320xf32, #tpu.memory_space<hbm>> -> memref<1x1x320x320xf32, #tpu.memory_space<hbm>>
      %dma_wait3A_198 = tpu.memref_squeeze %dma_wait3A_197 : memref<1x1x320x320xf32, #tpu.memory_space<hbm>> -> memref<1x320x320xf32, #tpu.memory_space<hbm>>
      %dma_wait3A_199 = arith.constant 58 : i32
      %dma_wait3A_200 = arith.constant 0 : i32
      %dma_wait3A_201 = arith.constant 0 : i32
      %dma_wait3A_202 = tpu.memref_slice %arg2[%dma_wait3A_192, %dma_wait3A_199, %dma_wait3A_200, %dma_wait3A_201] : memref<3x64x320x320xf32, #tpu.memory_space<hbm>> -> memref<1x1x320x320xf32, #tpu.memory_space<hbm>>
      %dma_wait3A_203 = tpu.memref_squeeze %dma_wait3A_202 : memref<1x1x320x320xf32, #tpu.memory_space<hbm>> -> memref<1x320x320xf32, #tpu.memory_space<hbm>>
      tpu.wait_dma2 semaphore(%arg5 : memref<!tpu.dma_semaphore, #tpu.memory_space<semaphore_mem>>) src(%dma_wait3A_203 : memref<1x320x320xf32, #tpu.memory_space<hbm>>) dst(%dma_wait3A_198 : memref<1x320x320xf32, #tpu.memory_space<hbm>>)
    } else {
    }
    %eq3A_153 = arith.constant 31 : i32
    %eq3A_154 = arith.cmpi eq, %add3A, %eq3A_153 : i32
    %convert_element_type3A_155 = arith.extui %eq3A_154 : i1 to i32
    %cond3A_156 = arith.constant 0 : i32
    %cond3A_157 = arith.cmpi ne, %convert_element_type3A_155, %cond3A_156 : i32
    scf.if %cond3A_157 {
      %dma_start3A = arith.constant 2 : i32
      %dma_start3A_158 = arith.constant 2 : i32
      %dma_start3A_159 = arith.constant 58 : i32
      %dma_start3A_160 = arith.constant 0 : i32
      %dma_start3A_161 = arith.constant 0 : i32
      %dma_start3A_162 = tpu.memref_slice %arg4[%dma_start3A_158, %dma_start3A_159, %dma_start3A_160, %dma_start3A_161] : memref<3x64x320x320xf32, #tpu.memory_space<hbm>> -> memref<1x6x320x320xf32, #tpu.memory_space<hbm>>
      %dma_start3A_163 = tpu.memref_squeeze %dma_start3A_162 : memref<1x6x320x320xf32, #tpu.memory_space<hbm>> -> memref<6x320x320xf32, #tpu.memory_space<hbm>>
      %dma_start3A_164 = arith.constant 58 : i32
      %dma_start3A_165 = arith.constant 0 : i32
      %dma_start3A_166 = arith.constant 0 : i32
      %dma_start3A_167 = tpu.memref_slice %arg2[%dma_start3A, %dma_start3A_164, %dma_start3A_165, %dma_start3A_166] : memref<3x64x320x320xf32, #tpu.memory_space<hbm>> -> memref<1x6x320x320xf32, #tpu.memory_space<hbm>>
      %dma_start3A_168 = tpu.memref_squeeze %dma_start3A_167 : memref<1x6x320x320xf32, #tpu.memory_space<hbm>> -> memref<6x320x320xf32, #tpu.memory_space<hbm>>
      tpu.enqueue_dma source(%dma_start3A_168 : memref<6x320x320xf32, #tpu.memory_space<hbm>>) target(%dma_start3A_163 : memref<6x320x320xf32, #tpu.memory_space<hbm>>) target_semaphore(%arg5 : memref<!tpu.dma_semaphore, #tpu.memory_space<semaphore_mem>>)
      %dma_start3A_169 = arith.constant 1 : i32
      %dma_start3A_170 = arith.constant 1 : i32
      %dma_start3A_171 = arith.constant 15 : i32
      %dma_start3A_172 = arith.constant 0 : i32
      %dma_start3A_173 = arith.constant 0 : i32
      %dma_start3A_174 = tpu.memref_slice %arg3[%dma_start3A_170, %dma_start3A_171, %dma_start3A_172, %dma_start3A_173] : memref<3x16x320x320xf32, #tpu.memory_space<hbm>> -> memref<1x1x320x320xf32, #tpu.memory_space<hbm>>
      %dma_start3A_175 = tpu.memref_squeeze %dma_start3A_174 : memref<1x1x320x320xf32, #tpu.memory_space<hbm>> -> memref<1x320x320xf32, #tpu.memory_space<hbm>>
      %dma_start3A_176 = arith.constant 63 : i32
      %dma_start3A_177 = arith.constant 0 : i32
      %dma_start3A_178 = arith.constant 0 : i32
      %dma_start3A_179 = tpu.memref_slice %arg2[%dma_start3A_169, %dma_start3A_176, %dma_start3A_177, %dma_start3A_178] : memref<3x64x320x320xf32, #tpu.memory_space<hbm>> -> memref<1x1x320x320xf32, #tpu.memory_space<hbm>>
      %dma_start3A_180 = tpu.memref_squeeze %dma_start3A_179 : memref<1x1x320x320xf32, #tpu.memory_space<hbm>> -> memref<1x320x320xf32, #tpu.memory_space<hbm>>
      tpu.enqueue_dma source(%dma_start3A_180 : memref<1x320x320xf32, #tpu.memory_space<hbm>>) target(%dma_start3A_175 : memref<1x320x320xf32, #tpu.memory_space<hbm>>) target_semaphore(%arg5 : memref<!tpu.dma_semaphore, #tpu.memory_space<semaphore_mem>>)
      %dma_wait3A = arith.constant 2 : i32
      %dma_wait3A_181 = arith.constant 2 : i32
      %dma_wait3A_182 = arith.constant 58 : i32
      %dma_wait3A_183 = arith.constant 0 : i32
      %dma_wait3A_184 = arith.constant 0 : i32
      %dma_wait3A_185 = tpu.memref_slice %arg4[%dma_wait3A_181, %dma_wait3A_182, %dma_wait3A_183, %dma_wait3A_184] : memref<3x64x320x320xf32, #tpu.memory_space<hbm>> -> memref<1x6x320x320xf32, #tpu.memory_space<hbm>>
      %dma_wait3A_186 = tpu.memref_squeeze %dma_wait3A_185 : memref<1x6x320x320xf32, #tpu.memory_space<hbm>> -> memref<6x320x320xf32, #tpu.memory_space<hbm>>
      %dma_wait3A_187 = arith.constant 58 : i32
      %dma_wait3A_188 = arith.constant 0 : i32
      %dma_wait3A_189 = arith.constant 0 : i32
      %dma_wait3A_190 = tpu.memref_slice %arg2[%dma_wait3A, %dma_wait3A_187, %dma_wait3A_188, %dma_wait3A_189] : memref<3x64x320x320xf32, #tpu.memory_space<hbm>> -> memref<1x6x320x320xf32, #tpu.memory_space<hbm>>
      %dma_wait3A_191 = tpu.memref_squeeze %dma_wait3A_190 : memref<1x6x320x320xf32, #tpu.memory_space<hbm>> -> memref<6x320x320xf32, #tpu.memory_space<hbm>>
      tpu.wait_dma2 semaphore(%arg5 : memref<!tpu.dma_semaphore, #tpu.memory_space<semaphore_mem>>) src(%dma_wait3A_191 : memref<6x320x320xf32, #tpu.memory_space<hbm>>) dst(%dma_wait3A_186 : memref<6x320x320xf32, #tpu.memory_space<hbm>>)
      %dma_wait3A_192 = arith.constant 1 : i32
      %dma_wait3A_193 = arith.constant 1 : i32
      %dma_wait3A_194 = arith.constant 15 : i32
      %dma_wait3A_195 = arith.constant 0 : i32
      %dma_wait3A_196 = arith.constant 0 : i32
      %dma_wait3A_197 = tpu.memref_slice %arg3[%dma_wait3A_193, %dma_wait3A_194, %dma_wait3A_195, %dma_wait3A_196] : memref<3x16x320x320xf32, #tpu.memory_space<hbm>> -> memref<1x1x320x320xf32, #tpu.memory_space<hbm>>
      %dma_wait3A_198 = tpu.memref_squeeze %dma_wait3A_197 : memref<1x1x320x320xf32, #tpu.memory_space<hbm>> -> memref<1x320x320xf32, #tpu.memory_space<hbm>>
      %dma_wait3A_199 = arith.constant 63 : i32
      %dma_wait3A_200 = arith.constant 0 : i32
      %dma_wait3A_201 = arith.constant 0 : i32
      %dma_wait3A_202 = tpu.memref_slice %arg2[%dma_wait3A_192, %dma_wait3A_199, %dma_wait3A_200, %dma_wait3A_201] : memref<3x64x320x320xf32, #tpu.memory_space<hbm>> -> memref<1x1x320x320xf32, #tpu.memory_space<hbm>>
      %dma_wait3A_203 = tpu.memref_squeeze %dma_wait3A_202 : memref<1x1x320x320xf32, #tpu.memory_space<hbm>> -> memref<1x320x320xf32, #tpu.memory_space<hbm>>
      tpu.wait_dma2 semaphore(%arg5 : memref<!tpu.dma_semaphore, #tpu.memory_space<semaphore_mem>>) src(%dma_wait3A_203 : memref<1x320x320xf32, #tpu.memory_space<hbm>>) dst(%dma_wait3A_198 : memref<1x320x320xf32, #tpu.memory_space<hbm>>)
    } else {
    }
    return
  }
}

</mosaic_0001>

<sc_bundles>
// kernel: kernel.3.cloned.1.call-start
scs
__scs_entry_jumppad:
0x0: {  	(pc) =	sbr.rel $0x88, $3  }
0x1: {  	(tag) =	ssettag $0x0;
	lr =	simm.s32 $0x1  }
0x2: {  	[smem:$0x3FA0] =	sst lr;
	_ =	strace $0xD0000000  }
0x3: {  	_ = 	snop  }
0x4: {  	_ = 	snop  }
0x5: {  	_ = 	snop  }
0x6: {  	_ = 	snop  }
0x7: {  	_ = 	snop  }
__scs_overlays_trampoline_lowered:
0x8: {  	[smem:$0x3FAF] =	sst s0  }
0x9: {  	[smem:$0x3FB0] =	sst s1  }
0xa: {  	[smem:$0x3FB1] =	sst s2  }
0xb: {  	[smem:$0x3FB2] =	sst s3  }
0xc: {  	[smem:$0x3FB3] =	sst s4  }
0xd: {  	[smem:$0x3FB4] =	sst s5  }
0xe: {  	[smem:$0x3FB5] =	sst s6  }
0xf: {  	[smem:$0x3FB6] =	sst s7  }
0x10: {  	[smem:$0x3FB7] =	sst s8  }
0x11: {  	[smem:$0x3FB8] =	sst s9;
	s0 =	simm.s32 @!p0 $0x0  }
0x12: {  	s1 =	sld [smem:$0x3F9E];
	s0 =	simm.s32 @p0 $0x1  }
0x13: {  	[smem:$0x3FB9] =	sst s0;
	s0 =	simm.s32 @!p1 $0x0  }
0x14: {  	s2 =	sld [smem:$0x3F9D];
	s0 =	simm.s32 @p1 $0x1  }
0x15: {  	[smem:$0x3FBA] =	sst s0;
	s0 =	simm.s32 @!p2 $0x0  }
0x16: {  	s3 =	sld [smem:$0x3FDB];
	s0 =	simm.s32 @p2 $0x1  }
0x17: {  	s4 =	simm.s32 $0x1BF5;
	[smem:$0x3FBC] =	sst s0  }
0x18: {  	s0 =	sld [smem:$0x3F9F];
	_ =	swait.ge [sflag:s4], $0x0  }
0x19: {  	s7 =	sld [smem:$0x3FA0]  }
0x1a: {  	s8 =	sadd.s32 $0xFFFFE003, lr  }
0x1b: {  	s9 =	sadd.s32 $0xFFFFFEF7, lr;
	s5 =	simm.s32 $0xFFFFFFFF;
	p2 =	slt.u32 s8, $0xFFFFF086  }
0x1c: {  	p1 =	slt.u32 s9, $0xF7A;
	s5 =	simm.s32 @!p2 $0x0  }
0x1d: {  	s5 =	simm.s32 @p1 $0x1;
	p0 =	seq.s32 s7, s2  }
0x1e: {  	s7 =	smul.u32 @!p0 $0xF7A, s2;
	p2 =	seq.s32 @!p0 s5, $0x0  }
0x1f: {  	s9 =	smul.u32 $0xF7A, s1;
	s8 =	simm.s32 @!p0 $0x1BF5;
	p2 =	por !p2, p0  }
0x20: {  	[sflag:s8] =	ssyncset.s32 @!p0 $0xFFFFF086;
	s6 =	sadd.s32 @!p0 s3, s7;
	s7 =	simm.s32 @!p0 $0x108  }
0x21: {  	s3 =	sadd.s32 s3, s9;
	s6 =	sadd.s32 @!p0 $0x88, s6;
	s7 =	simm.s32 @p2 $0x1082  }
0x22: {  	[simem:s7], [sflag:s8] =	dma.local @!p0 [hbm:s6], $0xF7A  }
0x23: {  	s9 =	sor.u32 $0xD0000000, s2;
	s6 =	simm.s32 $0x108;
	_ =	swait.ge @!p0 [sflag:s8], $0x0  }
0x24: {  	s3 =	sadd.s32 $0x88, s3;
	s6 =	simm.s32 @!p1 $0x1082;
	[sflag:s4] =	ssyncset.s32 $0xFFFFF086  }
0x25: {  	[simem:s6], [sflag:s4] =	dma.local [hbm:s3], $0xF7A  }
0x26: {  	[smem:$0x3FA0] =	sst s1;
	(tag) =	ssettag s2;
	_ =	strace s9  }
0x27: {  	s1 =	sld [smem:$0x3FB0]  }
0x28: {  	s2 =	sld [smem:$0x3FB1]  }
0x29: {  	s4 =	sld [smem:$0x3FB3]  }
0x2a: {  	p0 =	seq.s32 s5, $0x0;
	s5 =	sld [smem:$0x3FB4]  }
0x2b: {  	s6 =	sld [smem:$0x3FB5]  }
0x2c: {  	s7 =	sld [smem:$0x3FB6]  }
0x2d: {  	s3 =	simm.s32 $0x108;
	s8 =	sld [smem:$0x3FB7]  }
0x2e: {  	s3 =	simm.s32 @!p0 $0x1082;
	s9 =	sld [smem:$0x3FB8]  }
0x2f: {  	lr =	sadd.s32 s0, s3;
	s0 =	sld [smem:$0x3FAF]  }
0x30: {  	s3 =	sld [smem:$0x3FB2]  }
0x31: {  	[smem:$0x3FBB] =	sst s10  }
0x32: {  	s10 =	sld [smem:$0x3FB9];
	_ =	sdelay $0x3  }
0x33: {  	p0 =	seq.s32 s10, $0x1;
	s10 =	sld [smem:$0x3FBB];
	_ =	sdelay $0x3  }
0x34: {  	[smem:$0x3FBB] =	sst s10  }
0x35: {  	s10 =	sld [smem:$0x3FBA];
	_ =	sdelay $0x3  }
0x36: {  	p1 =	seq.s32 s10, $0x1;
	s10 =	sld [smem:$0x3FBB];
	_ =	sdelay $0x3  }
0x37: {  	[smem:$0x3FBB] =	sst s10  }
0x38: {  	s10 =	sld [smem:$0x3FBC]  }
0x39: {  	_ = 	snop;
	(pc) =	sbr.ind lr, $3  }
0x3a: {  	_ = 	snop  }
0x3b: {  	_ = 	snop  }
0x3c: {  	p2 =	seq.s32 s10, $0x1;
	s10 =	sld [smem:$0x3FBB]  }
0x3d: {  	_ =	shalt  }
0x3e: {  	_ =	shalt  }
0x3f: {  	_ =	shalt  }
0x40: {  	_ =	shalt  }
0x41: {  	_ =	shalt  }
0x42: {  	_ =	shalt  }
0x43: {  	_ =	shalt  }
0x44: {  	_ =	shalt  }
0x45: {  	_ =	shalt  }
0x46: {  	_ =	shalt  }
0x47: {  	_ =	shalt  }
0x48: {  	_ =	shalt  }
0x49: {  	_ =	shalt  }
0x4a: {  	_ =	shalt  }
0x4b: {  	_ =	shalt  }
0x4c: {  	_ =	shalt  }
0x4d: {  	_ =	shalt  }
0x4e: {  	_ =	shalt  }
0x4f: {  	_ =	shalt  }
0x50: {  	_ =	shalt  }
0x51: {  	_ =	shalt  }
0x52: {  	_ =	shalt  }
0x53: {  	_ =	shalt  }
0x54: {  	_ =	shalt  }
0x55: {  	_ =	shalt  }
0x56: {  	_ =	shalt  }
0x57: {  	_ =	shalt  }
0x58: {  	_ =	shalt  }
0x59: {  	_ =	shalt  }
0x5a: {  	_ =	shalt  }
0x5b: {  	_ =	shalt  }
0x5c: {  	_ =	shalt  }
0x5d: {  	_ =	shalt  }
0x5e: {  	_ =	shalt  }
0x5f: {  	_ =	shalt  }
0x60: {  	_ =	shalt  }
0x61: {  	_ =	shalt  }
0x62: {  	_ =	shalt  }
0x63: {  	_ =	shalt  }
0x64: {  	_ =	shalt  }
0x65: {  	_ =	shalt  }
0x66: {  	_ =	shalt  }
0x67: {  	_ =	shalt  }
0x68: {  	_ =	shalt  }
0x69: {  	_ =	shalt  }
0x6a: {  	_ =	shalt  }
0x6b: {  	_ =	shalt  }
0x6c: {  	_ =	shalt  }
0x6d: {  	_ =	shalt  }
0x6e: {  	_ =	shalt  }
0x6f: {  	_ =	shalt  }
0x70: {  	_ =	shalt  }
0x71: {  	_ =	shalt  }
0x72: {  	_ =	shalt  }
0x73: {  	_ =	shalt  }
0x74: {  	_ =	shalt  }
0x75: {  	_ =	shalt  }
0x76: {  	_ =	shalt  }
0x77: {  	_ =	shalt  }
0x78: {  	_ =	shalt  }
0x79: {  	_ =	shalt  }
0x7a: {  	_ =	shalt  }
0x7b: {  	_ =	shalt  }
0x7c: {  	_ =	shalt  }
0x7d: {  	_ =	shalt  }
0x7e: {  	_ =	shalt  }
0x7f: {  	_ =	shalt  }
0x80: {  	_ =	shalt  }
0x81: {  	_ =	shalt  }
0x82: {  	_ =	shalt  }
0x83: {  	_ =	shalt  }
0x84: {  	_ =	shalt  }
0x85: {  	_ =	shalt  }
0x86: {  	_ =	shalt  }
0x87: {  	_ =	shalt  }
.Lfunc_end0:
.L_simem_size_0:
called_computation_lowered:
.L_overlay_start_0:
0x88: {  	s2 =	sld [smem:$0x3FD9]  }
0x89: {  	s3 =	sld [smem:$0x3FFE];
	_ =	sdelay $0x1  }
0x8a: {  	s1 =	srdreg.scid  }
0x8b: {  	s0 =	sand.u32 $0x1, s1  }
0x8c: {  	s15 =	sshll.u32 s0, $0xA;
	s2 =	sadd.s32 s3, s2  }
0x8d: {  	s2 =	sadd.s32 s2, s15  }
0x8e: {  	[smem:$0x3FC7] =	sst s2  }
0x8f: {  	_ = 	snop  }
0x90: {  	s2 =	sld [smem:$0x3FD0];
	_ =	sdelay $0x2  }
0x91: {  	s4 =	simm.s32 $0xA;
	s5 =	simm.s32 $0x10;
	s16 =	sld [smem:$0x3FC9]  }
0x92: {  	[smem:s5], [sflag:s4] =	dma.local [hbm:s2], $0x1  }
0x93: {  	_ =	swait.eq [sflag:s4], $0x1  }
0x94: {  	[sflag:s4] =	ssyncset.done $0x0  }
0x95: {  	s17 =	sld [smem:$0x10];
	[sflag:s4] =	ssyncadd.s32 $0xFFFFFFFF  }
0x96: {  	s18 =	sld [smem:$0x11];
	(tm) =	ssettm $0x1  }
0x97: {  	s19 =	sld [smem:$0x3FFB];
	_ =	sdelay $0x3  }
0x98: {  	_ =	strace s19  }
0x99: {  	s5 =	sld [smem:$0x3FFC];
	_ =	sdelay $0x3  }
0x9a: {  	_ =	strace s5  }
0x9b: {  	s5 =	sld [smem:$0x3FFD];
	_ =	sdelay $0x3  }
0x9c: {  	_ =	strace s5  }
0x9d: {  	_ =	strace $0x8FFFFFFF  }
0x9e: {  	s20 =	sld [smem:$0x3FDB];
	_ =	sdelay $0x1  }
0x9f: {  	s6 =	simm.s32 $_scs_section_size  }
0xa0: {  	s7 =	simm.s32 $_size__tile_overlayer_lowered;
	s8 =	simm.s32 $_tile_overlayer_lowered  }
0xa1: {  	s23 =	simm.s32 $0x1BFF;
	s22 =	sshll.u32 s8, $0x1;
	s5 =	sadd.s32 s6, s20  }
0xa2: {  	s9 =	simm.s32 $0x0;
	s21 =	sshll.u32 s7, $0x1;
	s7 =	sadd.s32 s22, s5  }
0xa3: {  	[timem:s9], [sflag:s23] =	dma.local [hbm:s7], s21  }
0xa4: {  	_ =	swait.ge [sflag:s23], s21  }
0xa5: {  	s6 =	ssub.s32 $0x0, s21;
	[sflag:s23] =	ssyncset.done $0x0  }
0xa6: {  	[sflag:s23] =	ssyncadd.s32 s6;
	_ =	sdelay $0x1  }
0xa7: {  	s24 =	simm.s32 $0x1B8B  }
0xa8: {  	_ =	swait.ge [sflag:s24], $0x1  }
0xa9: {  	[sflag:s24] =	ssyncset.done $0x0  }
0xaa: {  	s25 =	simm.s32 $0x1B8E;
	[sflag:s24] =	ssyncadd.s32 $0xFFFFFFFF  }
0xab: {  	s26 =	simm.s32 $execute0_lowered;
	[smem:$0x3FD2] =	sst s25  }
0xac: {  	s6 =	sshll.u32 s26, $0x1;
	_ =	strace $0x80000046;
	[dreg:$0x1] =	wrdreg $0xFFFFFFFF  }
0xad: {  	s28 =	simm.s32 $_size_execute0_lowered;
	s5 =	sadd.s32 s5, s6;
	[dreg:$0x0] =	wrdreg $0x0  }
0xae: {  	s6 =	sshll.u32 s28, $0x1;
	[dreg:$0x2] =	wrdreg s5  }
0xaf: {  	[dreg:$0x3] =	wrdreg s6  }
0xb0: {  	[dreg:$0x4] =	wrdreg $0xC0  }
0xb1: {  	_ =	task [dreg:s9], $0x5FFFF  }
0xb2: {  	[dreg:$0x1] =	wrdreg $0xFFFFFFFF  }
0xb3: {  	[dreg:$0x0] =	wrdreg $0x60  }
0xb4: {  	[dreg:$0x2] =	wrdreg s16  }
0xb5: {  	[dreg:$0x3] =	wrdreg s17  }
0xb6: {  	[dreg:$0x4] =	wrdreg s18  }
0xb7: {  	[dreg:$0x5] =	wrdreg $0x9  }
0xb8: {  	_ =	task.clear_ibuf [dreg:s9], $0x6FFFF;
	_ =	strace $0x90000046  }
0xb9: {  	s29 =	simm.s32 $0x9;
	_ =	strace $0x80000048  }
0xba: {  	_ =	swait.ge [sflag:s29], $0x1  }
0xbb: {  	[sflag:s29] =	ssyncadd.s32 $0xFFFFFFFF  }
0xbc: {  	_ =	strace $0x90000048  }
0xbd: {  	_ =	sfence  }
0xbe: {  	s30 =	sld [smem:$0x0];
	_ =	sdelay $0x2  }
0xbf: {  	s31 =	sshll.u32 s1, $0xD;
	s1 =	sshrl.u32 s1, $0x2  }
0xc0: {  	s3 =	sand.u32 $0x4000, s31;
	s1 =	sadd.s32 s1, s30  }
0xc1: {  	s0 =	sor.u32 s3, s0;
	s1 =	sshll.u32 s1, $0x11  }
0xc2: {  	s0 =	sor.u32 s1, s0  }
0xc3: {  	s0 =	sadd.s32 $0x8F2B, s0  }
0xc4: {  	[sflag:s0] =	ssyncadd.remote.s32 $0x1  }
0xc5: {  	_ =	sfence.sel $0xFFFF  }
0xc6: {  	[dreg:$0x0] =	wrdreg $0xFFFFFFFF;
	(pc) =	sbr.abs _section_cstart, $3  }
0xc7: {  	[dreg:$0x1] =	wrdreg $0xFFFFFFFF  }
0xc8: {  	_ =	task.clear_ibuf [dreg:s9], $0x2FFFF;
	_ =	strace $0x9FFFFFFF  }
0xc9: {  	(tm) =	ssettm $0x7FFFFFFF  }
tec
execute0_lowered:
.L_overlay_start_1:
0x0: {  	(tag) =	ssettag $0x1  }
0x1: {  	s1 =	srdreg.scid;
	s0 =	stileid.u32  }
0x2: {  	s5 =	sand.u32 $0x1, s1;
	s8 =	sshll.u32 s0, $0x1  }
0x3: {  	s1 =	sor.u32 s5, s8  }
0x4: {  	p0 =	sgt.s32 s1, $0x1  }
0x5: {  	p1 =	seq.s32 @p0 s1, $0x2  }
0x6: {  	p2 =	por !p1, !p0  }
0x7: {  	s6 =	simm.s32 @!p2 $0x0  }
0x8: {  	p1 =	por p1, !p0;
	s6 =	simm.s32 @p2 $0x1  }
0x9: {  	p2 =	seq.s32 @!p0 s1, $0x0;
	[smem:$0x789] =	sst s6;
	s6 =	simm.s32 @!p1 $0x0  }
0xa: {  	s6 =	simm.s32 @p1 $0x1;
	p1 =	por !p2, p0  }
0xb: {  	[smem:$0x78A] =	sst s6;
	s6 =	simm.s32 @!p1 $0x0  }
0xc: {  	p0 =	por p2, p0;
	s6 =	simm.s32 @p1 $0x1  }
0xd: {  	p1 =	sgt.s32 s1, $0x5;
	[smem:$0x78B] =	sst s6;
	s6 =	simm.s32 @!p0 $0x0  }
0xe: {  	s6 =	simm.s32 @p0 $0x1;
	p0 =	seq.s32 @p1 s1, $0x6  }
0xf: {  	p3 =	por !p0, !p1  }
0x10: {  	[smem:$0x78C] =	sst s6;
	s6 =	simm.s32 @!p3 $0x0  }
0x11: {  	p0 =	por p0, !p1;
	s6 =	simm.s32 @p3 $0x1  }
0x12: {  	p2 =	seq.s32 @!p1 s1, $0x4;
	[smem:$0x78D] =	sst s6;
	s6 =	simm.s32 @!p0 $0x0  }
0x13: {  	s6 =	simm.s32 @p0 $0x1;
	p0 =	por !p2, p1  }
0x14: {  	[smem:$0x78E] =	sst s6;
	s6 =	simm.s32 @!p0 $0x0  }
0x15: {  	s6 =	simm.s32 @p0 $0x1;
	p0 =	por p2, p1  }
0x16: {  	[smem:$0x78F] =	sst s6;
	s6 =	simm.s32 @!p0 $0x0  }
0x17: {  	s6 =	simm.s32 @p0 $0x1;
	p0 =	sgt.s32 s1, $0x9  }
0x18: {  	p2 =	seq.s32 @p0 s1, $0xA  }
0x19: {  	p1 =	por !p2, !p0;
	p2 =	por p2, !p0  }
0x1a: {  	p3 =	seq.s32 @!p0 s1, $0x8;
	s7 =	simm.s32 @!p2 $0x0  }
0x1b: {  	s7 =	simm.s32 @p2 $0x1;
	p2 =	por !p3, p0  }
0x1c: {  	[smem:$0x791] =	sst s7;
	s7 =	simm.s32 @!p2 $0x0  }
0x1d: {  	s2 =	rddreg [dreg:$0x0];
	p0 =	por p3, p0;
	s7 =	simm.s32 @p2 $0x1  }
0x1e: {  	p2 =	sgt.s32 s1, $0xD;
	[smem:$0x792] =	sst s7;
	s7 =	simm.s32 @!p0 $0x0  }
0x1f: {  	s3 =	rddreg [dreg:$0x1];
	s7 =	simm.s32 @p0 $0x1;
	p0 =	seq.s32 @p2 s1, $0xE  }
0x20: {  	s4 =	rddreg [dreg:$0x2];
	p4 =	por !p0, !p2  }
0x21: {  	s9 =	simm.s32 $0x0;
	[smem:$0x790] =	sst s6;
	s6 =	simm.s32 @!p4 $0x0  }
0x22: {  	[smem:$0x7FF] =	sst s9;
	p0 =	por p0, !p2;
	s6 =	simm.s32 @p4 $0x1  }
0x23: {  	[smem:$0x794] =	sst s6;
	s6 =	simm.s32 @!p0 $0x0  }
0x24: {  	[smem:$0x793] =	sst s7;
	s6 =	simm.s32 @p0 $0x1  }
0x25: {  	s11 =	sadd.s32 $0x2B9800, s4;
	[smem:$0x795] =	sst s6  }
0x26: {  	s8 =	sadd.s32 $0x74400, s3;
	_ =	strace $0x80000047;
	[dreg:$0x4] =	wrdreg s11  }
0x27: {  	s12 =	sadd.s32 $0x1DC400, s2;
	[dreg:$0x5] =	wrdreg s8  }
0x28: {  	s13 =	sadd.s32 $0x2A3000, s4;
	[dreg:$0x6] =	wrdreg s12  }
0x29: {  	s14 =	sadd.s32 $0x2A3000, s2;
	[dreg:$0x7] =	wrdreg s13  }
0x2a: {  	s15 =	sadd.s32 $0x1C9800, s2;
	[dreg:$0x8] =	wrdreg s14  }
0x2b: {  	s16 =	sadd.s32 $0x28C800, s4;
	[dreg:$0x9] =	wrdreg s15  }
0x2c: {  	s17 =	sadd.s32 $0x70800, s3;
	[dreg:$0xa] =	wrdreg s16  }
0x2d: {  	s18 =	sadd.s32 $0x6CC00, s3;
	[dreg:$0xb] =	wrdreg s17  }
0x2e: {  	s19 =	sadd.s32 $0x1BA800, s2;
	[dreg:$0xc] =	wrdreg s18  }
0x2f: {  	s20 =	sadd.s32 $0x276000, s4;
	[dreg:$0xd] =	wrdreg s19  }
0x30: {  	s21 =	sadd.s32 $0x276000, s2;
	[dreg:$0xe] =	wrdreg s20  }
0x31: {  	s22 =	sadd.s32 $0x69000, s3;
	[dreg:$0xf] =	wrdreg s21  }
0x32: {  	s23 =	sadd.s32 $0x25F800, s4;
	[dreg:$0x10] =	wrdreg s22  }
0x33: {  	s24 =	sadd.s32 $0x25F800, s2;
	[dreg:$0x11] =	wrdreg s23  }
0x34: {  	s25 =	sadd.s32 $0x65400, s3;
	[dreg:$0x12] =	wrdreg s24  }
0x35: {  	s26 =	sadd.s32 $0x19C800, s2;
	[dreg:$0x13] =	wrdreg s25  }
0x36: {  	s5 =	ssub.s32 $0x2, s5;
	s6 =	sadd.s32 $0x249000, s4;
	[dreg:$0x14] =	wrdreg s26  }
0x37: {  	s9 =	sadd.s32 $0x61800, s3;
	s10 =	sshrl.u32 s5, $0x1;
	[dreg:$0x15] =	wrdreg s6  }
0x38: {  	s5 =	ssub.s32 s5, s10;
	s10 =	sadd.s32 $0x18D800, s2;
	[dreg:$0x17] =	wrdreg s9  }
0x39: {  	s8 =	sadd.s32 $0x249000, s2;
	[dreg:$0x18] =	wrdreg s10  }
0x3a: {  	s11 =	sadd.s32 $0x232800, s4;
	[dreg:$0x16] =	wrdreg s8  }
0x3b: {  	s12 =	sadd.s32 $0x232800, s2;
	[dreg:$0x19] =	wrdreg s11  }
0x3c: {  	s13 =	sadd.s32 $0x5DC00, s3;
	[dreg:$0x1a] =	wrdreg s12  }
0x3d: {  	s15 =	sadd.s32 $0x17AC00, s2;
	[dreg:$0x1b] =	wrdreg s13  }
0x3e: {  	s16 =	sadd.s32 $0x21C000, s4;
	[dreg:$0x1c] =	wrdreg s15  }
0x3f: {  	s17 =	sadd.s32 $0x16BC00, s2;
	[dreg:$0x1d] =	wrdreg s16  }
0x40: {  	s18 =	sadd.s32 $0x205800, s4;
	[dreg:$0x1e] =	wrdreg s17  }
0x41: {  	s19 =	sadd.s32 $0x205800, s2;
	[dreg:$0x1f] =	wrdreg s18  }
0x42: {  	s20 =	sadd.s32 $0x5A000, s3;
	[smem:$0x799] =	sst s19  }
0x43: {  	s22 =	sadd.s32 $0x56400, s3;
	[smem:$0x79A] =	sst s20  }
0x44: {  	p3 =	seq.s32 @!p2 s1, $0xC;
	s23 =	sadd.s32 $0x15CC00, s2;
	[smem:$0x79B] =	sst s22  }
0x45: {  	p0 =	por !p3, p2;
	s24 =	sadd.s32 $0x1EF000, s4;
	[smem:$0x79C] =	sst s23  }
0x46: {  	p2 =	por p3, p2;
	s26 =	sadd.s32 $0x52800, s3;
	[smem:$0x79D] =	sst s24  }
0x47: {  	p3 =	sgt.s32 s1, $0x7;
	s6 =	sadd.s32 $0x14DC00, s2;
	[smem:$0x79E] =	sst s26  }
0x48: {  	s25 =	smax.u32 s5, $0x1;
	s9 =	sadd.s32 $0x1D8800, s2;
	[smem:$0x79F] =	sst s6  }
0x49: {  	s5 =	simm.s32 @!p3 $0x0;
	s10 =	sadd.s32 $0x1E0000, s4;
	[smem:$0x7A1] =	sst s9  }
0x4a: {  	s5 =	simm.s32 @p3 $0x1;
	[smem:$0x7A2] =	sst s10  }
0x4b: {  	s8 =	sadd.s32 $0x1D8800, s4;
	[smem:$0x796] =	sst s5  }
0x4c: {  	s12 =	sadd.s32 $0x4EC00, s3;
	[smem:$0x7A0] =	sst s8  }
0x4d: {  	s13 =	sadd.s32 $0x13EC00, s2;
	[smem:$0x7A3] =	sst s12  }
0x4e: {  	s15 =	sadd.s32 $0x1C2000, s4;
	[smem:$0x7A4] =	sst s13  }
0x4f: {  	s16 =	sadd.s32 $0x1C2000, s2;
	[smem:$0x7A5] =	sst s15  }
0x50: {  	s17 =	sadd.s32 $0x4B000, s3;
	[smem:$0x7A6] =	sst s16  }
0x51: {  	s18 =	sadd.s32 $0x12C000, s2;
	[smem:$0x7A7] =	sst s17  }
0x52: {  	s19 =	sadd.s32 $0x1AB800, s4;
	[smem:$0x7A8] =	sst s18  }
0x53: {  	s22 =	sadd.s32 $0x47400, s3;
	[smem:$0x7A9] =	sst s19  }
0x54: {  	s23 =	sadd.s32 $0x11D000, s2;
	[smem:$0x7AA] =	sst s22  }
0x55: {  	s24 =	sadd.s32 $0x195000, s4;
	[smem:$0x7AB] =	sst s23  }
0x56: {  	s26 =	sadd.s32 $0x195000, s2;
	[smem:$0x7AC] =	sst s24  }
0x57: {  	s6 =	sadd.s32 $0x43800, s3;
	[smem:$0x7AD] =	sst s26  }
0x58: {  	s9 =	sadd.s32 $0x17E800, s2;
	[smem:$0x7AE] =	sst s6  }
0x59: {  	s10 =	sadd.s32 $0x3FC00, s3;
	[smem:$0x7B0] =	sst s9  }
0x5a: {  	s8 =	sadd.s32 $0x17E800, s4;
	[smem:$0x7B1] =	sst s10  }
0x5b: {  	s12 =	sadd.s32 $0xFF000, s2;
	[smem:$0x7AF] =	sst s8  }
0x5c: {  	s13 =	sadd.s32 $0x168000, s4;
	[smem:$0x7B2] =	sst s12  }
0x5d: {  	s15 =	sadd.s32 $0x168000, s2;
	[smem:$0x7B3] =	sst s13  }
0x5e: {  	s16 =	sadd.s32 $0x3C000, s3;
	[smem:$0x7B4] =	sst s15  }
0x5f: {  	s17 =	sadd.s32 $0x151800, s4;
	[smem:$0x7B5] =	sst s16  }
0x60: {  	s19 =	sadd.s32 $0x151800, s2;
	[smem:$0x7B6] =	sst s17  }
0x61: {  	s22 =	sadd.s32 $0x38400, s3;
	[smem:$0x7B7] =	sst s19  }
0x62: {  	s23 =	sadd.s32 $0xEC400, s2;
	[smem:$0x7B8] =	sst s22  }
0x63: {  	s24 =	sadd.s32 $0xB0400, s3;
	[smem:$0x7B9] =	sst s23  }
0x64: {  	s26 =	sadd.s32 $0x2CC400, s2;
	[smem:$0x7BA] =	sst s24  }
0x65: {  	s6 =	sadd.s32 $0x13B000, s4;
	[smem:$0x7BB] =	sst s26  }
0x66: {  	p3 =	sgt.s32 s1, $0x3;
	s9 =	sadd.s32 $0x34800, s3;
	[smem:$0x7BC] =	sst s6  }
0x67: {  	s5 =	simm.s32 @!p3 $0x0;
	s10 =	sadd.s32 $0xD9800, s2;
	[smem:$0x7BE] =	sst s9  }
0x68: {  	s5 =	simm.s32 @p3 $0x1;
	[smem:$0x7BF] =	sst s10  }
0x69: {  	s8 =	sadd.s32 $0x13B000, s2;
	[smem:$0x797] =	sst s5  }
0x6a: {  	s12 =	sadd.s32 $0xAC800, s3;
	[smem:$0x7BD] =	sst s8  }
0x6b: {  	s13 =	sadd.s32 $0x124800, s4;
	[smem:$0x7C0] =	sst s12  }
0x6c: {  	s15 =	sadd.s32 $0x124800, s2;
	[smem:$0x7C1] =	sst s13  }
0x6d: {  	s16 =	sadd.s32 $0x30C00, s3;
	[smem:$0x7C2] =	sst s15  }
0x6e: {  	s17 =	sadd.s32 $0xA8C00, s3;
	[smem:$0x7C3] =	sst s16  }
0x6f: {  	s19 =	sadd.s32 $0x2AA800, s2;
	[smem:$0x7C4] =	sst s17  }
0x70: {  	s22 =	sadd.s32 $0x10E000, s4;
	[smem:$0x7C5] =	sst s19  }
0x71: {  	s23 =	sadd.s32 $0x2D000, s3;
	[smem:$0x7C6] =	sst s22  }
0x72: {  	s24 =	sadd.s32 $0xBB800, s2;
	[smem:$0x7C7] =	sst s23  }
0x73: {  	s6 =	sadd.s32 $0xA5000, s3;
	[smem:$0x7C8] =	sst s24  }
0x74: {  	s9 =	sadd.s32 $0xF7800, s4;
	[smem:$0x7C9] =	sst s6  }
0x75: {  	s10 =	sadd.s32 $0xF7800, s2;
	[smem:$0x7CB] =	sst s9  }
0x76: {  	s8 =	sadd.s32 $0x29B800, s2;
	[smem:$0x7CC] =	sst s10  }
0x77: {  	s12 =	sadd.s32 $0x29400, s3;
	[smem:$0x7CA] =	sst s8  }
0x78: {  	s13 =	sadd.s32 $0xAC800, s2;
	[smem:$0x7CD] =	sst s12  }
0x79: {  	s15 =	sadd.s32 $0xA1400, s3;
	[smem:$0x7CE] =	sst s13  }
0x7a: {  	s16 =	sadd.s32 $0xE1000, s4;
	[smem:$0x7CF] =	sst s15  }
0x7b: {  	s17 =	sadd.s32 $0xE1000, s2;
	[smem:$0x7D0] =	sst s16  }
0x7c: {  	s19 =	sadd.s32 $0xF0000, s4;
	[smem:$0x7D1] =	sst s17  }
0x7d: {  	s22 =	sadd.s32 $0x25800, s3;
	[smem:$0x7D2] =	sst s19  }
0x7e: {  	s23 =	sadd.s32 $0x9D800, s3;
	[smem:$0x7D3] =	sst s22  }
0x7f: {  	s24 =	sadd.s32 $0x27D800, s2;
	[smem:$0x7D4] =	sst s23  }
0x80: {  	s6 =	sadd.s32 $0xCA800, s4;
	[smem:$0x7D5] =	sst s24  }
0x81: {  	p3 =	sgt.s32 s1, $0xB;
	s9 =	sadd.s32 $0x8AC00, s2;
	[smem:$0x7D6] =	sst s6  }
0x82: {  	s5 =	simm.s32 @!p3 $0x0;
	s10 =	sadd.s32 $0x99C00, s3;
	[smem:$0x7D8] =	sst s9  }
0x83: {  	s5 =	simm.s32 @p3 $0x1;
	[smem:$0x7D9] =	sst s10  }
0x84: {  	s8 =	sadd.s32 $0x21C00, s3;
	[smem:$0x798] =	sst s5  }
0x85: {  	s12 =	sadd.s32 $0x26AC00, s2;
	[smem:$0x7D7] =	sst s8  }
0x86: {  	s13 =	sadd.s32 $0xB4000, s4;
	[smem:$0x7DA] =	sst s12  }
0x87: {  	s15 =	sadd.s32 $0xB4000, s2;
	[smem:$0x7DB] =	sst s13  }
0x88: {  	s16 =	sadd.s32 $0x1E000, s3;
	[smem:$0x7DC] =	sst s15  }
0x89: {  	s17 =	sadd.s32 $0x7BC00, s2;
	[smem:$0x7DD] =	sst s16  }
0x8a: {  	s19 =	sadd.s32 $0x96000, s3;
	[smem:$0x7DE] =	sst s17  }
0x8b: {  	s22 =	sadd.s32 $0x25BC00, s2;
	[smem:$0x7DF] =	sst s19  }
0x8c: {  	s23 =	sadd.s32 $0x9D800, s4;
	[smem:$0x7E0] =	sst s22  }
0x8d: {  	s24 =	sadd.s32 $0x1A400, s3;
	[smem:$0x7E1] =	sst s23  }
0x8e: {  	s6 =	sadd.s32 $0x6CC00, s2;
	[smem:$0x7E2] =	sst s24  }
0x8f: {  	s9 =	sadd.s32 $0x24CC00, s2;
	[smem:$0x7E3] =	sst s6  }
0x90: {  	s10 =	sadd.s32 $0x87000, s4;
	[smem:$0x7E5] =	sst s9  }
0x91: {  	s8 =	sadd.s32 $0x92400, s3;
	[smem:$0x7E6] =	sst s10  }
0x92: {  	s12 =	sadd.s32 $0x87000, s2;
	[smem:$0x7E4] =	sst s8  }
0x93: {  	s13 =	sadd.s32 $0x16800, s3;
	[smem:$0x7E7] =	sst s12  }
0x94: {  	s15 =	sadd.s32 $0x5DC00, s2;
	[smem:$0x7E8] =	sst s13  }
0x95: {  	s16 =	sadd.s32 $0x8E800, s3;
	[smem:$0x7E9] =	sst s15  }
0x96: {  	s17 =	sadd.s32 $0x23DC00, s2;
	[smem:$0x7EA] =	sst s16  }
0x97: {  	s19 =	sadd.s32 $0x70800, s4;
	[smem:$0x7EB] =	sst s17  }
0x98: {  	s29 =	sadd.s32 $0x1E0000, s2;
	s22 =	sadd.s32 $0x70800, s2;
	[smem:$0x7EC] =	sst s19  }
0x99: {  	s31 =	sadd.s32 $0xF0000, s2;
	s23 =	sadd.s32 $0x12C00, s3;
	[smem:$0x7ED] =	sst s22  }
0x9a: {  	s28 =	sadd.s32 $0x9D800, s2;
	s24 =	sadd.s32 $0x4EC00, s2;
	[smem:$0x7EE] =	sst s23  }
0x9b: {  	s30 =	sadd.s32 $0x1FE000, s2;
	s6 =	sadd.s32 $0x8AC00, s3;
	[smem:$0x7EF] =	sst s24  }
0x9c: {  	s7 =	sadd.s32 $0x2B9800, s2;
	s9 =	sadd.s32 $0x5A000, s4;
	[smem:$0x7F0] =	sst s6  }
0x9d: {  	s14 =	sadd.s32 $0x28C800, s2;
	s10 =	sadd.s32 $0x5A000, s2;
	[smem:$0x7F2] =	sst s9  }
0x9e: {  	p5 =	sgt.s32 s1, $0xF;
	s8 =	sadd.s32 $0x22EC00, s2;
	[smem:$0x7F3] =	sst s10  }
0x9f: {  	s21 =	sadd.s32 $0x1AB800, s2;
	s12 =	sadd.s32 $0xF000, s3;
	[smem:$0x7F1] =	sst s8  }
0xa0: {  	s11 =	sadd.s32 $0x21C000, s2;
	s13 =	sadd.s32 $0x3C000, s2;
	[smem:$0x7F4] =	sst s12  }
0xa1: {  	s20 =	sadd.s32 $0x1EF000, s2;
	s15 =	sadd.s32 $0x87000, s3;
	[smem:$0x7F5] =	sst s13  }
0xa2: {  	s18 =	sadd.s32 $0x10E000, s2;
	s16 =	sadd.s32 $0x43800, s4;
	[smem:$0x7F6] =	sst s15  }
0xa3: {  	s26 =	sadd.s32 $0xCA800, s2;
	s17 =	sadd.s32 $0x43800, s2;
	[smem:$0x7F7] =	sst s16  }
0xa4: {  	s5 =	sadd.s32 $0x16800, s4;
	s19 =	sadd.s32 $0xB400, s3;
	[smem:$0x7F8] =	sst s17  }
0xa5: {  	s22 =	sadd.s32 $0x83400, s3;
	s23 =	sadd.s32 $0x20D000, s2;
	[smem:$0x7F9] =	sst s19  }
0xa6: {  	s24 =	sadd.s32 $0x2D000, s4;
	s6 =	sadd.s32 $0x16800, s2;
	[smem:$0x7FA] =	sst s22  }
.Ltmp0:
0xa7: {  	s9 =	sadd.s32 $0xF000, s2;
	[smem:$0x7FB] =	sst s23;
	(pc) =	sbr.rel .LBB2_1-.Ltmp0, $4  }
0xa8: {  	s10 =	sadd.s32 $0x7BC00, s3;
	s15 =	sadd.s32 $0x2D000, s2;
	[smem:$0x7FC] =	sst s24  }
0xa9: {  	s22 =	sadd.s32 $0x7800, s3;
	s23 =	sadd.s32 $0x1E000, s2;
	s16 =	simm.s32 @!p5 $0x0  }
0xaa: {  	s24 =	sadd.s32 $0x7F800, s3;
	s8 =	sadd.s32 $0x3C00, s3;
	s16 =	simm.s32 @p5 $0x1  }
0xab: {  	s12 =	sadd.s32 $0x78000, s3;
	s13 =	simm.s32 $0x1;
	[smem:$0x7FD] =	sst s16  }
.LBB2_15:
0xac: {  	p3 =	sgt.s32 s1, $0x1D  }
0xad: {  	p4 =	seq.s32 @p3 s1, $0x1E  }
0xae: {  	p5 =	por !p4, !p3  }
0xaf: {  	s17 =	rddreg [dreg:$0x7];
	s16 =	sshll.u32 @!p5 s0, $0x6  }
0xb0: {  	s19 =	rddreg [dreg:$0x8];
	s16 =	sor.u32 @!p5 $0x1C01, s16  }
0xb1: {  	[hbm:s17], [sflag:s16] =	dma.local @!p5 [hbm:s19], $0x16800  }
0xb2: {  	s17 =	rddreg [dreg:$0x9]  }
0xb3: {  	s19 =	rddreg [dreg:$0xb]  }
0xb4: {  	[hbm:s19], [sflag:s16] =	dma.local @!p5 [hbm:s17], $0x3C00  }
0xb5: {  	s16 =	simm.s32 @!p5 $0x1  }
0xb6: {  	p4 =	por p4, !p3;
	_ =	swait.ge @!p5 [sflag:s16], $0x16800  }
0xb7: {  	s17 =	sshll.u32 @!p4 s0, $0x6;
	[sflag:s16] =	ssyncset.done @!p5 $0x0  }
0xb8: {  	[sflag:s16] =	ssyncadd.s32 @!p5 $0xFFFE9800;
	s16 =	sor.u32 @!p4 $0x1C01, s17;
	s17 =	rddreg [dreg:$0x4]  }
0xb9: {  	[hbm:s17], [sflag:s16] =	dma.local @!p4 [hbm:s7], $0x16800  }
0xba: {  	s17 =	rddreg [dreg:$0x5]  }
0xbb: {  	s19 =	rddreg [dreg:$0x6]  }
0xbc: {  	[hbm:s17], [sflag:s16] =	dma.local @!p4 [hbm:s19], $0x3C00  }
0xbd: {  	p5 =	seq.s32 @!p3 s1, $0x1C;
	s16 =	simm.s32 @!p4 $0x1  }
0xbe: {  	p6 =	por !p5, p3;
	_ =	swait.ge @!p4 [sflag:s16], $0x16800  }
0xbf: {  	s17 =	sshll.u32 @!p6 s0, $0x6;
	[sflag:s16] =	ssyncset.done @!p4 $0x0;
	s19 =	rddreg [dreg:$0xf]  }
0xc0: {  	[sflag:s16] =	ssyncadd.s32 @!p4 $0xFFFE9800;
	s16 =	sor.u32 @!p6 $0x1C01, s17;
	s17 =	rddreg [dreg:$0xe]  }
0xc1: {  	[hbm:s17], [sflag:s16] =	dma.local @!p6 [hbm:s19], $0x16800  }
0xc2: {  	s17 =	rddreg [dreg:$0x10]  }
0xc3: {  	[hbm:s17], [sflag:s16] =	dma.local @!p6 [hbm:s21], $0x3C00  }
0xc4: {  	s16 =	simm.s32 @!p6 $0x1  }
0xc5: {  	p3 =	por p5, p3;
	_ =	swait.ge @!p6 [sflag:s16], $0x16800  }
0xc6: {  	s17 =	sshll.u32 @!p3 s0, $0x6;
	[sflag:s16] =	ssyncset.done @!p6 $0x0  }
0xc7: {  	[sflag:s16] =	ssyncadd.s32 @!p6 $0xFFFE9800;
	s16 =	sor.u32 @!p3 $0x1C01, s17;
	s17 =	rddreg [dreg:$0xa]  }
0xc8: {  	[hbm:s17], [sflag:s16] =	dma.local @!p3 [hbm:s14], $0x16800  }
0xc9: {  	s17 =	rddreg [dreg:$0xc]  }
0xca: {  	s19 =	rddreg [dreg:$0xd]  }
0xcb: {  	[hbm:s17], [sflag:s16] =	dma.local @!p3 [hbm:s19], $0x3C00  }
0xcc: {  	s16 =	simm.s32 @!p3 $0x1  }
0xcd: {  	_ =	swait.ge @!p3 [sflag:s16], $0x16800  }
0xce: {  	s19 =	sld [smem:$0x7FD];
	_ =	sdelay $0x1  }
0xcf: {  	[sflag:s16] =	ssyncset.done @!p3 $0x0  }
0xd0: {  	[sflag:s16] =	ssyncadd.s32 @!p3 $0xFFFE9800;
	p5 =	seq.s32 s19, $0x1  }
.LBB2_16:
0xd1: {  	s25 =	sadd.s32 $0xFFFFFFFF, s25  }
0xd2: {  	p3 =	sne.s32 s25, $0x0  }
.Ltmp1:
0xd3: {  	_ = 	snop;
	(pc) =	sbr.rel @!p3 .LBB2_17-.Ltmp1, $4  }
0xd4: {  	_ = 	snop  }
0xd5: {  	_ =	swait.ge [sflag:s13], $0x3C00  }
0xd6: {  	[sflag:s13] =	ssyncset.done $0x0  }
0xd7: {  	[sflag:s13] =	ssyncadd.s32 $0xFFFFC400  }
.LBB2_1:
.Ltmp2:
0xd8: {  	(pc) =	sbr.rel @p5 .LBB2_9-.Ltmp2, $1  }
0xd9: {  	_ =	sdelay $0x3  }
0xda: {  	s16 =	sld [smem:$0x796];
	_ =	sdelay $0x2  }
0xdb: {  	p3 =	seq.s32 s16, $0x1  }
.Ltmp3:
0xdc: {  	_ = 	snop;
	(pc) =	sbr.rel @p3 .LBB2_6-.Ltmp3, $1  }
0xdd: {  	_ =	sdelay $0x3  }
0xde: {  	s16 =	sld [smem:$0x797];
	_ =	sdelay $0x2  }
0xdf: {  	p3 =	seq.s32 s16, $0x1  }
.Ltmp4:
0xe0: {  	_ = 	snop;
	(pc) =	sbr.rel @p3 .LBB2_5-.Ltmp4, $1  }
0xe1: {  	_ =	sdelay $0x3  }
0xe2: {  	s16 =	sld [smem:$0x789];
	_ =	sdelay $0x2  }
0xe3: {  	s17 =	sld [smem:$0x7FC];
	p3 =	seq.s32 s16, $0x1  }
0xe4: {  	s16 =	sshll.u32 @!p3 s0, $0x6  }
0xe5: {  	s16 =	sor.u32 @!p3 $0x1C01, s16  }
0xe6: {  	[hbm:s17], [sflag:s16] =	dma.local @!p3 [hbm:s15], $0x16800  }
0xe7: {  	[hbm:s22], [sflag:s16] =	dma.local @!p3 [hbm:s23], $0x3C00  }
0xe8: {  	[hbm:s24], [sflag:s16] =	dma.local @!p3 [hbm:s30], $0x3C00  }
0xe9: {  	s16 =	simm.s32 @!p3 $0x1  }
0xea: {  	_ =	swait.ge @!p3 [sflag:s16], $0x16800  }
0xeb: {  	[sflag:s16] =	ssyncset.done @!p3 $0x0  }
0xec: {  	[sflag:s16] =	ssyncadd.s32 @!p3 $0xFFFE9800  }
0xed: {  	_ =	swait.ge @!p3 [sflag:s16], $0x3C00  }
0xee: {  	s19 =	sld [smem:$0x78A];
	_ =	sdelay $0x2  }
0xef: {  	p4 =	seq.s32 s19, $0x1  }
0xf0: {  	[sflag:s16] =	ssyncset.done @!p3 $0x0;
	s19 =	sld [smem:$0x7F8];
	s17 =	sshll.u32 @!p4 s0, $0x6  }
0xf1: {  	[sflag:s16] =	ssyncadd.s32 @!p3 $0xFFFFC400;
	s16 =	sor.u32 @!p4 $0x1C01, s17;
	s17 =	sld [smem:$0x7F7]  }
0xf2: {  	_ =	sdelay $0x1  }
0xf3: {  	[hbm:s17], [sflag:s16] =	dma.local @!p4 [hbm:s19], $0x16800  }
0xf4: {  	s17 =	sld [smem:$0x7F9];
	_ =	sdelay $0x2  }
0xf5: {  	[hbm:s17], [sflag:s16] =	dma.local @!p4 [hbm:s15], $0x3C00  }
0xf6: {  	s17 =	sld [smem:$0x7FA]  }
0xf7: {  	s19 =	sld [smem:$0x7FB];
	_ =	sdelay $0x2  }
0xf8: {  	[hbm:s17], [sflag:s16] =	dma.local @!p4 [hbm:s19], $0x3C00  }
0xf9: {  	s16 =	simm.s32 @!p4 $0x1  }
0xfa: {  	_ =	swait.ge @!p4 [sflag:s16], $0x16800  }
0xfb: {  	[sflag:s16] =	ssyncset.done @!p4 $0x0  }
0xfc: {  	[sflag:s16] =	ssyncadd.s32 @!p4 $0xFFFE9800  }
0xfd: {  	_ =	swait.ge @!p4 [sflag:s16], $0x3C00  }
0xfe: {  	s19 =	sld [smem:$0x78B];
	_ =	sdelay $0x2  }
0xff: {  	p3 =	seq.s32 s19, $0x1  }
0x100: {  	[sflag:s16] =	ssyncset.done @!p4 $0x0;
	s17 =	sshll.u32 @!p3 s0, $0x6  }
0x101: {  	[sflag:s16] =	ssyncadd.s32 @!p4 $0xFFFFC400;
	s16 =	sor.u32 @!p3 $0x1C01, s17  }
0x102: {  	[hbm:s4], [sflag:s16] =	dma.local @!p3 [hbm:s2], $0x16800  }
0x103: {  	[hbm:s3], [sflag:s16] =	dma.local @!p3 [hbm:s2], $0x3C00  }
0x104: {  	[hbm:s12], [sflag:s16] =	dma.local @!p3 [hbm:s29], $0x3C00  }
0x105: {  	s16 =	simm.s32 @!p3 $0x1  }
0x106: {  	_ =	swait.ge @!p3 [sflag:s16], $0x16800  }
0x107: {  	[sflag:s16] =	ssyncset.done @!p3 $0x0  }
0x108: {  	[sflag:s16] =	ssyncadd.s32 @!p3 $0xFFFE9800  }
0x109: {  	_ =	swait.ge @!p3 [sflag:s16], $0x3C00  }
0x10a: {  	s19 =	sld [smem:$0x78C];
	_ =	sdelay $0x2  }
0x10b: {  	p4 =	seq.s32 s19, $0x1  }
0x10c: {  	[sflag:s16] =	ssyncset.done @!p3 $0x0;
	s17 =	sshll.u32 @!p4 s0, $0x6  }
0x10d: {  	[sflag:s16] =	ssyncadd.s32 @!p3 $0xFFFFC400;
	s16 =	sor.u32 @!p4 $0x1C01, s17  }
0x10e: {  	[hbm:s5], [sflag:s16] =	dma.local @!p4 [hbm:s6], $0x16800  }
0x10f: {  	[hbm:s8], [sflag:s16] =	dma.local @!p4 [hbm:s9], $0x3C00  }
0x110: {  	[hbm:s10], [sflag:s16] =	dma.local @!p4 [hbm:s20], $0x3C00  }
0x111: {  	s16 =	simm.s32 @!p4 $0x1  }
0x112: {  	_ =	swait.ge @!p4 [sflag:s16], $0x16800  }
.Ltmp5:
0x113: {  	[sflag:s16] =	ssyncset.done @!p4 $0x0;
	(pc) =	sbr.rel .LBB2_16-.Ltmp5, $4  }
0x114: {  	[sflag:s16] =	ssyncadd.s32 @!p4 $0xFFFE9800  }
0x115: {  	_ =	swait.ge @!p4 [sflag:s16], $0x3C00  }
0x116: {  	[sflag:s16] =	ssyncset.done @!p4 $0x0  }
0x117: {  	[sflag:s16] =	ssyncadd.s32 @!p4 $0xFFFFC400  }
.LBB2_9:
0x118: {  	p3 =	sgt.s32 s1, $0x17  }
.Ltmp6:
0x119: {  	_ = 	snop;
	(pc) =	sbr.rel @p3 .LBB2_13-.Ltmp6, $1  }
0x11a: {  	_ =	sdelay $0x3  }
0x11b: {  	p3 =	sgt.s32 s1, $0x13  }
.Ltmp7:
0x11c: {  	_ = 	snop;
	(pc) =	sbr.rel @p3 .LBB2_12-.Ltmp7, $1  }
0x11d: {  	_ =	sdelay $0x3  }
0x11e: {  	p3 =	sgt.s32 s1, $0x11  }
0x11f: {  	s17 =	sld [smem:$0x7AC];
	p4 =	seq.s32 @p3 s1, $0x12  }
0x120: {  	s19 =	sld [smem:$0x7AD];
	p5 =	por !p4, !p3  }
0x121: {  	s16 =	sshll.u32 @!p5 s0, $0x6  }
0x122: {  	s16 =	sor.u32 @!p5 $0x1C01, s16  }
0x123: {  	[hbm:s17], [sflag:s16] =	dma.local @!p5 [hbm:s19], $0x16800  }
0x124: {  	s17 =	sld [smem:$0x7AE];
	_ =	sdelay $0x2  }
0x125: {  	[hbm:s17], [sflag:s16] =	dma.local @!p5 [hbm:s18], $0x3C00  }
0x126: {  	s16 =	simm.s32 @!p5 $0x1  }
0x127: {  	p4 =	por p4, !p3;
	_ =	swait.ge @!p5 [sflag:s16], $0x16800  }
0x128: {  	s17 =	sshll.u32 @!p4 s0, $0x6;
	[sflag:s16] =	ssyncset.done @!p5 $0x0  }
0x129: {  	[sflag:s16] =	ssyncadd.s32 @!p5 $0xFFFE9800;
	s16 =	sor.u32 @!p4 $0x1C01, s17;
	s17 =	sld [smem:$0x7A9]  }
0x12a: {  	_ =	sdelay $0x1  }
0x12b: {  	[hbm:s17], [sflag:s16] =	dma.local @!p4 [hbm:s21], $0x16800  }
0x12c: {  	s17 =	sld [smem:$0x7AA]  }
0x12d: {  	s19 =	sld [smem:$0x7AB];
	_ =	sdelay $0x2  }
0x12e: {  	[hbm:s17], [sflag:s16] =	dma.local @!p4 [hbm:s19], $0x3C00  }
0x12f: {  	p5 =	seq.s32 @!p3 s1, $0x10;
	s16 =	simm.s32 @!p4 $0x1  }
0x130: {  	p6 =	por !p5, p3;
	_ =	swait.ge @!p4 [sflag:s16], $0x16800  }
0x131: {  	s17 =	sshll.u32 @!p6 s0, $0x6;
	[sflag:s16] =	ssyncset.done @!p4 $0x0;
	s19 =	sld [smem:$0x7B4]  }
0x132: {  	[sflag:s16] =	ssyncadd.s32 @!p4 $0xFFFE9800;
	s16 =	sor.u32 @!p6 $0x1C01, s17;
	s17 =	sld [smem:$0x7B3]  }
0x133: {  	_ =	sdelay $0x1  }
0x134: {  	[hbm:s17], [sflag:s16] =	dma.local @!p6 [hbm:s19], $0x16800  }
0x135: {  	s17 =	sld [smem:$0x7B5];
	_ =	sdelay $0x2  }
0x136: {  	[hbm:s17], [sflag:s16] =	dma.local @!p6 [hbm:s31], $0x3C00  }
0x137: {  	s16 =	simm.s32 @!p6 $0x1  }
0x138: {  	p3 =	por p5, p3;
	_ =	swait.ge @!p6 [sflag:s16], $0x16800  }
0x139: {  	s17 =	sshll.u32 @!p3 s0, $0x6;
	[sflag:s16] =	ssyncset.done @!p6 $0x0;
	s19 =	sld [smem:$0x7B0]  }
0x13a: {  	[sflag:s16] =	ssyncadd.s32 @!p6 $0xFFFE9800;
	s16 =	sor.u32 @!p3 $0x1C01, s17;
	s17 =	sld [smem:$0x7AF]  }
0x13b: {  	_ =	sdelay $0x1  }
0x13c: {  	[hbm:s17], [sflag:s16] =	dma.local @!p3 [hbm:s19], $0x16800  }
0x13d: {  	s17 =	sld [smem:$0x7B1]  }
0x13e: {  	s19 =	sld [smem:$0x7B2];
	_ =	sdelay $0x2  }
0x13f: {  	[hbm:s17], [sflag:s16] =	dma.local @!p3 [hbm:s19], $0x3C00  }
0x140: {  	s16 =	simm.s32 @!p3 $0x1  }
.Ltmp8:
0x141: {  	_ =	swait.ge @!p3 [sflag:s16], $0x16800;
	(pc) =	sbr.rel .LBB2_16-.Ltmp8, $3  }
0x142: {  	s19 =	sld [smem:$0x7FD];
	_ =	sdelay $0x1  }
0x143: {  	[sflag:s16] =	ssyncset.done @!p3 $0x0  }
0x144: {  	[sflag:s16] =	ssyncadd.s32 @!p3 $0xFFFE9800;
	p5 =	seq.s32 s19, $0x1  }
.LBB2_6:
0x145: {  	s16 =	sld [smem:$0x798];
	_ =	sdelay $0x2  }
0x146: {  	p3 =	seq.s32 s16, $0x1  }
.Ltmp9:
0x147: {  	_ = 	snop;
	(pc) =	sbr.rel @p3 .LBB2_8-.Ltmp9, $1  }
0x148: {  	_ =	sdelay $0x3  }
0x149: {  	s17 =	sld [smem:$0x7D0]  }
0x14a: {  	s19 =	sld [smem:$0x7D1]  }
0x14b: {  	s16 =	sshll.u32 @!p1 s0, $0x6  }
0x14c: {  	s16 =	sor.u32 @!p1 $0x1C01, s16  }
0x14d: {  	[hbm:s17], [sflag:s16] =	dma.local @!p1 [hbm:s19], $0xF000  }
0x14e: {  	s17 =	sld [smem:$0x7D2];
	_ =	sdelay $0x2  }
0x14f: {  	[hbm:s17], [sflag:s16] =	dma.local @!p1 [hbm:s31], $0x7800  }
0x150: {  	s17 =	sld [smem:$0x7D3];
	_ =	sdelay $0x2  }
0x151: {  	[hbm:s17], [sflag:s16] =	dma.local @!p1 [hbm:s28], $0x3C00  }
0x152: {  	s17 =	sld [smem:$0x7D4]  }
0x153: {  	s19 =	sld [smem:$0x7D5];
	_ =	sdelay $0x2  }
0x154: {  	[hbm:s17], [sflag:s16] =	dma.local @!p1 [hbm:s19], $0x3C00  }
0x155: {  	s16 =	simm.s32 @!p1 $0x1  }
0x156: {  	_ =	swait.ge @!p1 [sflag:s16], $0xF000  }
0x157: {  	[sflag:s16] =	ssyncset.done @!p1 $0x0  }
0x158: {  	[sflag:s16] =	ssyncadd.s32 @!p1 $0xFFFF1000  }
0x159: {  	_ =	swait.ge @!p1 [sflag:s16], $0x7800  }
0x15a: {  	[sflag:s16] =	ssyncset.done @!p1 $0x0  }
0x15b: {  	[sflag:s16] =	ssyncadd.s32 @!p1 $0xFFFF8800  }
0x15c: {  	_ =	swait.ge @!p1 [sflag:s16], $0x3C00  }
0x15d: {  	s19 =	sld [smem:$0x791];
	_ =	sdelay $0x2  }
0x15e: {  	p3 =	seq.s32 s19, $0x1  }
0x15f: {  	[sflag:s16] =	ssyncset.done @!p1 $0x0;
	s19 =	sld [smem:$0x7CC];
	s17 =	sshll.u32 @!p3 s0, $0x6  }
0x160: {  	[sflag:s16] =	ssyncadd.s32 @!p1 $0xFFFFC400;
	s16 =	sor.u32 @!p3 $0x1C01, s17;
	s17 =	sld [smem:$0x7CB]  }
0x161: {  	_ =	sdelay $0x1  }
0x162: {  	[hbm:s17], [sflag:s16] =	dma.local @!p3 [hbm:s19], $0x16800  }
0x163: {  	s17 =	sld [smem:$0x7CD]  }
0x164: {  	s19 =	sld [smem:$0x7CE];
	_ =	sdelay $0x2  }
0x165: {  	[hbm:s17], [sflag:s16] =	dma.local @!p3 [hbm:s19], $0x3C00  }
0x166: {  	s17 =	sld [smem:$0x7CF];
	_ =	sdelay $0x2  }
0x167: {  	[hbm:s17], [sflag:s16] =	dma.local @!p3 [hbm:s14], $0x3C00  }
0x168: {  	s16 =	simm.s32 @!p3 $0x1  }
0x169: {  	_ =	swait.ge @!p3 [sflag:s16], $0x16800  }
0x16a: {  	[sflag:s16] =	ssyncset.done @!p3 $0x0  }
0x16b: {  	[sflag:s16] =	ssyncadd.s32 @!p3 $0xFFFE9800  }
0x16c: {  	_ =	swait.ge @!p3 [sflag:s16], $0x3C00  }
0x16d: {  	s19 =	sld [smem:$0x792];
	_ =	sdelay $0x2  }
0x16e: {  	p4 =	seq.s32 s19, $0x1  }
0x16f: {  	[sflag:s16] =	ssyncset.done @!p3 $0x0;
	s19 =	sld [smem:$0x7DC];
	s17 =	sshll.u32 @!p4 s0, $0x6  }
0x170: {  	[sflag:s16] =	ssyncadd.s32 @!p3 $0xFFFFC400;
	s16 =	sor.u32 @!p4 $0x1C01, s17;
	s17 =	sld [smem:$0x7DB]  }
0x171: {  	_ =	sdelay $0x1  }
0x172: {  	[hbm:s17], [sflag:s16] =	dma.local @!p4 [hbm:s19], $0x16800  }
0x173: {  	s17 =	sld [smem:$0x7DD]  }
0x174: {  	s19 =	sld [smem:$0x7DE];
	_ =	sdelay $0x2  }
0x175: {  	[hbm:s17], [sflag:s16] =	dma.local @!p4 [hbm:s19], $0x3C00  }
0x176: {  	s17 =	sld [smem:$0x7DF]  }
0x177: {  	s19 =	sld [smem:$0x7E0];
	_ =	sdelay $0x2  }
0x178: {  	[hbm:s17], [sflag:s16] =	dma.local @!p4 [hbm:s19], $0x3C00  }
0x179: {  	s16 =	simm.s32 @!p4 $0x1  }
0x17a: {  	_ =	swait.ge @!p4 [sflag:s16], $0x16800  }
0x17b: {  	[sflag:s16] =	ssyncset.done @!p4 $0x0  }
0x17c: {  	[sflag:s16] =	ssyncadd.s32 @!p4 $0xFFFE9800  }
0x17d: {  	_ =	swait.ge @!p4 [sflag:s16], $0x3C00  }
0x17e: {  	s19 =	sld [smem:$0x793];
	_ =	sdelay $0x2  }
0x17f: {  	p3 =	seq.s32 s19, $0x1  }
0x180: {  	[sflag:s16] =	ssyncset.done @!p4 $0x0;
	s17 =	sshll.u32 @!p3 s0, $0x6  }
0x181: {  	[sflag:s16] =	ssyncadd.s32 @!p4 $0xFFFFC400;
	s16 =	sor.u32 @!p3 $0x1C01, s17;
	s17 =	sld [smem:$0x7D6]  }
0x182: {  	_ =	sdelay $0x1  }
0x183: {  	[hbm:s17], [sflag:s16] =	dma.local @!p3 [hbm:s26], $0x16800  }
0x184: {  	s17 =	sld [smem:$0x7D7]  }
0x185: {  	s19 =	sld [smem:$0x7D8];
	_ =	sdelay $0x2  }
0x186: {  	[hbm:s17], [sflag:s16] =	dma.local @!p3 [hbm:s19], $0x3C00  }
0x187: {  	s17 =	sld [smem:$0x7D9]  }
0x188: {  	s19 =	sld [smem:$0x7DA];
	_ =	sdelay $0x2  }
0x189: {  	[hbm:s17], [sflag:s16] =	dma.local @!p3 [hbm:s19], $0x3C00  }
0x18a: {  	s16 =	simm.s32 @!p3 $0x1  }
0x18b: {  	_ =	swait.ge @!p3 [sflag:s16], $0x16800  }
.Ltmp10:
0x18c: {  	[sflag:s16] =	ssyncset.done @!p3 $0x0;
	(pc) =	sbr.rel .LBB2_16-.Ltmp10, $4  }
0x18d: {  	[sflag:s16] =	ssyncadd.s32 @!p3 $0xFFFE9800  }
0x18e: {  	_ =	swait.ge @!p3 [sflag:s16], $0x3C00  }
0x18f: {  	[sflag:s16] =	ssyncset.done @!p3 $0x0  }
0x190: {  	[sflag:s16] =	ssyncadd.s32 @!p3 $0xFFFFC400  }
.LBB2_13:
0x191: {  	p3 =	sgt.s32 s1, $0x1B  }
.Ltmp11:
0x192: {  	_ = 	snop;
	(pc) =	sbr.rel @p3 .LBB2_15-.Ltmp11, $1  }
0x193: {  	_ =	sdelay $0x3  }
0x194: {  	p3 =	sgt.s32 s1, $0x19  }
0x195: {  	p4 =	seq.s32 @p3 s1, $0x1A  }
0x196: {  	p5 =	por !p4, !p3  }
0x197: {  	s17 =	rddreg [dreg:$0x15];
	s16 =	sshll.u32 @!p5 s0, $0x6  }
0x198: {  	s19 =	rddreg [dreg:$0x16];
	s16 =	sor.u32 @!p5 $0x1C01, s16  }
0x199: {  	[hbm:s17], [sflag:s16] =	dma.local @!p5 [hbm:s19], $0x16800  }
0x19a: {  	s17 =	rddreg [dreg:$0x17]  }
0x19b: {  	s19 =	rddreg [dreg:$0x18]  }
0x19c: {  	[hbm:s17], [sflag:s16] =	dma.local @!p5 [hbm:s19], $0x3C00  }
0x19d: {  	s16 =	simm.s32 @!p5 $0x1  }
0x19e: {  	p4 =	por p4, !p3;
	_ =	swait.ge @!p5 [sflag:s16], $0x16800  }
0x19f: {  	s17 =	sshll.u32 @!p4 s0, $0x6;
	[sflag:s16] =	ssyncset.done @!p5 $0x0;
	s19 =	rddreg [dreg:$0x12]  }
0x1a0: {  	[sflag:s16] =	ssyncadd.s32 @!p5 $0xFFFE9800;
	s16 =	sor.u32 @!p4 $0x1C01, s17;
	s17 =	rddreg [dreg:$0x11]  }
0x1a1: {  	[hbm:s17], [sflag:s16] =	dma.local @!p4 [hbm:s19], $0x16800  }
0x1a2: {  	s17 =	rddreg [dreg:$0x13]  }
0x1a3: {  	s19 =	rddreg [dreg:$0x14]  }
0x1a4: {  	[hbm:s17], [sflag:s16] =	dma.local @!p4 [hbm:s19], $0x3C00  }
0x1a5: {  	p5 =	seq.s32 @!p3 s1, $0x18;
	s16 =	simm.s32 @!p4 $0x1  }
0x1a6: {  	p6 =	por !p5, p3;
	_ =	swait.ge @!p4 [sflag:s16], $0x16800  }
0x1a7: {  	s17 =	sshll.u32 @!p6 s0, $0x6;
	[sflag:s16] =	ssyncset.done @!p4 $0x0  }
0x1a8: {  	[sflag:s16] =	ssyncadd.s32 @!p4 $0xFFFE9800;
	s16 =	sor.u32 @!p6 $0x1C01, s17;
	s17 =	rddreg [dreg:$0x1d]  }
0x1a9: {  	[hbm:s17], [sflag:s16] =	dma.local @!p6 [hbm:s11], $0x16800  }
0x1aa: {  	s19 =	sld [smem:$0x79A];
	_ =	sdelay $0x1  }
0x1ab: {  	s17 =	rddreg [dreg:$0x1e]  }
0x1ac: {  	[hbm:s19], [sflag:s16] =	dma.local @!p6 [hbm:s17], $0x3C00  }
0x1ad: {  	s16 =	simm.s32 @!p6 $0x1  }
0x1ae: {  	p3 =	por p5, p3;
	_ =	swait.ge @!p6 [sflag:s16], $0x16800  }
0x1af: {  	s17 =	sshll.u32 @!p3 s0, $0x6;
	[sflag:s16] =	ssyncset.done @!p6 $0x0;
	s19 =	rddreg [dreg:$0x1a]  }
0x1b0: {  	[sflag:s16] =	ssyncadd.s32 @!p6 $0xFFFE9800;
	s16 =	sor.u32 @!p3 $0x1C01, s17;
	s17 =	rddreg [dreg:$0x19]  }
0x1b1: {  	[hbm:s17], [sflag:s16] =	dma.local @!p3 [hbm:s19], $0x16800  }
0x1b2: {  	s17 =	rddreg [dreg:$0x1b]  }
0x1b3: {  	s19 =	rddreg [dreg:$0x1c]  }
0x1b4: {  	[hbm:s17], [sflag:s16] =	dma.local @!p3 [hbm:s19], $0x3C00  }
0x1b5: {  	s16 =	simm.s32 @!p3 $0x1  }
.Ltmp12:
0x1b6: {  	_ =	swait.ge @!p3 [sflag:s16], $0x16800;
	(pc) =	sbr.rel .LBB2_16-.Ltmp12, $3  }
0x1b7: {  	s19 =	sld [smem:$0x7FD];
	_ =	sdelay $0x1  }
0x1b8: {  	[sflag:s16] =	ssyncset.done @!p3 $0x0  }
0x1b9: {  	[sflag:s16] =	ssyncadd.s32 @!p3 $0xFFFE9800;
	p5 =	seq.s32 s19, $0x1  }
.LBB2_5:
0x1ba: {  	s16 =	sld [smem:$0x78D];
	_ =	sdelay $0x1  }
0x1bb: {  	s17 =	sld [smem:$0x7E6]  }
0x1bc: {  	s19 =	sld [smem:$0x7E7];
	p3 =	seq.s32 s16, $0x1  }
0x1bd: {  	s16 =	sshll.u32 @!p3 s0, $0x6  }
0x1be: {  	s16 =	sor.u32 @!p3 $0x1C01, s16  }
0x1bf: {  	[hbm:s17], [sflag:s16] =	dma.local @!p3 [hbm:s19], $0x16800  }
0x1c0: {  	s17 =	sld [smem:$0x7E8]  }
0x1c1: {  	s19 =	sld [smem:$0x7E9];
	_ =	sdelay $0x2  }
0x1c2: {  	[hbm:s17], [sflag:s16] =	dma.local @!p3 [hbm:s19], $0x3C00  }
0x1c3: {  	s17 =	sld [smem:$0x7EA]  }
0x1c4: {  	s19 =	sld [smem:$0x7EB];
	_ =	sdelay $0x2  }
0x1c5: {  	[hbm:s17], [sflag:s16] =	dma.local @!p3 [hbm:s19], $0x3C00  }
0x1c6: {  	s16 =	simm.s32 @!p3 $0x1  }
0x1c7: {  	_ =	swait.ge @!p3 [sflag:s16], $0x16800  }
0x1c8: {  	[sflag:s16] =	ssyncset.done @!p3 $0x0  }
0x1c9: {  	[sflag:s16] =	ssyncadd.s32 @!p3 $0xFFFE9800  }
0x1ca: {  	_ =	swait.ge @!p3 [sflag:s16], $0x3C00  }
0x1cb: {  	s19 =	sld [smem:$0x78E];
	_ =	sdelay $0x2  }
0x1cc: {  	p4 =	seq.s32 s19, $0x1  }
0x1cd: {  	[sflag:s16] =	ssyncset.done @!p3 $0x0;
	s17 =	sshll.u32 @!p4 s0, $0x6  }
0x1ce: {  	[sflag:s16] =	ssyncadd.s32 @!p3 $0xFFFFC400;
	s16 =	sor.u32 @!p4 $0x1C01, s17;
	s17 =	sld [smem:$0x7E1]  }
0x1cf: {  	_ =	sdelay $0x1  }
0x1d0: {  	[hbm:s17], [sflag:s16] =	dma.local @!p4 [hbm:s28], $0x16800  }
0x1d1: {  	s17 =	sld [smem:$0x7E2]  }
0x1d2: {  	s19 =	sld [smem:$0x7E3];
	_ =	sdelay $0x2  }
0x1d3: {  	[hbm:s17], [sflag:s16] =	dma.local @!p4 [hbm:s19], $0x3C00  }
0x1d4: {  	s17 =	sld [smem:$0x7E4]  }
0x1d5: {  	s19 =	sld [smem:$0x7E5];
	_ =	sdelay $0x2  }
0x1d6: {  	[hbm:s17], [sflag:s16] =	dma.local @!p4 [hbm:s19], $0x3C00  }
0x1d7: {  	s16 =	simm.s32 @!p4 $0x1  }
0x1d8: {  	_ =	swait.ge @!p4 [sflag:s16], $0x16800  }
0x1d9: {  	[sflag:s16] =	ssyncset.done @!p4 $0x0  }
0x1da: {  	[sflag:s16] =	ssyncadd.s32 @!p4 $0xFFFE9800  }
0x1db: {  	_ =	swait.ge @!p4 [sflag:s16], $0x3C00  }
0x1dc: {  	s19 =	sld [smem:$0x78F];
	_ =	sdelay $0x2  }
0x1dd: {  	p3 =	seq.s32 s19, $0x1  }
0x1de: {  	[sflag:s16] =	ssyncset.done @!p4 $0x0;
	s19 =	sld [smem:$0x7F3];
	s17 =	sshll.u32 @!p3 s0, $0x6  }
0x1df: {  	[sflag:s16] =	ssyncadd.s32 @!p4 $0xFFFFC400;
	s16 =	sor.u32 @!p3 $0x1C01, s17;
	s17 =	sld [smem:$0x7F2]  }
0x1e0: {  	_ =	sdelay $0x1  }
0x1e1: {  	[hbm:s17], [sflag:s16] =	dma.local @!p3 [hbm:s19], $0x16800  }
0x1e2: {  	s17 =	sld [smem:$0x7F4]  }
0x1e3: {  	s19 =	sld [smem:$0x7F5];
	_ =	sdelay $0x2  }
0x1e4: {  	[hbm:s17], [sflag:s16] =	dma.local @!p3 [hbm:s19], $0x3C00  }
0x1e5: {  	s17 =	sld [smem:$0x7F6];
	_ =	sdelay $0x2  }
0x1e6: {  	[hbm:s17], [sflag:s16] =	dma.local @!p3 [hbm:s11], $0x3C00  }
0x1e7: {  	s16 =	simm.s32 @!p3 $0x1  }
0x1e8: {  	_ =	swait.ge @!p3 [sflag:s16], $0x16800  }
0x1e9: {  	[sflag:s16] =	ssyncset.done @!p3 $0x0  }
0x1ea: {  	[sflag:s16] =	ssyncadd.s32 @!p3 $0xFFFE9800  }
0x1eb: {  	_ =	swait.ge @!p3 [sflag:s16], $0x3C00  }
0x1ec: {  	s19 =	sld [smem:$0x790];
	_ =	sdelay $0x2  }
0x1ed: {  	p4 =	seq.s32 s19, $0x1  }
0x1ee: {  	[sflag:s16] =	ssyncset.done @!p3 $0x0;
	s19 =	sld [smem:$0x7ED];
	s17 =	sshll.u32 @!p4 s0, $0x6  }
0x1ef: {  	[sflag:s16] =	ssyncadd.s32 @!p3 $0xFFFFC400;
	s16 =	sor.u32 @!p4 $0x1C01, s17;
	s17 =	sld [smem:$0x7EC]  }
0x1f0: {  	_ =	sdelay $0x1  }
0x1f1: {  	[hbm:s17], [sflag:s16] =	dma.local @!p4 [hbm:s19], $0x16800  }
0x1f2: {  	s17 =	sld [smem:$0x7EE]  }
0x1f3: {  	s19 =	sld [smem:$0x7EF];
	_ =	sdelay $0x2  }
0x1f4: {  	[hbm:s17], [sflag:s16] =	dma.local @!p4 [hbm:s19], $0x3C00  }
0x1f5: {  	s17 =	sld [smem:$0x7F0]  }
0x1f6: {  	s19 =	sld [smem:$0x7F1];
	_ =	sdelay $0x2  }
0x1f7: {  	[hbm:s17], [sflag:s16] =	dma.local @!p4 [hbm:s19], $0x3C00  }
0x1f8: {  	s16 =	simm.s32 @!p4 $0x1  }
0x1f9: {  	_ =	swait.ge @!p4 [sflag:s16], $0x16800  }
.Ltmp13:
0x1fa: {  	[sflag:s16] =	ssyncset.done @!p4 $0x0;
	(pc) =	sbr.rel .LBB2_16-.Ltmp13, $4  }
0x1fb: {  	[sflag:s16] =	ssyncadd.s32 @!p4 $0xFFFE9800  }
0x1fc: {  	_ =	swait.ge @!p4 [sflag:s16], $0x3C00  }
0x1fd: {  	[sflag:s16] =	ssyncset.done @!p4 $0x0  }
0x1fe: {  	[sflag:s16] =	ssyncadd.s32 @!p4 $0xFFFFC400  }
.LBB2_12:
0x1ff: {  	p3 =	sgt.s32 s1, $0x15  }
0x200: {  	p4 =	seq.s32 @p3 s1, $0x16  }
0x201: {  	s17 =	sld [smem:$0x79D];
	p5 =	por !p4, !p3  }
0x202: {  	s16 =	sshll.u32 @!p5 s0, $0x6  }
0x203: {  	s16 =	sor.u32 @!p5 $0x1C01, s16  }
0x204: {  	[hbm:s17], [sflag:s16] =	dma.local @!p5 [hbm:s20], $0x16800  }
0x205: {  	s17 =	sld [smem:$0x79E]  }
0x206: {  	s19 =	sld [smem:$0x79F];
	_ =	sdelay $0x2  }
0x207: {  	[hbm:s17], [sflag:s16] =	dma.local @!p5 [hbm:s19], $0x3C00  }
0x208: {  	s16 =	simm.s32 @!p5 $0x1  }
0x209: {  	_ =	swait.ge @!p5 [sflag:s16], $0x16800  }
0x20a: {  	p4 =	por p4, !p3;
	s19 =	sld [smem:$0x799]  }
0x20b: {  	s17 =	sshll.u32 @!p4 s0, $0x6;
	[sflag:s16] =	ssyncset.done @!p5 $0x0  }
0x20c: {  	[sflag:s16] =	ssyncadd.s32 @!p5 $0xFFFE9800;
	s16 =	sor.u32 @!p4 $0x1C01, s17;
	s17 =	rddreg [dreg:$0x1f]  }
0x20d: {  	[hbm:s17], [sflag:s16] =	dma.local @!p4 [hbm:s19], $0x16800  }
0x20e: {  	s17 =	sld [smem:$0x79B]  }
0x20f: {  	s19 =	sld [smem:$0x79C];
	_ =	sdelay $0x2  }
0x210: {  	[hbm:s17], [sflag:s16] =	dma.local @!p4 [hbm:s19], $0x3C00  }
0x211: {  	p5 =	seq.s32 @!p3 s1, $0x14;
	s16 =	simm.s32 @!p4 $0x1  }
0x212: {  	p6 =	por !p5, p3;
	_ =	swait.ge @!p4 [sflag:s16], $0x16800  }
0x213: {  	s17 =	sshll.u32 @!p6 s0, $0x6;
	[sflag:s16] =	ssyncset.done @!p4 $0x0;
	s19 =	sld [smem:$0x7A6]  }
0x214: {  	[sflag:s16] =	ssyncadd.s32 @!p4 $0xFFFE9800;
	s16 =	sor.u32 @!p6 $0x1C01, s17;
	s17 =	sld [smem:$0x7A5]  }
0x215: {  	_ =	sdelay $0x1  }
0x216: {  	[hbm:s17], [sflag:s16] =	dma.local @!p6 [hbm:s19], $0x16800  }
0x217: {  	s17 =	sld [smem:$0x7A7]  }
0x218: {  	s19 =	sld [smem:$0x7A8];
	_ =	sdelay $0x2  }
0x219: {  	[hbm:s17], [sflag:s16] =	dma.local @!p6 [hbm:s19], $0x3C00  }
0x21a: {  	s16 =	simm.s32 @!p6 $0x1  }
0x21b: {  	p3 =	por p5, p3;
	_ =	swait.ge @!p6 [sflag:s16], $0x16800  }
0x21c: {  	s17 =	sshll.u32 @!p3 s0, $0x6;
	[sflag:s16] =	ssyncset.done @!p6 $0x0;
	s19 =	sld [smem:$0x7A1]  }
0x21d: {  	[sflag:s16] =	ssyncadd.s32 @!p6 $0xFFFE9800;
	s16 =	sor.u32 @!p3 $0x1C01, s17;
	s17 =	sld [smem:$0x7A0]  }
0x21e: {  	_ =	sdelay $0x1  }
0x21f: {  	[hbm:s17], [sflag:s16] =	dma.local @!p3 [hbm:s19], $0x7800  }
0x220: {  	s17 =	sld [smem:$0x7A2];
	_ =	sdelay $0x2  }
0x221: {  	[hbm:s17], [sflag:s16] =	dma.local @!p3 [hbm:s29], $0xF000  }
0x222: {  	s17 =	sld [smem:$0x7A3]  }
0x223: {  	s19 =	sld [smem:$0x7A4];
	_ =	sdelay $0x2  }
0x224: {  	[hbm:s17], [sflag:s16] =	dma.local @!p3 [hbm:s19], $0x3C00  }
0x225: {  	s16 =	simm.s32 @!p3 $0x1  }
0x226: {  	_ =	swait.ge @!p3 [sflag:s16], $0x7800  }
0x227: {  	[sflag:s16] =	ssyncset.done @!p3 $0x0  }
0x228: {  	[sflag:s16] =	ssyncadd.s32 @!p3 $0xFFFF8800  }
.Ltmp14:
0x229: {  	_ =	swait.ge @!p3 [sflag:s16], $0xF000;
	(pc) =	sbr.rel .LBB2_16-.Ltmp14, $3  }
0x22a: {  	s19 =	sld [smem:$0x7FD];
	_ =	sdelay $0x1  }
0x22b: {  	[sflag:s16] =	ssyncset.done @!p3 $0x0  }
0x22c: {  	[sflag:s16] =	ssyncadd.s32 @!p3 $0xFFFF1000;
	p5 =	seq.s32 s19, $0x1  }
.LBB2_8:
0x22d: {  	s16 =	sld [smem:$0x794];
	_ =	sdelay $0x1  }
0x22e: {  	s17 =	sld [smem:$0x7BC]  }
0x22f: {  	s19 =	sld [smem:$0x7BD];
	p3 =	seq.s32 s16, $0x1  }
0x230: {  	s16 =	sshll.u32 @!p3 s0, $0x6  }
0x231: {  	s16 =	sor.u32 @!p3 $0x1C01, s16  }
0x232: {  	[hbm:s17], [sflag:s16] =	dma.local @!p3 [hbm:s19], $0x16800  }
0x233: {  	s17 =	sld [smem:$0x7BE]  }
0x234: {  	s19 =	sld [smem:$0x7BF];
	_ =	sdelay $0x2  }
0x235: {  	[hbm:s17], [sflag:s16] =	dma.local @!p3 [hbm:s19], $0x3C00  }
0x236: {  	s17 =	sld [smem:$0x7C0];
	_ =	sdelay $0x2  }
0x237: {  	[hbm:s17], [sflag:s16] =	dma.local @!p3 [hbm:s7], $0x3C00  }
0x238: {  	s16 =	simm.s32 @!p3 $0x1  }
0x239: {  	_ =	swait.ge @!p3 [sflag:s16], $0x16800  }
0x23a: {  	[sflag:s16] =	ssyncset.done @!p3 $0x0  }
0x23b: {  	[sflag:s16] =	ssyncadd.s32 @!p3 $0xFFFE9800  }
0x23c: {  	_ =	swait.ge @!p3 [sflag:s16], $0x3C00  }
0x23d: {  	s19 =	sld [smem:$0x795];
	_ =	sdelay $0x2  }
0x23e: {  	p4 =	seq.s32 s19, $0x1  }
0x23f: {  	[sflag:s16] =	ssyncset.done @!p3 $0x0;
	s19 =	sld [smem:$0x7B7];
	s17 =	sshll.u32 @!p4 s0, $0x6  }
0x240: {  	[sflag:s16] =	ssyncadd.s32 @!p3 $0xFFFFC400;
	s16 =	sor.u32 @!p4 $0x1C01, s17;
	s17 =	sld [smem:$0x7B6]  }
0x241: {  	_ =	sdelay $0x1  }
0x242: {  	[hbm:s17], [sflag:s16] =	dma.local @!p4 [hbm:s19], $0x16800  }
0x243: {  	s17 =	sld [smem:$0x7B8]  }
0x244: {  	s19 =	sld [smem:$0x7B9];
	_ =	sdelay $0x2  }
0x245: {  	[hbm:s17], [sflag:s16] =	dma.local @!p4 [hbm:s19], $0x3C00  }
0x246: {  	s17 =	sld [smem:$0x7BA]  }
0x247: {  	s19 =	sld [smem:$0x7BB];
	_ =	sdelay $0x2  }
0x248: {  	[hbm:s17], [sflag:s16] =	dma.local @!p4 [hbm:s19], $0x3C00  }
0x249: {  	s16 =	simm.s32 @!p4 $0x1  }
0x24a: {  	_ =	swait.ge @!p4 [sflag:s16], $0x16800  }
0x24b: {  	[sflag:s16] =	ssyncset.done @!p4 $0x0  }
0x24c: {  	[sflag:s16] =	ssyncadd.s32 @!p4 $0xFFFE9800  }
0x24d: {  	_ =	swait.ge @!p4 [sflag:s16], $0x3C00  }
0x24e: {  	s17 =	sshll.u32 @!p0 s0, $0x6;
	[sflag:s16] =	ssyncset.done @!p4 $0x0  }
0x24f: {  	[sflag:s16] =	ssyncadd.s32 @!p4 $0xFFFFC400;
	s16 =	sor.u32 @!p0 $0x1C01, s17;
	s17 =	sld [smem:$0x7C6]  }
0x250: {  	_ =	sdelay $0x1  }
0x251: {  	[hbm:s17], [sflag:s16] =	dma.local @!p0 [hbm:s18], $0x16800  }
0x252: {  	s17 =	sld [smem:$0x7C7]  }
0x253: {  	s19 =	sld [smem:$0x7C8];
	_ =	sdelay $0x2  }
0x254: {  	[hbm:s17], [sflag:s16] =	dma.local @!p0 [hbm:s19], $0x3C00  }
0x255: {  	s17 =	sld [smem:$0x7C9]  }
0x256: {  	s19 =	sld [smem:$0x7CA];
	_ =	sdelay $0x2  }
0x257: {  	[hbm:s17], [sflag:s16] =	dma.local @!p0 [hbm:s19], $0x3C00  }
0x258: {  	s16 =	simm.s32 @!p0 $0x1  }
0x259: {  	_ =	swait.ge @!p0 [sflag:s16], $0x16800  }
0x25a: {  	[sflag:s16] =	ssyncset.done @!p0 $0x0  }
0x25b: {  	[sflag:s16] =	ssyncadd.s32 @!p0 $0xFFFE9800  }
0x25c: {  	_ =	swait.ge @!p0 [sflag:s16], $0x3C00  }
0x25d: {  	s17 =	sshll.u32 @!p2 s0, $0x6;
	[sflag:s16] =	ssyncset.done @!p0 $0x0;
	s19 =	sld [smem:$0x7C2]  }
0x25e: {  	[sflag:s16] =	ssyncadd.s32 @!p0 $0xFFFFC400;
	s16 =	sor.u32 @!p2 $0x1C01, s17;
	s17 =	sld [smem:$0x7C1]  }
0x25f: {  	_ =	sdelay $0x1  }
0x260: {  	[hbm:s17], [sflag:s16] =	dma.local @!p2 [hbm:s19], $0x16800  }
0x261: {  	s17 =	sld [smem:$0x7C3];
	_ =	sdelay $0x2  }
0x262: {  	[hbm:s17], [sflag:s16] =	dma.local @!p2 [hbm:s26], $0x3C00  }
0x263: {  	s17 =	sld [smem:$0x7C4]  }
0x264: {  	s19 =	sld [smem:$0x7C5];
	_ =	sdelay $0x2  }
0x265: {  	[hbm:s17], [sflag:s16] =	dma.local @!p2 [hbm:s19], $0x3C00  }
0x266: {  	s16 =	simm.s32 @!p2 $0x1  }
0x267: {  	_ =	swait.ge @!p2 [sflag:s16], $0x16800  }
.Ltmp15:
0x268: {  	[sflag:s16] =	ssyncset.done @!p2 $0x0;
	(pc) =	sbr.rel .LBB2_16-.Ltmp15, $4  }
0x269: {  	[sflag:s16] =	ssyncadd.s32 @!p2 $0xFFFE9800  }
0x26a: {  	_ =	swait.ge @!p2 [sflag:s16], $0x3C00  }
0x26b: {  	[sflag:s16] =	ssyncset.done @!p2 $0x0  }
0x26c: {  	[sflag:s16] =	ssyncadd.s32 @!p2 $0xFFFFC400  }
.LBB2_17:
0x26d: {  	_ =	sfence.sel $0x180000  }
0x26e: {  	[bflag:$0x0] =	sbarrier.arrive $0xFFFF  }
0x26f: {  	_ =	strace $0x90000047  }
0x270: {  	[bflag:$0x2] =	sbarrier.arrive $0xFFFF  }
0x271: {  	p0 =	sne.s32 s0, $0x0;
	s0 =	rddreg [dreg:$0x3]  }
0x272: {  	s0 =	sadd.s32 @!p0 $0x100000, s0  }
0x273: {  	[sflag:s0] =	ssyncadd.tile.s32 @!p0 $0x1;
	_ =	shalt  }
.Lfunc_end2:
_tile_overlayer_lowered:
.L_overlay_start_2:
0x274: {  	(tag) =	ssettag $0x2  }
0x275: {  	s0 =	rddreg [dreg:$0x0];
	s2 =	stileid.u32  }
0x276: {  	s1 =	rddreg [dreg:$0x1];
	p0 =	sne.s32 s2, $0x0  }
0x277: {  	s3 =	rddreg [dreg:$0x2];
	[bflag:$0x3] =	sbarrier.arrive $0xFFFF;
	s2 =	simm.s32 @!p0 $0x1C02  }
0x278: {  	[timem:s3], [sflag:s2] =	dma.local @!p0 [hbm:s0], s1  }
0x279: {  	s0 =	simm.s32 @!p0 $0x2  }
0x27a: {  	_ =	swait.ge @!p0 [sflag:s0], s1  }
0x27b: {  	s1 =	ssub.s32 @!p0 $0x0, s1;
	[sflag:s0] =	ssyncset.done @!p0 $0x0  }
0x27c: {  	[sflag:s0] =	ssyncadd.s32 @!p0 s1  }
0x27d: {  	[bflag:$0x3] =	sbarrier.arrive $0xFFFF  }
0x27e: {  	_ =	shalt  }

</sc_bundles>
